<compile_context>
chip_gen: v7x
topology: tpu7x:2x2x1
jax: 0.10.2.dev20260603
libtpu: 0.0.44.dev20260713+nightly
codegen_flags: <defaults>
</compile_context>

<pallas_src>
import functools

import jax
import jax.numpy as jnp
from jax import lax
from jax.experimental import pallas as pl
from jax.experimental.pallas import tpu as pltpu
from jax.experimental.pallas import tpu_sc as plsc

D = 5000
B = 4 * 2048
NC, NS = 2, 16
NW = NC * NS
B_PER_W = B // NW
CHUNK = 8
LANE_W = 1280
N_CH = B_PER_W // CHUNK
NLH = 4
NSTEP = N_CH * NLH
NBUF = 8


def _sc_gather(idx_flat, C):
    mesh = plsc.VectorSubcoreMesh(core_axis_name="c", subcore_axis_name="s")

    @functools.partial(
        pl.kernel,
        out_type=jax.ShapeDtypeStruct((B, D), jnp.float32),
        mesh=mesh,
        compiler_params=pltpu.CompilerParams(disable_bounds_checks=True),
        scratch_types=[
            pltpu.VMEM((B_PER_W,), jnp.int32),
            [pltpu.VMEM((CHUNK, LANE_W), jnp.float32) for _ in range(NBUF)],
            [pltpu.SemaphoreType.DMA for _ in range(NBUF)],
            [pltpu.SemaphoreType.DMA for _ in range(NBUF)],
        ],
    )
    def k(table_hbm, idx_hbm, out_hbm, idx_v, bufs, gsems, wsems):
        wid = lax.axis_index("s") * NC + lax.axis_index("c")
        base = wid * B_PER_W
        pltpu.sync_copy(idx_hbm.at[pl.ds(base, B_PER_W)], idx_v)

        def gdesc(s, p):
            c = s // NLH
            h = s % NLH
            lane = pl.multiple_of(h * LANE_W, 128)
            return pltpu.make_async_copy(
                table_hbm.at[idx_v.at[pl.ds(c * CHUNK, CHUNK)], pl.ds(lane, LANE_W)],
                bufs[p],
                gsems[p],
            )

        def wdesc(s, p):
            c = s // NLH
            h = s % NLH
            lane = pl.multiple_of(h * LANE_W, 128)
            return pltpu.make_async_copy(
                bufs[p],
                out_hbm.at[pl.ds(base + c * CHUNK, CHUNK), pl.ds(lane, LANE_W)],
                wsems[p],
            )

        zero = wid * 0
        for p in range(NBUF):
            gdesc(zero + p, p).start()

        @pl.loop(0, NSTEP - NBUF, step=NBUF)
        def _(s):
            for p in range(NBUF):
                gdesc(s + p, p).wait()
                wdesc(s + p, p).start()
            for p in range(NBUF):
                wdesc(s + p, p).wait()
                gdesc(s + NBUF + p, p).start()

        for p in range(NBUF):
            gdesc(zero + NSTEP - NBUF + p, p).wait()
            wdesc(zero + NSTEP - NBUF + p, p).start()
        for p in range(NBUF):
            wdesc(zero + NSTEP - NBUF + p, p).wait()

    return k(C, idx_flat)


def kernel(x, C):
    idx = x.reshape(-1).astype(jnp.int32)
    out = _sc_gather(idx, C)
    return out.reshape(x.shape[0], x.shape[1], D)

# --- scband reference (transcript-rebuilt; emitter-appended) ---
"""Pipeline reference for scband-bi-gram-language-model-21921513078879 (READ-ONLY COPY).

The authoritative reference and input builder live on the scoring server;
editing this copy changes nothing except your own understanding.
"""

import jax, jax.numpy as jnp
import numpy as np

VOCAB_SIZE = 5000
BATCH = 4
SEQ_LEN = 2048

def setup_inputs(seed: int = 0) -> dict:
    key = jax.random.key(seed)
    k1, k2 = jax.random.split(key)
    x = jax.random.randint(k1, (BATCH, SEQ_LEN), 0, VOCAB_SIZE, dtype=jnp.int64 if jax.config.jax_enable_x64 else jnp.int32)
    # nn.Embedding default init: N(0, 1)
    C = jax.random.normal(k2, (VOCAB_SIZE, VOCAB_SIZE), dtype=jnp.float32)
    return {"x": x, "C": C}

def reference(x, C):
    # out = self.C(x)  -> embedding lookup
    out = jnp.take(C, x, axis=0)
    return out

if __name__ == "__main__":
    import jax
    _d = setup_inputs()
    print(jax.jit(kernel)(*tuple(_d.values())))

</pallas_src>

<mosaic_0001>
#map = affine_map<(d0, d1) -> (0, 0)>
#map1 = affine_map<(d0, d1) -> (0)>
module attributes {stable_mosaic.version = 14 : i64} {
  func.func @k(%arg0: i32, %arg1: i32, %arg2: memref<5000x5000xf32, #tpu.memory_space<hbm>>, %arg3: memref<8192xi32, #tpu.memory_space<hbm>>, %arg4: memref<8192x5000xf32, #tpu.memory_space<hbm>>, %arg5: memref<256xi32, #tpu.memory_space<vmem>>, %arg6: memref<8x1280xf32, #tpu.memory_space<vmem>>, %arg7: memref<8x1280xf32, #tpu.memory_space<vmem>>, %arg8: memref<8x1280xf32, #tpu.memory_space<vmem>>, %arg9: memref<8x1280xf32, #tpu.memory_space<vmem>>, %arg10: memref<8x1280xf32, #tpu.memory_space<vmem>>, %arg11: memref<8x1280xf32, #tpu.memory_space<vmem>>, %arg12: memref<8x1280xf32, #tpu.memory_space<vmem>>, %arg13: memref<8x1280xf32, #tpu.memory_space<vmem>>, %arg14: memref<!tpu.dma_semaphore, #tpu.memory_space<semaphore_mem>>, %arg15: memref<!tpu.dma_semaphore, #tpu.memory_space<semaphore_mem>>, %arg16: memref<!tpu.dma_semaphore, #tpu.memory_space<semaphore_mem>>, %arg17: memref<!tpu.dma_semaphore, #tpu.memory_space<semaphore_mem>>, %arg18: memref<!tpu.dma_semaphore, #tpu.memory_space<semaphore_mem>>, %arg19: memref<!tpu.dma_semaphore, #tpu.memory_space<semaphore_mem>>, %arg20: memref<!tpu.dma_semaphore, #tpu.memory_space<semaphore_mem>>, %arg21: memref<!tpu.dma_semaphore, #tpu.memory_space<semaphore_mem>>, %arg22: memref<!tpu.dma_semaphore, #tpu.memory_space<semaphore_mem>>, %arg23: memref<!tpu.dma_semaphore, #tpu.memory_space<semaphore_mem>>, %arg24: memref<!tpu.dma_semaphore, #tpu.memory_space<semaphore_mem>>, %arg25: memref<!tpu.dma_semaphore, #tpu.memory_space<semaphore_mem>>, %arg26: memref<!tpu.dma_semaphore, #tpu.memory_space<semaphore_mem>>, %arg27: memref<!tpu.dma_semaphore, #tpu.memory_space<semaphore_mem>>, %arg28: memref<!tpu.dma_semaphore, #tpu.memory_space<semaphore_mem>>, %arg29: memref<!tpu.dma_semaphore, #tpu.memory_space<semaphore_mem>>) attributes {dimension_semantics = [#tpu.dimension_semantics<core_parallel>, #tpu.dimension_semantics<subcore_parallel>], iteration_bounds = array<i64: 2, 16>, scalar_prefetch = 0 : i64, scratch_operands = 25 : i64, tpu.core_type = #tpu.core_type<sc_vector_subcore>, window_params = [{transform_indices = #map}, {transform_indices = #map1}, {transform_indices = #map}]} {
    %mul3A = arith.constant 2 : i32
    %mul3A_0 = arith.muli %arg1, %mul3A : i32
    %add3A = arith.addi %mul3A_0, %arg0 : i32
    %mul3A_1 = arith.constant 256 : i32
    %mul3A_2 = arith.muli %add3A, %mul3A_1 : i32
    "tpu.region"() ({
      %run_scoped3A = tpu.sem_alloc : memref<!tpu.dma_semaphore, #tpu.memory_space<semaphore_mem>>
      %dma_start3A_1692 = tpu.memref_slice %arg3[%mul3A_2] : memref<8192xi32, #tpu.memory_space<hbm>> -> memref<256xi32, #tpu.memory_space<hbm>>
      %dma_start3A_1693 = tpu.memref_slice %arg3[%mul3A_2] : memref<8192xi32, #tpu.memory_space<hbm>> -> memref<256xi32, #tpu.memory_space<hbm>>
      tpu.enqueue_dma source(%dma_start3A_1693 : memref<256xi32, #tpu.memory_space<hbm>>) target(%arg5 : memref<256xi32, #tpu.memory_space<vmem>>) target_semaphore(%run_scoped3A : memref<!tpu.dma_semaphore, #tpu.memory_space<semaphore_mem>>)
      %dma_wait3A_1694 = tpu.memref_slice %arg3[%mul3A_2] : memref<8192xi32, #tpu.memory_space<hbm>> -> memref<256xi32, #tpu.memory_space<hbm>>
      %dma_wait3A_1695 = tpu.memref_slice %arg3[%mul3A_2] : memref<8192xi32, #tpu.memory_space<hbm>> -> memref<256xi32, #tpu.memory_space<hbm>>
      tpu.wait_dma2 semaphore(%run_scoped3A : memref<!tpu.dma_semaphore, #tpu.memory_space<semaphore_mem>>) src(%dma_wait3A_1695 : memref<256xi32, #tpu.memory_space<hbm>>) dst(%arg5 : memref<256xi32, #tpu.memory_space<vmem>>)
      tpu.yield
    }) : () -> ()
    %mul3A_3 = arith.constant 0 : i32
    %mul3A_4 = arith.muli %add3A, %mul3A_3 : i32
    %add3A_5 = arith.constant 0 : i32
    %add3A_6 = arith.addi %mul3A_4, %add3A_5 : i32
    %jit3A = arith.constant 4 : i32
    %div3A = arith.divsi %add3A_6, %jit3A : i32
    %sign3A = arith.constant 0 : i32
    %sign3A_7 = arith.cmpi sgt, %add3A_6, %sign3A : i32
    %sign3A_8 = arith.extui %sign3A_7 : i1 to i32
    %sign3A_9 = arith.constant 0 : i32
    %sign3A_10 = arith.cmpi slt, %add3A_6, %sign3A_9 : i32
    %sign3A_11 = arith.extui %sign3A_10 : i1 to i32
    %sign3A_12 = arith.subi %sign3A_8, %sign3A_11 : i32
    %sign3A_13 = arith.constant 0 : i32
    %sign3A_14 = arith.cmpi sgt, %jit3A, %sign3A_13 : i32
    %sign3A_15 = arith.extui %sign3A_14 : i1 to i32
    %sign3A_16 = arith.constant 0 : i32
    %sign3A_17 = arith.cmpi slt, %jit3A, %sign3A_16 : i32
    %sign3A_18 = arith.extui %sign3A_17 : i1 to i32
    %sign3A_19 = arith.subi %sign3A_15, %sign3A_18 : i32
    %ne3A = arith.cmpi ne, %sign3A_12, %sign3A_19 : i32
    %rem3A = arith.remsi %add3A_6, %jit3A : i32
    %ne3A_20 = arith.constant 0 : i32
    %ne3A_21 = arith.cmpi ne, %rem3A, %ne3A_20 : i32
    %and3A = arith.andi %ne3A, %ne3A_21 : i1
    %sub3A = arith.constant 1 : i32
    %sub3A_22 = arith.subi %div3A, %sub3A : i32
    %select_n3A = arith.select %and3A, %sub3A_22, %div3A : i32
    %jit3A_23 = arith.constant 4 : i32
    %eq3A = arith.constant 0 : i32
    %eq3A_24 = arith.cmpi eq, %jit3A_23, %eq3A : i32
    %jit3A_25 = arith.constant 1 : i32
    %select_n3A_26 = arith.select %eq3A_24, %jit3A_25, %jit3A_23 : i32
    %rem3A_27 = arith.remsi %add3A_6, %select_n3A_26 : i32
    %ne3A_28 = arith.constant 0 : i32
    %ne3A_29 = arith.cmpi ne, %rem3A_27, %ne3A_28 : i32
    %lt3A = arith.constant 0 : i32
    %lt3A_30 = arith.cmpi slt, %rem3A_27, %lt3A : i32
    %lt3A_31 = arith.constant 0 : i32
    %lt3A_32 = arith.cmpi slt, %select_n3A_26, %lt3A_31 : i32
    %ne3A_33 = arith.xori %lt3A_30, %lt3A_32 : i1
    %and3A_34 = arith.andi %ne3A_33, %ne3A_29 : i1
    %add3A_35 = arith.addi %rem3A_27, %select_n3A_26 : i32
    %select_n3A_36 = arith.select %and3A_34, %add3A_35, %rem3A_27 : i32
    %mul3A_37 = arith.constant 1280 : i32
    %mul3A_38 = arith.muli %select_n3A_36, %mul3A_37 : i32
    %multiple_of3A = tpu.assume_multiple %mul3A_38, 128 : i32
    %mul3A_39 = arith.constant 8 : i32
    %mul3A_40 = arith.muli %select_n3A, %mul3A_39 : i32
    %dma_start3A = tpu.memref_slice %arg5[%mul3A_40] : memref<256xi32, #tpu.memory_space<vmem>> -> memref<8xi32, #tpu.memory_space<vmem>>
    %dma_start3A_41 = arith.constant 0 : i32
    %dma_start3A_42 = tpu.memref_slice %arg2[%dma_start3A_41, %multiple_of3A] : memref<5000x5000xf32, #tpu.memory_space<hbm>> -> memref<5000x1280xf32, #tpu.memory_space<hbm>>
    tpu.enqueue_indirect_dma source(%dma_start3A_42 : memref<5000x1280xf32, #tpu.memory_space<hbm>>) target(%arg6 : memref<8x1280xf32, #tpu.memory_space<vmem>>) offsets(%dma_start3A : memref<8xi32, #tpu.memory_space<vmem>>) semaphore(%arg14 : memref<!tpu.dma_semaphore, #tpu.memory_space<semaphore_mem>>)
    %add3A_43 = arith.constant 1 : i32
    %add3A_44 = arith.addi %mul3A_4, %add3A_43 : i32
    %jit3A_45 = arith.constant 4 : i32
    %div3A_46 = arith.divsi %add3A_44, %jit3A_45 : i32
    %sign3A_47 = arith.constant 0 : i32
    %sign3A_48 = arith.cmpi sgt, %add3A_44, %sign3A_47 : i32
    %sign3A_49 = arith.extui %sign3A_48 : i1 to i32
    %sign3A_50 = arith.constant 0 : i32
    %sign3A_51 = arith.cmpi slt, %add3A_44, %sign3A_50 : i32
    %sign3A_52 = arith.extui %sign3A_51 : i1 to i32
    %sign3A_53 = arith.subi %sign3A_49, %sign3A_52 : i32
    %sign3A_54 = arith.constant 0 : i32
    %sign3A_55 = arith.cmpi sgt, %jit3A_45, %sign3A_54 : i32
    %sign3A_56 = arith.extui %sign3A_55 : i1 to i32
    %sign3A_57 = arith.constant 0 : i32
    %sign3A_58 = arith.cmpi slt, %jit3A_45, %sign3A_57 : i32
    %sign3A_59 = arith.extui %sign3A_58 : i1 to i32
    %sign3A_60 = arith.subi %sign3A_56, %sign3A_59 : i32
    %ne3A_61 = arith.cmpi ne, %sign3A_53, %sign3A_60 : i32
    %rem3A_62 = arith.remsi %add3A_44, %jit3A_45 : i32
    %ne3A_63 = arith.constant 0 : i32
    %ne3A_64 = arith.cmpi ne, %rem3A_62, %ne3A_63 : i32
    %and3A_65 = arith.andi %ne3A_61, %ne3A_64 : i1
    %sub3A_66 = arith.constant 1 : i32
    %sub3A_67 = arith.subi %div3A_46, %sub3A_66 : i32
    %select_n3A_68 = arith.select %and3A_65, %sub3A_67, %div3A_46 : i32
    %jit3A_69 = arith.constant 4 : i32
    %eq3A_70 = arith.constant 0 : i32
    %eq3A_71 = arith.cmpi eq, %jit3A_69, %eq3A_70 : i32
    %jit3A_72 = arith.constant 1 : i32
    %select_n3A_73 = arith.select %eq3A_71, %jit3A_72, %jit3A_69 : i32
    %rem3A_74 = arith.remsi %add3A_44, %select_n3A_73 : i32
    %ne3A_75 = arith.constant 0 : i32
    %ne3A_76 = arith.cmpi ne, %rem3A_74, %ne3A_75 : i32
    %lt3A_77 = arith.constant 0 : i32
    %lt3A_78 = arith.cmpi slt, %rem3A_74, %lt3A_77 : i32
    %lt3A_79 = arith.constant 0 : i32
    %lt3A_80 = arith.cmpi slt, %select_n3A_73, %lt3A_79 : i32
    %ne3A_81 = arith.xori %lt3A_78, %lt3A_80 : i1
    %and3A_82 = arith.andi %ne3A_81, %ne3A_76 : i1
    %add3A_83 = arith.addi %rem3A_74, %select_n3A_73 : i32
    %select_n3A_84 = arith.select %and3A_82, %add3A_83, %rem3A_74 : i32
    %mul3A_85 = arith.constant 1280 : i32
    %mul3A_86 = arith.muli %select_n3A_84, %mul3A_85 : i32
    %multiple_of3A_87 = tpu.assume_multiple %mul3A_86, 128 : i32
    %mul3A_88 = arith.constant 8 : i32
    %mul3A_89 = arith.muli %select_n3A_68, %mul3A_88 : i32
    %dma_start3A_90 = tpu.memref_slice %arg5[%mul3A_89] : memref<256xi32, #tpu.memory_space<vmem>> -> memref<8xi32, #tpu.memory_space<vmem>>
    %dma_start3A_91 = arith.constant 0 : i32
    %dma_start3A_92 = tpu.memref_slice %arg2[%dma_start3A_91, %multiple_of3A_87] : memref<5000x5000xf32, #tpu.memory_space<hbm>> -> memref<5000x1280xf32, #tpu.memory_space<hbm>>
    tpu.enqueue_indirect_dma source(%dma_start3A_92 : memref<5000x1280xf32, #tpu.memory_space<hbm>>) target(%arg7 : memref<8x1280xf32, #tpu.memory_space<vmem>>) offsets(%dma_start3A_90 : memref<8xi32, #tpu.memory_space<vmem>>) semaphore(%arg15 : memref<!tpu.dma_semaphore, #tpu.memory_space<semaphore_mem>>)
    %add3A_93 = arith.constant 2 : i32
    %add3A_94 = arith.addi %mul3A_4, %add3A_93 : i32
    %jit3A_95 = arith.constant 4 : i32
    %div3A_96 = arith.divsi %add3A_94, %jit3A_95 : i32
    %sign3A_97 = arith.constant 0 : i32
    %sign3A_98 = arith.cmpi sgt, %add3A_94, %sign3A_97 : i32
    %sign3A_99 = arith.extui %sign3A_98 : i1 to i32
    %sign3A_100 = arith.constant 0 : i32
    %sign3A_101 = arith.cmpi slt, %add3A_94, %sign3A_100 : i32
    %sign3A_102 = arith.extui %sign3A_101 : i1 to i32
    %sign3A_103 = arith.subi %sign3A_99, %sign3A_102 : i32
    %sign3A_104 = arith.constant 0 : i32
    %sign3A_105 = arith.cmpi sgt, %jit3A_95, %sign3A_104 : i32
    %sign3A_106 = arith.extui %sign3A_105 : i1 to i32
    %sign3A_107 = arith.constant 0 : i32
    %sign3A_108 = arith.cmpi slt, %jit3A_95, %sign3A_107 : i32
    %sign3A_109 = arith.extui %sign3A_108 : i1 to i32
    %sign3A_110 = arith.subi %sign3A_106, %sign3A_109 : i32
    %ne3A_111 = arith.cmpi ne, %sign3A_103, %sign3A_110 : i32
    %rem3A_112 = arith.remsi %add3A_94, %jit3A_95 : i32
    %ne3A_113 = arith.constant 0 : i32
    %ne3A_114 = arith.cmpi ne, %rem3A_112, %ne3A_113 : i32
    %and3A_115 = arith.andi %ne3A_111, %ne3A_114 : i1
    %sub3A_116 = arith.constant 1 : i32
    %sub3A_117 = arith.subi %div3A_96, %sub3A_116 : i32
    %select_n3A_118 = arith.select %and3A_115, %sub3A_117, %div3A_96 : i32
    %jit3A_119 = arith.constant 4 : i32
    %eq3A_120 = arith.constant 0 : i32
    %eq3A_121 = arith.cmpi eq, %jit3A_119, %eq3A_120 : i32
    %jit3A_122 = arith.constant 1 : i32
    %select_n3A_123 = arith.select %eq3A_121, %jit3A_122, %jit3A_119 : i32
    %rem3A_124 = arith.remsi %add3A_94, %select_n3A_123 : i32
    %ne3A_125 = arith.constant 0 : i32
    %ne3A_126 = arith.cmpi ne, %rem3A_124, %ne3A_125 : i32
    %lt3A_127 = arith.constant 0 : i32
    %lt3A_128 = arith.cmpi slt, %rem3A_124, %lt3A_127 : i32
    %lt3A_129 = arith.constant 0 : i32
    %lt3A_130 = arith.cmpi slt, %select_n3A_123, %lt3A_129 : i32
    %ne3A_131 = arith.xori %lt3A_128, %lt3A_130 : i1
    %and3A_132 = arith.andi %ne3A_131, %ne3A_126 : i1
    %add3A_133 = arith.addi %rem3A_124, %select_n3A_123 : i32
    %select_n3A_134 = arith.select %and3A_132, %add3A_133, %rem3A_124 : i32
    %mul3A_135 = arith.constant 1280 : i32
    %mul3A_136 = arith.muli %select_n3A_134, %mul3A_135 : i32
    %multiple_of3A_137 = tpu.assume_multiple %mul3A_136, 128 : i32
    %mul3A_138 = arith.constant 8 : i32
    %mul3A_139 = arith.muli %select_n3A_118, %mul3A_138 : i32
    %dma_start3A_140 = tpu.memref_slice %arg5[%mul3A_139] : memref<256xi32, #tpu.memory_space<vmem>> -> memref<8xi32, #tpu.memory_space<vmem>>
    %dma_start3A_141 = arith.constant 0 : i32
    %dma_start3A_142 = tpu.memref_slice %arg2[%dma_start3A_141, %multiple_of3A_137] : memref<5000x5000xf32, #tpu.memory_space<hbm>> -> memref<5000x1280xf32, #tpu.memory_space<hbm>>
    tpu.enqueue_indirect_dma source(%dma_start3A_142 : memref<5000x1280xf32, #tpu.memory_space<hbm>>) target(%arg8 : memref<8x1280xf32, #tpu.memory_space<vmem>>) offsets(%dma_start3A_140 : memref<8xi32, #tpu.memory_space<vmem>>) semaphore(%arg16 : memref<!tpu.dma_semaphore, #tpu.memory_space<semaphore_mem>>)
    %add3A_143 = arith.constant 3 : i32
    %add3A_144 = arith.addi %mul3A_4, %add3A_143 : i32
    %jit3A_145 = arith.constant 4 : i32
    %div3A_146 = arith.divsi %add3A_144, %jit3A_145 : i32
    %sign3A_147 = arith.constant 0 : i32
    %sign3A_148 = arith.cmpi sgt, %add3A_144, %sign3A_147 : i32
    %sign3A_149 = arith.extui %sign3A_148 : i1 to i32
    %sign3A_150 = arith.constant 0 : i32
    %sign3A_151 = arith.cmpi slt, %add3A_144, %sign3A_150 : i32
    %sign3A_152 = arith.extui %sign3A_151 : i1 to i32
    %sign3A_153 = arith.subi %sign3A_149, %sign3A_152 : i32
    %sign3A_154 = arith.constant 0 : i32
    %sign3A_155 = arith.cmpi sgt, %jit3A_145, %sign3A_154 : i32
    %sign3A_156 = arith.extui %sign3A_155 : i1 to i32
    %sign3A_157 = arith.constant 0 : i32
    %sign3A_158 = arith.cmpi slt, %jit3A_145, %sign3A_157 : i32
    %sign3A_159 = arith.extui %sign3A_158 : i1 to i32
    %sign3A_160 = arith.subi %sign3A_156, %sign3A_159 : i32
    %ne3A_161 = arith.cmpi ne, %sign3A_153, %sign3A_160 : i32
    %rem3A_162 = arith.remsi %add3A_144, %jit3A_145 : i32
    %ne3A_163 = arith.constant 0 : i32
    %ne3A_164 = arith.cmpi ne, %rem3A_162, %ne3A_163 : i32
    %and3A_165 = arith.andi %ne3A_161, %ne3A_164 : i1
    %sub3A_166 = arith.constant 1 : i32
    %sub3A_167 = arith.subi %div3A_146, %sub3A_166 : i32
    %select_n3A_168 = arith.select %and3A_165, %sub3A_167, %div3A_146 : i32
    %jit3A_169 = arith.constant 4 : i32
    %eq3A_170 = arith.constant 0 : i32
    %eq3A_171 = arith.cmpi eq, %jit3A_169, %eq3A_170 : i32
    %jit3A_172 = arith.constant 1 : i32
    %select_n3A_173 = arith.select %eq3A_171, %jit3A_172, %jit3A_169 : i32
    %rem3A_174 = arith.remsi %add3A_144, %select_n3A_173 : i32
    %ne3A_175 = arith.constant 0 : i32
    %ne3A_176 = arith.cmpi ne, %rem3A_174, %ne3A_175 : i32
    %lt3A_177 = arith.constant 0 : i32
    %lt3A_178 = arith.cmpi slt, %rem3A_174, %lt3A_177 : i32
    %lt3A_179 = arith.constant 0 : i32
    %lt3A_180 = arith.cmpi slt, %select_n3A_173, %lt3A_179 : i32
    %ne3A_181 = arith.xori %lt3A_178, %lt3A_180 : i1
    %and3A_182 = arith.andi %ne3A_181, %ne3A_176 : i1
    %add3A_183 = arith.addi %rem3A_174, %select_n3A_173 : i32
    %select_n3A_184 = arith.select %and3A_182, %add3A_183, %rem3A_174 : i32
    %mul3A_185 = arith.constant 1280 : i32
    %mul3A_186 = arith.muli %select_n3A_184, %mul3A_185 : i32
    %multiple_of3A_187 = tpu.assume_multiple %mul3A_186, 128 : i32
    %mul3A_188 = arith.constant 8 : i32
    %mul3A_189 = arith.muli %select_n3A_168, %mul3A_188 : i32
    %dma_start3A_190 = tpu.memref_slice %arg5[%mul3A_189] : memref<256xi32, #tpu.memory_space<vmem>> -> memref<8xi32, #tpu.memory_space<vmem>>
    %dma_start3A_191 = arith.constant 0 : i32
    %dma_start3A_192 = tpu.memref_slice %arg2[%dma_start3A_191, %multiple_of3A_187] : memref<5000x5000xf32, #tpu.memory_space<hbm>> -> memref<5000x1280xf32, #tpu.memory_space<hbm>>
    tpu.enqueue_indirect_dma source(%dma_start3A_192 : memref<5000x1280xf32, #tpu.memory_space<hbm>>) target(%arg9 : memref<8x1280xf32, #tpu.memory_space<vmem>>) offsets(%dma_start3A_190 : memref<8xi32, #tpu.memory_space<vmem>>) semaphore(%arg17 : memref<!tpu.dma_semaphore, #tpu.memory_space<semaphore_mem>>)
    %add3A_193 = arith.constant 4 : i32
    %add3A_194 = arith.addi %mul3A_4, %add3A_193 : i32
    %jit3A_195 = arith.constant 4 : i32
    %div3A_196 = arith.divsi %add3A_194, %jit3A_195 : i32
    %sign3A_197 = arith.constant 0 : i32
    %sign3A_198 = arith.cmpi sgt, %add3A_194, %sign3A_197 : i32
    %sign3A_199 = arith.extui %sign3A_198 : i1 to i32
    %sign3A_200 = arith.constant 0 : i32
    %sign3A_201 = arith.cmpi slt, %add3A_194, %sign3A_200 : i32
    %sign3A_202 = arith.extui %sign3A_201 : i1 to i32
    %sign3A_203 = arith.subi %sign3A_199, %sign3A_202 : i32
    %sign3A_204 = arith.constant 0 : i32
    %sign3A_205 = arith.cmpi sgt, %jit3A_195, %sign3A_204 : i32
    %sign3A_206 = arith.extui %sign3A_205 : i1 to i32
    %sign3A_207 = arith.constant 0 : i32
    %sign3A_208 = arith.cmpi slt, %jit3A_195, %sign3A_207 : i32
    %sign3A_209 = arith.extui %sign3A_208 : i1 to i32
    %sign3A_210 = arith.subi %sign3A_206, %sign3A_209 : i32
    %ne3A_211 = arith.cmpi ne, %sign3A_203, %sign3A_210 : i32
    %rem3A_212 = arith.remsi %add3A_194, %jit3A_195 : i32
    %ne3A_213 = arith.constant 0 : i32
    %ne3A_214 = arith.cmpi ne, %rem3A_212, %ne3A_213 : i32
    %and3A_215 = arith.andi %ne3A_211, %ne3A_214 : i1
    %sub3A_216 = arith.constant 1 : i32
    %sub3A_217 = arith.subi %div3A_196, %sub3A_216 : i32
    %select_n3A_218 = arith.select %and3A_215, %sub3A_217, %div3A_196 : i32
    %jit3A_219 = arith.constant 4 : i32
    %eq3A_220 = arith.constant 0 : i32
    %eq3A_221 = arith.cmpi eq, %jit3A_219, %eq3A_220 : i32
    %jit3A_222 = arith.constant 1 : i32
    %select_n3A_223 = arith.select %eq3A_221, %jit3A_222, %jit3A_219 : i32
    %rem3A_224 = arith.remsi %add3A_194, %select_n3A_223 : i32
    %ne3A_225 = arith.constant 0 : i32
    %ne3A_226 = arith.cmpi ne, %rem3A_224, %ne3A_225 : i32
    %lt3A_227 = arith.constant 0 : i32
    %lt3A_228 = arith.cmpi slt, %rem3A_224, %lt3A_227 : i32
    %lt3A_229 = arith.constant 0 : i32
    %lt3A_230 = arith.cmpi slt, %select_n3A_223, %lt3A_229 : i32
    %ne3A_231 = arith.xori %lt3A_228, %lt3A_230 : i1
    %and3A_232 = arith.andi %ne3A_231, %ne3A_226 : i1
    %add3A_233 = arith.addi %rem3A_224, %select_n3A_223 : i32
    %select_n3A_234 = arith.select %and3A_232, %add3A_233, %rem3A_224 : i32
    %mul3A_235 = arith.constant 1280 : i32
    %mul3A_236 = arith.muli %select_n3A_234, %mul3A_235 : i32
    %multiple_of3A_237 = tpu.assume_multiple %mul3A_236, 128 : i32
    %mul3A_238 = arith.constant 8 : i32
    %mul3A_239 = arith.muli %select_n3A_218, %mul3A_238 : i32
    %dma_start3A_240 = tpu.memref_slice %arg5[%mul3A_239] : memref<256xi32, #tpu.memory_space<vmem>> -> memref<8xi32, #tpu.memory_space<vmem>>
    %dma_start3A_241 = arith.constant 0 : i32
    %dma_start3A_242 = tpu.memref_slice %arg2[%dma_start3A_241, %multiple_of3A_237] : memref<5000x5000xf32, #tpu.memory_space<hbm>> -> memref<5000x1280xf32, #tpu.memory_space<hbm>>
    tpu.enqueue_indirect_dma source(%dma_start3A_242 : memref<5000x1280xf32, #tpu.memory_space<hbm>>) target(%arg10 : memref<8x1280xf32, #tpu.memory_space<vmem>>) offsets(%dma_start3A_240 : memref<8xi32, #tpu.memory_space<vmem>>) semaphore(%arg18 : memref<!tpu.dma_semaphore, #tpu.memory_space<semaphore_mem>>)
    %add3A_243 = arith.constant 5 : i32
    %add3A_244 = arith.addi %mul3A_4, %add3A_243 : i32
    %jit3A_245 = arith.constant 4 : i32
    %div3A_246 = arith.divsi %add3A_244, %jit3A_245 : i32
    %sign3A_247 = arith.constant 0 : i32
    %sign3A_248 = arith.cmpi sgt, %add3A_244, %sign3A_247 : i32
    %sign3A_249 = arith.extui %sign3A_248 : i1 to i32
    %sign3A_250 = arith.constant 0 : i32
    %sign3A_251 = arith.cmpi slt, %add3A_244, %sign3A_250 : i32
    %sign3A_252 = arith.extui %sign3A_251 : i1 to i32
    %sign3A_253 = arith.subi %sign3A_249, %sign3A_252 : i32
    %sign3A_254 = arith.constant 0 : i32
    %sign3A_255 = arith.cmpi sgt, %jit3A_245, %sign3A_254 : i32
    %sign3A_256 = arith.extui %sign3A_255 : i1 to i32
    %sign3A_257 = arith.constant 0 : i32
    %sign3A_258 = arith.cmpi slt, %jit3A_245, %sign3A_257 : i32
    %sign3A_259 = arith.extui %sign3A_258 : i1 to i32
    %sign3A_260 = arith.subi %sign3A_256, %sign3A_259 : i32
    %ne3A_261 = arith.cmpi ne, %sign3A_253, %sign3A_260 : i32
    %rem3A_262 = arith.remsi %add3A_244, %jit3A_245 : i32
    %ne3A_263 = arith.constant 0 : i32
    %ne3A_264 = arith.cmpi ne, %rem3A_262, %ne3A_263 : i32
    %and3A_265 = arith.andi %ne3A_261, %ne3A_264 : i1
    %sub3A_266 = arith.constant 1 : i32
    %sub3A_267 = arith.subi %div3A_246, %sub3A_266 : i32
    %select_n3A_268 = arith.select %and3A_265, %sub3A_267, %div3A_246 : i32
    %jit3A_269 = arith.constant 4 : i32
    %eq3A_270 = arith.constant 0 : i32
    %eq3A_271 = arith.cmpi eq, %jit3A_269, %eq3A_270 : i32
    %jit3A_272 = arith.constant 1 : i32
    %select_n3A_273 = arith.select %eq3A_271, %jit3A_272, %jit3A_269 : i32
    %rem3A_274 = arith.remsi %add3A_244, %select_n3A_273 : i32
    %ne3A_275 = arith.constant 0 : i32
    %ne3A_276 = arith.cmpi ne, %rem3A_274, %ne3A_275 : i32
    %lt3A_277 = arith.constant 0 : i32
    %lt3A_278 = arith.cmpi slt, %rem3A_274, %lt3A_277 : i32
    %lt3A_279 = arith.constant 0 : i32
    %lt3A_280 = arith.cmpi slt, %select_n3A_273, %lt3A_279 : i32
    %ne3A_281 = arith.xori %lt3A_278, %lt3A_280 : i1
    %and3A_282 = arith.andi %ne3A_281, %ne3A_276 : i1
    %add3A_283 = arith.addi %rem3A_274, %select_n3A_273 : i32
    %select_n3A_284 = arith.select %and3A_282, %add3A_283, %rem3A_274 : i32
    %mul3A_285 = arith.constant 1280 : i32
    %mul3A_286 = arith.muli %select_n3A_284, %mul3A_285 : i32
    %multiple_of3A_287 = tpu.assume_multiple %mul3A_286, 128 : i32
    %mul3A_288 = arith.constant 8 : i32
    %mul3A_289 = arith.muli %select_n3A_268, %mul3A_288 : i32
    %dma_start3A_290 = tpu.memref_slice %arg5[%mul3A_289] : memref<256xi32, #tpu.memory_space<vmem>> -> memref<8xi32, #tpu.memory_space<vmem>>
    %dma_start3A_291 = arith.constant 0 : i32
    %dma_start3A_292 = tpu.memref_slice %arg2[%dma_start3A_291, %multiple_of3A_287] : memref<5000x5000xf32, #tpu.memory_space<hbm>> -> memref<5000x1280xf32, #tpu.memory_space<hbm>>
    tpu.enqueue_indirect_dma source(%dma_start3A_292 : memref<5000x1280xf32, #tpu.memory_space<hbm>>) target(%arg11 : memref<8x1280xf32, #tpu.memory_space<vmem>>) offsets(%dma_start3A_290 : memref<8xi32, #tpu.memory_space<vmem>>) semaphore(%arg19 : memref<!tpu.dma_semaphore, #tpu.memory_space<semaphore_mem>>)
    %add3A_293 = arith.constant 6 : i32
    %add3A_294 = arith.addi %mul3A_4, %add3A_293 : i32
    %jit3A_295 = arith.constant 4 : i32
    %div3A_296 = arith.divsi %add3A_294, %jit3A_295 : i32
    %sign3A_297 = arith.constant 0 : i32
    %sign3A_298 = arith.cmpi sgt, %add3A_294, %sign3A_297 : i32
    %sign3A_299 = arith.extui %sign3A_298 : i1 to i32
    %sign3A_300 = arith.constant 0 : i32
    %sign3A_301 = arith.cmpi slt, %add3A_294, %sign3A_300 : i32
    %sign3A_302 = arith.extui %sign3A_301 : i1 to i32
    %sign3A_303 = arith.subi %sign3A_299, %sign3A_302 : i32
    %sign3A_304 = arith.constant 0 : i32
    %sign3A_305 = arith.cmpi sgt, %jit3A_295, %sign3A_304 : i32
    %sign3A_306 = arith.extui %sign3A_305 : i1 to i32
    %sign3A_307 = arith.constant 0 : i32
    %sign3A_308 = arith.cmpi slt, %jit3A_295, %sign3A_307 : i32
    %sign3A_309 = arith.extui %sign3A_308 : i1 to i32
    %sign3A_310 = arith.subi %sign3A_306, %sign3A_309 : i32
    %ne3A_311 = arith.cmpi ne, %sign3A_303, %sign3A_310 : i32
    %rem3A_312 = arith.remsi %add3A_294, %jit3A_295 : i32
    %ne3A_313 = arith.constant 0 : i32
    %ne3A_314 = arith.cmpi ne, %rem3A_312, %ne3A_313 : i32
    %and3A_315 = arith.andi %ne3A_311, %ne3A_314 : i1
    %sub3A_316 = arith.constant 1 : i32
    %sub3A_317 = arith.subi %div3A_296, %sub3A_316 : i32
    %select_n3A_318 = arith.select %and3A_315, %sub3A_317, %div3A_296 : i32
    %jit3A_319 = arith.constant 4 : i32
    %eq3A_320 = arith.constant 0 : i32
    %eq3A_321 = arith.cmpi eq, %jit3A_319, %eq3A_320 : i32
    %jit3A_322 = arith.constant 1 : i32
    %select_n3A_323 = arith.select %eq3A_321, %jit3A_322, %jit3A_319 : i32
    %rem3A_324 = arith.remsi %add3A_294, %select_n3A_323 : i32
    %ne3A_325 = arith.constant 0 : i32
    %ne3A_326 = arith.cmpi ne, %rem3A_324, %ne3A_325 : i32
    %lt3A_327 = arith.constant 0 : i32
    %lt3A_328 = arith.cmpi slt, %rem3A_324, %lt3A_327 : i32
    %lt3A_329 = arith.constant 0 : i32
    %lt3A_330 = arith.cmpi slt, %select_n3A_323, %lt3A_329 : i32
    %ne3A_331 = arith.xori %lt3A_328, %lt3A_330 : i1
    %and3A_332 = arith.andi %ne3A_331, %ne3A_326 : i1
    %add3A_333 = arith.addi %rem3A_324, %select_n3A_323 : i32
    %select_n3A_334 = arith.select %and3A_332, %add3A_333, %rem3A_324 : i32
    %mul3A_335 = arith.constant 1280 : i32
    %mul3A_336 = arith.muli %select_n3A_334, %mul3A_335 : i32
    %multiple_of3A_337 = tpu.assume_multiple %mul3A_336, 128 : i32
    %mul3A_338 = arith.constant 8 : i32
    %mul3A_339 = arith.muli %select_n3A_318, %mul3A_338 : i32
    %dma_start3A_340 = tpu.memref_slice %arg5[%mul3A_339] : memref<256xi32, #tpu.memory_space<vmem>> -> memref<8xi32, #tpu.memory_space<vmem>>
    %dma_start3A_341 = arith.constant 0 : i32
    %dma_start3A_342 = tpu.memref_slice %arg2[%dma_start3A_341, %multiple_of3A_337] : memref<5000x5000xf32, #tpu.memory_space<hbm>> -> memref<5000x1280xf32, #tpu.memory_space<hbm>>
    tpu.enqueue_indirect_dma source(%dma_start3A_342 : memref<5000x1280xf32, #tpu.memory_space<hbm>>) target(%arg12 : memref<8x1280xf32, #tpu.memory_space<vmem>>) offsets(%dma_start3A_340 : memref<8xi32, #tpu.memory_space<vmem>>) semaphore(%arg20 : memref<!tpu.dma_semaphore, #tpu.memory_space<semaphore_mem>>)
    %add3A_343 = arith.constant 7 : i32
    %add3A_344 = arith.addi %mul3A_4, %add3A_343 : i32
    %jit3A_345 = arith.constant 4 : i32
    %div3A_346 = arith.divsi %add3A_344, %jit3A_345 : i32
    %sign3A_347 = arith.constant 0 : i32
    %sign3A_348 = arith.cmpi sgt, %add3A_344, %sign3A_347 : i32
    %sign3A_349 = arith.extui %sign3A_348 : i1 to i32
    %sign3A_350 = arith.constant 0 : i32
    %sign3A_351 = arith.cmpi slt, %add3A_344, %sign3A_350 : i32
    %sign3A_352 = arith.extui %sign3A_351 : i1 to i32
    %sign3A_353 = arith.subi %sign3A_349, %sign3A_352 : i32
    %sign3A_354 = arith.constant 0 : i32
    %sign3A_355 = arith.cmpi sgt, %jit3A_345, %sign3A_354 : i32
    %sign3A_356 = arith.extui %sign3A_355 : i1 to i32
    %sign3A_357 = arith.constant 0 : i32
    %sign3A_358 = arith.cmpi slt, %jit3A_345, %sign3A_357 : i32
    %sign3A_359 = arith.extui %sign3A_358 : i1 to i32
    %sign3A_360 = arith.subi %sign3A_356, %sign3A_359 : i32
    %ne3A_361 = arith.cmpi ne, %sign3A_353, %sign3A_360 : i32
    %rem3A_362 = arith.remsi %add3A_344, %jit3A_345 : i32
    %ne3A_363 = arith.constant 0 : i32
    %ne3A_364 = arith.cmpi ne, %rem3A_362, %ne3A_363 : i32
    %and3A_365 = arith.andi %ne3A_361, %ne3A_364 : i1
    %sub3A_366 = arith.constant 1 : i32
    %sub3A_367 = arith.subi %div3A_346, %sub3A_366 : i32
    %select_n3A_368 = arith.select %and3A_365, %sub3A_367, %div3A_346 : i32
    %jit3A_369 = arith.constant 4 : i32
    %eq3A_370 = arith.constant 0 : i32
    %eq3A_371 = arith.cmpi eq, %jit3A_369, %eq3A_370 : i32
    %jit3A_372 = arith.constant 1 : i32
    %select_n3A_373 = arith.select %eq3A_371, %jit3A_372, %jit3A_369 : i32
    %rem3A_374 = arith.remsi %add3A_344, %select_n3A_373 : i32
    %ne3A_375 = arith.constant 0 : i32
    %ne3A_376 = arith.cmpi ne, %rem3A_374, %ne3A_375 : i32
    %lt3A_377 = arith.constant 0 : i32
    %lt3A_378 = arith.cmpi slt, %rem3A_374, %lt3A_377 : i32
    %lt3A_379 = arith.constant 0 : i32
    %lt3A_380 = arith.cmpi slt, %select_n3A_373, %lt3A_379 : i32
    %ne3A_381 = arith.xori %lt3A_378, %lt3A_380 : i1
    %and3A_382 = arith.andi %ne3A_381, %ne3A_376 : i1
    %add3A_383 = arith.addi %rem3A_374, %select_n3A_373 : i32
    %select_n3A_384 = arith.select %and3A_382, %add3A_383, %rem3A_374 : i32
    %mul3A_385 = arith.constant 1280 : i32
    %mul3A_386 = arith.muli %select_n3A_384, %mul3A_385 : i32
    %multiple_of3A_387 = tpu.assume_multiple %mul3A_386, 128 : i32
    %mul3A_388 = arith.constant 8 : i32
    %mul3A_389 = arith.muli %select_n3A_368, %mul3A_388 : i32
    %dma_start3A_390 = tpu.memref_slice %arg5[%mul3A_389] : memref<256xi32, #tpu.memory_space<vmem>> -> memref<8xi32, #tpu.memory_space<vmem>>
    %dma_start3A_391 = arith.constant 0 : i32
    %dma_start3A_392 = tpu.memref_slice %arg2[%dma_start3A_391, %multiple_of3A_387] : memref<5000x5000xf32, #tpu.memory_space<hbm>> -> memref<5000x1280xf32, #tpu.memory_space<hbm>>
    tpu.enqueue_indirect_dma source(%dma_start3A_392 : memref<5000x1280xf32, #tpu.memory_space<hbm>>) target(%arg13 : memref<8x1280xf32, #tpu.memory_space<vmem>>) offsets(%dma_start3A_390 : memref<8xi32, #tpu.memory_space<vmem>>) semaphore(%arg21 : memref<!tpu.dma_semaphore, #tpu.memory_space<semaphore_mem>>)
    %scan3A = arith.constant 0 : i32
    %scan3A_393 = arith.constant 15 : i32
    %scan3A_394 = arith.addi %scan3A, %scan3A_393 : i32
    %scan3A_395 = arith.constant 1 : i32
    scf.for %scan3A_1692 = %scan3A to %scan3A_394 step %scan3A_395  : i32 {
      %mul3A_1693 = arith.constant 8 : i32
      %mul3A_1694 = arith.muli %scan3A_1692, %mul3A_1693 : i32
      %add3A_1695 = arith.constant 0 : i32
      %add3A_1696 = arith.addi %add3A_1695, %mul3A_1694 : i32
      %add3A_1697 = arith.constant 0 : i32
      %add3A_1698 = arith.addi %add3A_1696, %add3A_1697 : i32
      %jit3A_1699 = arith.constant 4 : i32
      %div3A_1700 = arith.divsi %add3A_1698, %jit3A_1699 : i32
      %sign3A_1701 = arith.constant 0 : i32
      %sign3A_1702 = arith.cmpi sgt, %add3A_1698, %sign3A_1701 : i32
      %sign3A_1703 = arith.extui %sign3A_1702 : i1 to i32
      %sign3A_1704 = arith.constant 0 : i32
      %sign3A_1705 = arith.cmpi slt, %add3A_1698, %sign3A_1704 : i32
      %sign3A_1706 = arith.extui %sign3A_1705 : i1 to i32
      %sign3A_1707 = arith.subi %sign3A_1703, %sign3A_1706 : i32
      %sign3A_1708 = arith.constant 0 : i32
      %sign3A_1709 = arith.cmpi sgt, %jit3A_1699, %sign3A_1708 : i32
      %sign3A_1710 = arith.extui %sign3A_1709 : i1 to i32
      %sign3A_1711 = arith.constant 0 : i32
      %sign3A_1712 = arith.cmpi slt, %jit3A_1699, %sign3A_1711 : i32
      %sign3A_1713 = arith.extui %sign3A_1712 : i1 to i32
      %sign3A_1714 = arith.subi %sign3A_1710, %sign3A_1713 : i32
      %ne3A_1715 = arith.cmpi ne, %sign3A_1707, %sign3A_1714 : i32
      %rem3A_1716 = arith.remsi %add3A_1698, %jit3A_1699 : i32
      %ne3A_1717 = arith.constant 0 : i32
      %ne3A_1718 = arith.cmpi ne, %rem3A_1716, %ne3A_1717 : i32
      %and3A_1719 = arith.andi %ne3A_1715, %ne3A_1718 : i1
      %sub3A_1720 = arith.constant 1 : i32
      %sub3A_1721 = arith.subi %div3A_1700, %sub3A_1720 : i32
      %select_n3A_1722 = arith.select %and3A_1719, %sub3A_1721, %div3A_1700 : i32
      %jit3A_1723 = arith.constant 4 : i32
      %eq3A_1724 = arith.constant 0 : i32
      %eq3A_1725 = arith.cmpi eq, %jit3A_1723, %eq3A_1724 : i32
      %jit3A_1726 = arith.constant 1 : i32
      %select_n3A_1727 = arith.select %eq3A_1725, %jit3A_1726, %jit3A_1723 : i32
      %rem3A_1728 = arith.remsi %add3A_1698, %select_n3A_1727 : i32
      %ne3A_1729 = arith.constant 0 : i32
      %ne3A_1730 = arith.cmpi ne, %rem3A_1728, %ne3A_1729 : i32
      %lt3A_1731 = arith.constant 0 : i32
      %lt3A_1732 = arith.cmpi slt, %rem3A_1728, %lt3A_1731 : i32
      %lt3A_1733 = arith.constant 0 : i32
      %lt3A_1734 = arith.cmpi slt, %select_n3A_1727, %lt3A_1733 : i32
      %ne3A_1735 = arith.xori %lt3A_1732, %lt3A_1734 : i1
      %and3A_1736 = arith.andi %ne3A_1735, %ne3A_1730 : i1
      %add3A_1737 = arith.addi %rem3A_1728, %select_n3A_1727 : i32
      %select_n3A_1738 = arith.select %and3A_1736, %add3A_1737, %rem3A_1728 : i32
      %mul3A_1739 = arith.constant 1280 : i32
      %mul3A_1740 = arith.muli %select_n3A_1738, %mul3A_1739 : i32
      %multiple_of3A_1741 = tpu.assume_multiple %mul3A_1740, 128 : i32
      %mul3A_1742 = arith.constant 8 : i32
      %mul3A_1743 = arith.muli %select_n3A_1722, %mul3A_1742 : i32
      %dma_wait3A_1744 = tpu.memref_slice %arg5[%mul3A_1743] : memref<256xi32, #tpu.memory_space<vmem>> -> memref<8xi32, #tpu.memory_space<vmem>>
      %dma_wait3A_1745 = arith.constant 0 : i32
      %dma_wait3A_1746 = tpu.memref_slice %arg2[%dma_wait3A_1745, %multiple_of3A_1741] : memref<5000x5000xf32, #tpu.memory_space<hbm>> -> memref<5000x1280xf32, #tpu.memory_space<hbm>>
      tpu.wait_indirect_dma semaphore(%arg14 : memref<!tpu.dma_semaphore, #tpu.memory_space<semaphore_mem>>) src(%dma_wait3A_1746 : memref<5000x1280xf32, #tpu.memory_space<hbm>>) dst(%arg6 : memref<8x1280xf32, #tpu.memory_space<vmem>>)
      %add3A_1747 = arith.constant 0 : i32
      %add3A_1748 = arith.addi %add3A_1696, %add3A_1747 : i32
      %jit3A_1749 = arith.constant 4 : i32
      %div3A_1750 = arith.divsi %add3A_1748, %jit3A_1749 : i32
      %sign3A_1751 = arith.constant 0 : i32
      %sign3A_1752 = arith.cmpi sgt, %add3A_1748, %sign3A_1751 : i32
      %sign3A_1753 = arith.extui %sign3A_1752 : i1 to i32
      %sign3A_1754 = arith.constant 0 : i32
      %sign3A_1755 = arith.cmpi slt, %add3A_1748, %sign3A_1754 : i32
      %sign3A_1756 = arith.extui %sign3A_1755 : i1 to i32
      %sign3A_1757 = arith.subi %sign3A_1753, %sign3A_1756 : i32
      %sign3A_1758 = arith.constant 0 : i32
      %sign3A_1759 = arith.cmpi sgt, %jit3A_1749, %sign3A_1758 : i32
      %sign3A_1760 = arith.extui %sign3A_1759 : i1 to i32
      %sign3A_1761 = arith.constant 0 : i32
      %sign3A_1762 = arith.cmpi slt, %jit3A_1749, %sign3A_1761 : i32
      %sign3A_1763 = arith.extui %sign3A_1762 : i1 to i32
      %sign3A_1764 = arith.subi %sign3A_1760, %sign3A_1763 : i32
      %ne3A_1765 = arith.cmpi ne, %sign3A_1757, %sign3A_1764 : i32
      %rem3A_1766 = arith.remsi %add3A_1748, %jit3A_1749 : i32
      %ne3A_1767 = arith.constant 0 : i32
      %ne3A_1768 = arith.cmpi ne, %rem3A_1766, %ne3A_1767 : i32
      %and3A_1769 = arith.andi %ne3A_1765, %ne3A_1768 : i1
      %sub3A_1770 = arith.constant 1 : i32
      %sub3A_1771 = arith.subi %div3A_1750, %sub3A_1770 : i32
      %select_n3A_1772 = arith.select %and3A_1769, %sub3A_1771, %div3A_1750 : i32
      %jit3A_1773 = arith.constant 4 : i32
      %eq3A_1774 = arith.constant 0 : i32
      %eq3A_1775 = arith.cmpi eq, %jit3A_1773, %eq3A_1774 : i32
      %jit3A_1776 = arith.constant 1 : i32
      %select_n3A_1777 = arith.select %eq3A_1775, %jit3A_1776, %jit3A_1773 : i32
      %rem3A_1778 = arith.remsi %add3A_1748, %select_n3A_1777 : i32
      %ne3A_1779 = arith.constant 0 : i32
      %ne3A_1780 = arith.cmpi ne, %rem3A_1778, %ne3A_1779 : i32
      %lt3A_1781 = arith.constant 0 : i32
      %lt3A_1782 = arith.cmpi slt, %rem3A_1778, %lt3A_1781 : i32
      %lt3A_1783 = arith.constant 0 : i32
      %lt3A_1784 = arith.cmpi slt, %select_n3A_1777, %lt3A_1783 : i32
      %ne3A_1785 = arith.xori %lt3A_1782, %lt3A_1784 : i1
      %and3A_1786 = arith.andi %ne3A_1785, %ne3A_1780 : i1
      %add3A_1787 = arith.addi %rem3A_1778, %select_n3A_1777 : i32
      %select_n3A_1788 = arith.select %and3A_1786, %add3A_1787, %rem3A_1778 : i32
      %mul3A_1789 = arith.constant 1280 : i32
      %mul3A_1790 = arith.muli %select_n3A_1788, %mul3A_1789 : i32
      %multiple_of3A_1791 = tpu.assume_multiple %mul3A_1790, 128 : i32
      %mul3A_1792 = arith.constant 8 : i32
      %mul3A_1793 = arith.muli %select_n3A_1772, %mul3A_1792 : i32
      %add3A_1794 = arith.addi %mul3A_2, %mul3A_1793 : i32
      %dma_start3A_1795 = tpu.memref_slice %arg4[%add3A_1794, %multiple_of3A_1791] : memref<8192x5000xf32, #tpu.memory_space<hbm>> -> memref<8x1280xf32, #tpu.memory_space<hbm>>
      %dma_start3A_1796 = tpu.memref_slice %arg4[%add3A_1794, %multiple_of3A_1791] : memref<8192x5000xf32, #tpu.memory_space<hbm>> -> memref<8x1280xf32, #tpu.memory_space<hbm>>
      tpu.enqueue_dma source(%arg6 : memref<8x1280xf32, #tpu.memory_space<vmem>>) target(%dma_start3A_1796 : memref<8x1280xf32, #tpu.memory_space<hbm>>) target_semaphore(%arg22 : memref<!tpu.dma_semaphore, #tpu.memory_space<semaphore_mem>>)
      %add3A_1797 = arith.constant 1 : i32
      %add3A_1798 = arith.addi %add3A_1696, %add3A_1797 : i32
      %jit3A_1799 = arith.constant 4 : i32
      %div3A_1800 = arith.divsi %add3A_1798, %jit3A_1799 : i32
      %sign3A_1801 = arith.constant 0 : i32
      %sign3A_1802 = arith.cmpi sgt, %add3A_1798, %sign3A_1801 : i32
      %sign3A_1803 = arith.extui %sign3A_1802 : i1 to i32
      %sign3A_1804 = arith.constant 0 : i32
      %sign3A_1805 = arith.cmpi slt, %add3A_1798, %sign3A_1804 : i32
      %sign3A_1806 = arith.extui %sign3A_1805 : i1 to i32
      %sign3A_1807 = arith.subi %sign3A_1803, %sign3A_1806 : i32
      %sign3A_1808 = arith.constant 0 : i32
      %sign3A_1809 = arith.cmpi sgt, %jit3A_1799, %sign3A_1808 : i32
      %sign3A_1810 = arith.extui %sign3A_1809 : i1 to i32
      %sign3A_1811 = arith.constant 0 : i32
      %sign3A_1812 = arith.cmpi slt, %jit3A_1799, %sign3A_1811 : i32
      %sign3A_1813 = arith.extui %sign3A_1812 : i1 to i32
      %sign3A_1814 = arith.subi %sign3A_1810, %sign3A_1813 : i32
      %ne3A_1815 = arith.cmpi ne, %sign3A_1807, %sign3A_1814 : i32
      %rem3A_1816 = arith.remsi %add3A_1798, %jit3A_1799 : i32
      %ne3A_1817 = arith.constant 0 : i32
      %ne3A_1818 = arith.cmpi ne, %rem3A_1816, %ne3A_1817 : i32
      %and3A_1819 = arith.andi %ne3A_1815, %ne3A_1818 : i1
      %sub3A_1820 = arith.constant 1 : i32
      %sub3A_1821 = arith.subi %div3A_1800, %sub3A_1820 : i32
      %select_n3A_1822 = arith.select %and3A_1819, %sub3A_1821, %div3A_1800 : i32
      %jit3A_1823 = arith.constant 4 : i32
      %eq3A_1824 = arith.constant 0 : i32
      %eq3A_1825 = arith.cmpi eq, %jit3A_1823, %eq3A_1824 : i32
      %jit3A_1826 = arith.constant 1 : i32
      %select_n3A_1827 = arith.select %eq3A_1825, %jit3A_1826, %jit3A_1823 : i32
      %rem3A_1828 = arith.remsi %add3A_1798, %select_n3A_1827 : i32
      %ne3A_1829 = arith.constant 0 : i32
      %ne3A_1830 = arith.cmpi ne, %rem3A_1828, %ne3A_1829 : i32
      %lt3A_1831 = arith.constant 0 : i32
      %lt3A_1832 = arith.cmpi slt, %rem3A_1828, %lt3A_1831 : i32
      %lt3A_1833 = arith.constant 0 : i32
      %lt3A_1834 = arith.cmpi slt, %select_n3A_1827, %lt3A_1833 : i32
      %ne3A_1835 = arith.xori %lt3A_1832, %lt3A_1834 : i1
      %and3A_1836 = arith.andi %ne3A_1835, %ne3A_1830 : i1
      %add3A_1837 = arith.addi %rem3A_1828, %select_n3A_1827 : i32
      %select_n3A_1838 = arith.select %and3A_1836, %add3A_1837, %rem3A_1828 : i32
      %mul3A_1839 = arith.constant 1280 : i32
      %mul3A_1840 = arith.muli %select_n3A_1838, %mul3A_1839 : i32
      %multiple_of3A_1841 = tpu.assume_multiple %mul3A_1840, 128 : i32
      %mul3A_1842 = arith.constant 8 : i32
      %mul3A_1843 = arith.muli %select_n3A_1822, %mul3A_1842 : i32
      %dma_wait3A_1844 = tpu.memref_slice %arg5[%mul3A_1843] : memref<256xi32, #tpu.memory_space<vmem>> -> memref<8xi32, #tpu.memory_space<vmem>>
      %dma_wait3A_1845 = arith.constant 0 : i32
      %dma_wait3A_1846 = tpu.memref_slice %arg2[%dma_wait3A_1845, %multiple_of3A_1841] : memref<5000x5000xf32, #tpu.memory_space<hbm>> -> memref<5000x1280xf32, #tpu.memory_space<hbm>>
      tpu.wait_indirect_dma semaphore(%arg15 : memref<!tpu.dma_semaphore, #tpu.memory_space<semaphore_mem>>) src(%dma_wait3A_1846 : memref<5000x1280xf32, #tpu.memory_space<hbm>>) dst(%arg7 : memref<8x1280xf32, #tpu.memory_space<vmem>>)
      %add3A_1847 = arith.constant 1 : i32
      %add3A_1848 = arith.addi %add3A_1696, %add3A_1847 : i32
      %jit3A_1849 = arith.constant 4 : i32
      %div3A_1850 = arith.divsi %add3A_1848, %jit3A_1849 : i32
      %sign3A_1851 = arith.constant 0 : i32
      %sign3A_1852 = arith.cmpi sgt, %add3A_1848, %sign3A_1851 : i32
      %sign3A_1853 = arith.extui %sign3A_1852 : i1 to i32
      %sign3A_1854 = arith.constant 0 : i32
      %sign3A_1855 = arith.cmpi slt, %add3A_1848, %sign3A_1854 : i32
      %sign3A_1856 = arith.extui %sign3A_1855 : i1 to i32
      %sign3A_1857 = arith.subi %sign3A_1853, %sign3A_1856 : i32
      %sign3A_1858 = arith.constant 0 : i32
      %sign3A_1859 = arith.cmpi sgt, %jit3A_1849, %sign3A_1858 : i32
      %sign3A_1860 = arith.extui %sign3A_1859 : i1 to i32
      %sign3A_1861 = arith.constant 0 : i32
      %sign3A_1862 = arith.cmpi slt, %jit3A_1849, %sign3A_1861 : i32
      %sign3A_1863 = arith.extui %sign3A_1862 : i1 to i32
      %sign3A_1864 = arith.subi %sign3A_1860, %sign3A_1863 : i32
      %ne3A_1865 = arith.cmpi ne, %sign3A_1857, %sign3A_1864 : i32
      %rem3A_1866 = arith.remsi %add3A_1848, %jit3A_1849 : i32
      %ne3A_1867 = arith.constant 0 : i32
      %ne3A_1868 = arith.cmpi ne, %rem3A_1866, %ne3A_1867 : i32
      %and3A_1869 = arith.andi %ne3A_1865, %ne3A_1868 : i1
      %sub3A_1870 = arith.constant 1 : i32
      %sub3A_1871 = arith.subi %div3A_1850, %sub3A_1870 : i32
      %select_n3A_1872 = arith.select %and3A_1869, %sub3A_1871, %div3A_1850 : i32
      %jit3A_1873 = arith.constant 4 : i32
      %eq3A_1874 = arith.constant 0 : i32
      %eq3A_1875 = arith.cmpi eq, %jit3A_1873, %eq3A_1874 : i32
      %jit3A_1876 = arith.constant 1 : i32
      %select_n3A_1877 = arith.select %eq3A_1875, %jit3A_1876, %jit3A_1873 : i32
      %rem3A_1878 = arith.remsi %add3A_1848, %select_n3A_1877 : i32
      %ne3A_1879 = arith.constant 0 : i32
      %ne3A_1880 = arith.cmpi ne, %rem3A_1878, %ne3A_1879 : i32
      %lt3A_1881 = arith.constant 0 : i32
      %lt3A_1882 = arith.cmpi slt, %rem3A_1878, %lt3A_1881 : i32
      %lt3A_1883 = arith.constant 0 : i32
      %lt3A_1884 = arith.cmpi slt, %select_n3A_1877, %lt3A_1883 : i32
      %ne3A_1885 = arith.xori %lt3A_1882, %lt3A_1884 : i1
      %and3A_1886 = arith.andi %ne3A_1885, %ne3A_1880 : i1
      %add3A_1887 = arith.addi %rem3A_1878, %select_n3A_1877 : i32
      %select_n3A_1888 = arith.select %and3A_1886, %add3A_1887, %rem3A_1878 : i32
      %mul3A_1889 = arith.constant 1280 : i32
      %mul3A_1890 = arith.muli %select_n3A_1888, %mul3A_1889 : i32
      %multiple_of3A_1891 = tpu.assume_multiple %mul3A_1890, 128 : i32
      %mul3A_1892 = arith.constant 8 : i32
      %mul3A_1893 = arith.muli %select_n3A_1872, %mul3A_1892 : i32
      %add3A_1894 = arith.addi %mul3A_2, %mul3A_1893 : i32
      %dma_start3A_1895 = tpu.memref_slice %arg4[%add3A_1894, %multiple_of3A_1891] : memref<8192x5000xf32, #tpu.memory_space<hbm>> -> memref<8x1280xf32, #tpu.memory_space<hbm>>
      %dma_start3A_1896 = tpu.memref_slice %arg4[%add3A_1894, %multiple_of3A_1891] : memref<8192x5000xf32, #tpu.memory_space<hbm>> -> memref<8x1280xf32, #tpu.memory_space<hbm>>
      tpu.enqueue_dma source(%arg7 : memref<8x1280xf32, #tpu.memory_space<vmem>>) target(%dma_start3A_1896 : memref<8x1280xf32, #tpu.memory_space<hbm>>) target_semaphore(%arg23 : memref<!tpu.dma_semaphore, #tpu.memory_space<semaphore_mem>>)
      %add3A_1897 = arith.constant 2 : i32
      %add3A_1898 = arith.addi %add3A_1696, %add3A_1897 : i32
      %jit3A_1899 = arith.constant 4 : i32
      %div3A_1900 = arith.divsi %add3A_1898, %jit3A_1899 : i32
      %sign3A_1901 = arith.constant 0 : i32
      %sign3A_1902 = arith.cmpi sgt, %add3A_1898, %sign3A_1901 : i32
      %sign3A_1903 = arith.extui %sign3A_1902 : i1 to i32
      %sign3A_1904 = arith.constant 0 : i32
      %sign3A_1905 = arith.cmpi slt, %add3A_1898, %sign3A_1904 : i32
      %sign3A_1906 = arith.extui %sign3A_1905 : i1 to i32
      %sign3A_1907 = arith.subi %sign3A_1903, %sign3A_1906 : i32
      %sign3A_1908 = arith.constant 0 : i32
      %sign3A_1909 = arith.cmpi sgt, %jit3A_1899, %sign3A_1908 : i32
      %sign3A_1910 = arith.extui %sign3A_1909 : i1 to i32
      %sign3A_1911 = arith.constant 0 : i32
      %sign3A_1912 = arith.cmpi slt, %jit3A_1899, %sign3A_1911 : i32
      %sign3A_1913 = arith.extui %sign3A_1912 : i1 to i32
      %sign3A_1914 = arith.subi %sign3A_1910, %sign3A_1913 : i32
      %ne3A_1915 = arith.cmpi ne, %sign3A_1907, %sign3A_1914 : i32
      %rem3A_1916 = arith.remsi %add3A_1898, %jit3A_1899 : i32
      %ne3A_1917 = arith.constant 0 : i32
      %ne3A_1918 = arith.cmpi ne, %rem3A_1916, %ne3A_1917 : i32
      %and3A_1919 = arith.andi %ne3A_1915, %ne3A_1918 : i1
      %sub3A_1920 = arith.constant 1 : i32
      %sub3A_1921 = arith.subi %div3A_1900, %sub3A_1920 : i32
      %select_n3A_1922 = arith.select %and3A_1919, %sub3A_1921, %div3A_1900 : i32
      %jit3A_1923 = arith.constant 4 : i32
      %eq3A_1924 = arith.constant 0 : i32
      %eq3A_1925 = arith.cmpi eq, %jit3A_1923, %eq3A_1924 : i32
      %jit3A_1926 = arith.constant 1 : i32
      %select_n3A_1927 = arith.select %eq3A_1925, %jit3A_1926, %jit3A_1923 : i32
      %rem3A_1928 = arith.remsi %add3A_1898, %select_n3A_1927 : i32
      %ne3A_1929 = arith.constant 0 : i32
      %ne3A_1930 = arith.cmpi ne, %rem3A_1928, %ne3A_1929 : i32
      %lt3A_1931 = arith.constant 0 : i32
      %lt3A_1932 = arith.cmpi slt, %rem3A_1928, %lt3A_1931 : i32
      %lt3A_1933 = arith.constant 0 : i32
      %lt3A_1934 = arith.cmpi slt, %select_n3A_1927, %lt3A_1933 : i32
      %ne3A_1935 = arith.xori %lt3A_1932, %lt3A_1934 : i1
      %and3A_1936 = arith.andi %ne3A_1935, %ne3A_1930 : i1
      %add3A_1937 = arith.addi %rem3A_1928, %select_n3A_1927 : i32
      %select_n3A_1938 = arith.select %and3A_1936, %add3A_1937, %rem3A_1928 : i32
      %mul3A_1939 = arith.constant 1280 : i32
      %mul3A_1940 = arith.muli %select_n3A_1938, %mul3A_1939 : i32
      %multiple_of3A_1941 = tpu.assume_multiple %mul3A_1940, 128 : i32
      %mul3A_1942 = arith.constant 8 : i32
      %mul3A_1943 = arith.muli %select_n3A_1922, %mul3A_1942 : i32
      %dma_wait3A_1944 = tpu.memref_slice %arg5[%mul3A_1943] : memref<256xi32, #tpu.memory_space<vmem>> -> memref<8xi32, #tpu.memory_space<vmem>>
      %dma_wait3A_1945 = arith.constant 0 : i32
      %dma_wait3A_1946 = tpu.memref_slice %arg2[%dma_wait3A_1945, %multiple_of3A_1941] : memref<5000x5000xf32, #tpu.memory_space<hbm>> -> memref<5000x1280xf32, #tpu.memory_space<hbm>>
      tpu.wait_indirect_dma semaphore(%arg16 : memref<!tpu.dma_semaphore, #tpu.memory_space<semaphore_mem>>) src(%dma_wait3A_1946 : memref<5000x1280xf32, #tpu.memory_space<hbm>>) dst(%arg8 : memref<8x1280xf32, #tpu.memory_space<vmem>>)
      %add3A_1947 = arith.constant 2 : i32
      %add3A_1948 = arith.addi %add3A_1696, %add3A_1947 : i32
      %jit3A_1949 = arith.constant 4 : i32
      %div3A_1950 = arith.divsi %add3A_1948, %jit3A_1949 : i32
      %sign3A_1951 = arith.constant 0 : i32
      %sign3A_1952 = arith.cmpi sgt, %add3A_1948, %sign3A_1951 : i32
      %sign3A_1953 = arith.extui %sign3A_1952 : i1 to i32
      %sign3A_1954 = arith.constant 0 : i32
      %sign3A_1955 = arith.cmpi slt, %add3A_1948, %sign3A_1954 : i32
      %sign3A_1956 = arith.extui %sign3A_1955 : i1 to i32
      %sign3A_1957 = arith.subi %sign3A_1953, %sign3A_1956 : i32
      %sign3A_1958 = arith.constant 0 : i32
      %sign3A_1959 = arith.cmpi sgt, %jit3A_1949, %sign3A_1958 : i32
      %sign3A_1960 = arith.extui %sign3A_1959 : i1 to i32
      %sign3A_1961 = arith.constant 0 : i32
      %sign3A_1962 = arith.cmpi slt, %jit3A_1949, %sign3A_1961 : i32
      %sign3A_1963 = arith.extui %sign3A_1962 : i1 to i32
      %sign3A_1964 = arith.subi %sign3A_1960, %sign3A_1963 : i32
      %ne3A_1965 = arith.cmpi ne, %sign3A_1957, %sign3A_1964 : i32
      %rem3A_1966 = arith.remsi %add3A_1948, %jit3A_1949 : i32
      %ne3A_1967 = arith.constant 0 : i32
      %ne3A_1968 = arith.cmpi ne, %rem3A_1966, %ne3A_1967 : i32
      %and3A_1969 = arith.andi %ne3A_1965, %ne3A_1968 : i1
      %sub3A_1970 = arith.constant 1 : i32
      %sub3A_1971 = arith.subi %div3A_1950, %sub3A_1970 : i32
      %select_n3A_1972 = arith.select %and3A_1969, %sub3A_1971, %div3A_1950 : i32
      %jit3A_1973 = arith.constant 4 : i32
      %eq3A_1974 = arith.constant 0 : i32
      %eq3A_1975 = arith.cmpi eq, %jit3A_1973, %eq3A_1974 : i32
      %jit3A_1976 = arith.constant 1 : i32
      %select_n3A_1977 = arith.select %eq3A_1975, %jit3A_1976, %jit3A_1973 : i32
      %rem3A_1978 = arith.remsi %add3A_1948, %select_n3A_1977 : i32
      %ne3A_1979 = arith.constant 0 : i32
      %ne3A_1980 = arith.cmpi ne, %rem3A_1978, %ne3A_1979 : i32
      %lt3A_1981 = arith.constant 0 : i32
      %lt3A_1982 = arith.cmpi slt, %rem3A_1978, %lt3A_1981 : i32
      %lt3A_1983 = arith.constant 0 : i32
      %lt3A_1984 = arith.cmpi slt, %select_n3A_1977, %lt3A_1983 : i32
      %ne3A_1985 = arith.xori %lt3A_1982, %lt3A_1984 : i1
      %and3A_1986 = arith.andi %ne3A_1985, %ne3A_1980 : i1
      %add3A_1987 = arith.addi %rem3A_1978, %select_n3A_1977 : i32
      %select_n3A_1988 = arith.select %and3A_1986, %add3A_1987, %rem3A_1978 : i32
      %mul3A_1989 = arith.constant 1280 : i32
      %mul3A_1990 = arith.muli %select_n3A_1988, %mul3A_1989 : i32
      %multiple_of3A_1991 = tpu.assume_multiple %mul3A_1990, 128 : i32
      %mul3A_1992 = arith.constant 8 : i32
      %mul3A_1993 = arith.muli %select_n3A_1972, %mul3A_1992 : i32
      %add3A_1994 = arith.addi %mul3A_2, %mul3A_1993 : i32
      %dma_start3A_1995 = tpu.memref_slice %arg4[%add3A_1994, %multiple_of3A_1991] : memref<8192x5000xf32, #tpu.memory_space<hbm>> -> memref<8x1280xf32, #tpu.memory_space<hbm>>
      %dma_start3A_1996 = tpu.memref_slice %arg4[%add3A_1994, %multiple_of3A_1991] : memref<8192x5000xf32, #tpu.memory_space<hbm>> -> memref<8x1280xf32, #tpu.memory_space<hbm>>
      tpu.enqueue_dma source(%arg8 : memref<8x1280xf32, #tpu.memory_space<vmem>>) target(%dma_start3A_1996 : memref<8x1280xf32, #tpu.memory_space<hbm>>) target_semaphore(%arg24 : memref<!tpu.dma_semaphore, #tpu.memory_space<semaphore_mem>>)
      %add3A_1997 = arith.constant 3 : i32
      %add3A_1998 = arith.addi %add3A_1696, %add3A_1997 : i32
      %jit3A_1999 = arith.constant 4 : i32
      %div3A_2000 = arith.divsi %add3A_1998, %jit3A_1999 : i32
      %sign3A_2001 = arith.constant 0 : i32
      %sign3A_2002 = arith.cmpi sgt, %add3A_1998, %sign3A_2001 : i32
      %sign3A_2003 = arith.extui %sign3A_2002 : i1 to i32
      %sign3A_2004 = arith.constant 0 : i32
      %sign3A_2005 = arith.cmpi slt, %add3A_1998, %sign3A_2004 : i32
      %sign3A_2006 = arith.extui %sign3A_2005 : i1 to i32
      %sign3A_2007 = arith.subi %sign3A_2003, %sign3A_2006 : i32
      %sign3A_2008 = arith.constant 0 : i32
      %sign3A_2009 = arith.cmpi sgt, %jit3A_1999, %sign3A_2008 : i32
      %sign3A_2010 = arith.extui %sign3A_2009 : i1 to i32
      %sign3A_2011 = arith.constant 0 : i32
      %sign3A_2012 = arith.cmpi slt, %jit3A_1999, %sign3A_2011 : i32
      %sign3A_2013 = arith.extui %sign3A_2012 : i1 to i32
      %sign3A_2014 = arith.subi %sign3A_2010, %sign3A_2013 : i32
      %ne3A_2015 = arith.cmpi ne, %sign3A_2007, %sign3A_2014 : i32
      %rem3A_2016 = arith.remsi %add3A_1998, %jit3A_1999 : i32
      %ne3A_2017 = arith.constant 0 : i32
      %ne3A_2018 = arith.cmpi ne, %rem3A_2016, %ne3A_2017 : i32
      %and3A_2019 = arith.andi %ne3A_2015, %ne3A_2018 : i1
      %sub3A_2020 = arith.constant 1 : i32
      %sub3A_2021 = arith.subi %div3A_2000, %sub3A_2020 : i32
      %select_n3A_2022 = arith.select %and3A_2019, %sub3A_2021, %div3A_2000 : i32
      %jit3A_2023 = arith.constant 4 : i32
      %eq3A_2024 = arith.constant 0 : i32
      %eq3A_2025 = arith.cmpi eq, %jit3A_2023, %eq3A_2024 : i32
      %jit3A_2026 = arith.constant 1 : i32
      %select_n3A_2027 = arith.select %eq3A_2025, %jit3A_2026, %jit3A_2023 : i32
      %rem3A_2028 = arith.remsi %add3A_1998, %select_n3A_2027 : i32
      %ne3A_2029 = arith.constant 0 : i32
      %ne3A_2030 = arith.cmpi ne, %rem3A_2028, %ne3A_2029 : i32
      %lt3A_2031 = arith.constant 0 : i32
      %lt3A_2032 = arith.cmpi slt, %rem3A_2028, %lt3A_2031 : i32
      %lt3A_2033 = arith.constant 0 : i32
      %lt3A_2034 = arith.cmpi slt, %select_n3A_2027, %lt3A_2033 : i32
      %ne3A_2035 = arith.xori %lt3A_2032, %lt3A_2034 : i1
      %and3A_2036 = arith.andi %ne3A_2035, %ne3A_2030 : i1
      %add3A_2037 = arith.addi %rem3A_2028, %select_n3A_2027 : i32
      %select_n3A_2038 = arith.select %and3A_2036, %add3A_2037, %rem3A_2028 : i32
      %mul3A_2039 = arith.constant 1280 : i32
      %mul3A_2040 = arith.muli %select_n3A_2038, %mul3A_2039 : i32
      %multiple_of3A_2041 = tpu.assume_multiple %mul3A_2040, 128 : i32
      %mul3A_2042 = arith.constant 8 : i32
      %mul3A_2043 = arith.muli %select_n3A_2022, %mul3A_2042 : i32
      %dma_wait3A_2044 = tpu.memref_slice %arg5[%mul3A_2043] : memref<256xi32, #tpu.memory_space<vmem>> -> memref<8xi32, #tpu.memory_space<vmem>>
      %dma_wait3A_2045 = arith.constant 0 : i32
      %dma_wait3A_2046 = tpu.memref_slice %arg2[%dma_wait3A_2045, %multiple_of3A_2041] : memref<5000x5000xf32, #tpu.memory_space<hbm>> -> memref<5000x1280xf32, #tpu.memory_space<hbm>>
      tpu.wait_indirect_dma semaphore(%arg17 : memref<!tpu.dma_semaphore, #tpu.memory_space<semaphore_mem>>) src(%dma_wait3A_2046 : memref<5000x1280xf32, #tpu.memory_space<hbm>>) dst(%arg9 : memref<8x1280xf32, #tpu.memory_space<vmem>>)
      %add3A_2047 = arith.constant 3 : i32
      %add3A_2048 = arith.addi %add3A_1696, %add3A_2047 : i32
      %jit3A_2049 = arith.constant 4 : i32
      %div3A_2050 = arith.divsi %add3A_2048, %jit3A_2049 : i32
      %sign3A_2051 = arith.constant 0 : i32
      %sign3A_2052 = arith.cmpi sgt, %add3A_2048, %sign3A_2051 : i32
      %sign3A_2053 = arith.extui %sign3A_2052 : i1 to i32
      %sign3A_2054 = arith.constant 0 : i32
      %sign3A_2055 = arith.cmpi slt, %add3A_2048, %sign3A_2054 : i32
      %sign3A_2056 = arith.extui %sign3A_2055 : i1 to i32
      %sign3A_2057 = arith.subi %sign3A_2053, %sign3A_2056 : i32
      %sign3A_2058 = arith.constant 0 : i32
      %sign3A_2059 = arith.cmpi sgt, %jit3A_2049, %sign3A_2058 : i32
      %sign3A_2060 = arith.extui %sign3A_2059 : i1 to i32
      %sign3A_2061 = arith.constant 0 : i32
      %sign3A_2062 = arith.cmpi slt, %jit3A_2049, %sign3A_2061 : i32
      %sign3A_2063 = arith.extui %sign3A_2062 : i1 to i32
      %sign3A_2064 = arith.subi %sign3A_2060, %sign3A_2063 : i32
      %ne3A_2065 = arith.cmpi ne, %sign3A_2057, %sign3A_2064 : i32
      %rem3A_2066 = arith.remsi %add3A_2048, %jit3A_2049 : i32
      %ne3A_2067 = arith.constant 0 : i32
      %ne3A_2068 = arith.cmpi ne, %rem3A_2066, %ne3A_2067 : i32
      %and3A_2069 = arith.andi %ne3A_2065, %ne3A_2068 : i1
      %sub3A_2070 = arith.constant 1 : i32
      %sub3A_2071 = arith.subi %div3A_2050, %sub3A_2070 : i32
      %select_n3A_2072 = arith.select %and3A_2069, %sub3A_2071, %div3A_2050 : i32
      %jit3A_2073 = arith.constant 4 : i32
      %eq3A_2074 = arith.constant 0 : i32
      %eq3A_2075 = arith.cmpi eq, %jit3A_2073, %eq3A_2074 : i32
      %jit3A_2076 = arith.constant 1 : i32
      %select_n3A_2077 = arith.select %eq3A_2075, %jit3A_2076, %jit3A_2073 : i32
      %rem3A_2078 = arith.remsi %add3A_2048, %select_n3A_2077 : i32
      %ne3A_2079 = arith.constant 0 : i32
      %ne3A_2080 = arith.cmpi ne, %rem3A_2078, %ne3A_2079 : i32
      %lt3A_2081 = arith.constant 0 : i32
      %lt3A_2082 = arith.cmpi slt, %rem3A_2078, %lt3A_2081 : i32
      %lt3A_2083 = arith.constant 0 : i32
      %lt3A_2084 = arith.cmpi slt, %select_n3A_2077, %lt3A_2083 : i32
      %ne3A_2085 = arith.xori %lt3A_2082, %lt3A_2084 : i1
      %and3A_2086 = arith.andi %ne3A_2085, %ne3A_2080 : i1
      %add3A_2087 = arith.addi %rem3A_2078, %select_n3A_2077 : i32
      %select_n3A_2088 = arith.select %and3A_2086, %add3A_2087, %rem3A_2078 : i32
      %mul3A_2089 = arith.constant 1280 : i32
      %mul3A_2090 = arith.muli %select_n3A_2088, %mul3A_2089 : i32
      %multiple_of3A_2091 = tpu.assume_multiple %mul3A_2090, 128 : i32
      %mul3A_2092 = arith.constant 8 : i32
      %mul3A_2093 = arith.muli %select_n3A_2072, %mul3A_2092 : i32
      %add3A_2094 = arith.addi %mul3A_2, %mul3A_2093 : i32
      %dma_start3A_2095 = tpu.memref_slice %arg4[%add3A_2094, %multiple_of3A_2091] : memref<8192x5000xf32, #tpu.memory_space<hbm>> -> memref<8x1280xf32, #tpu.memory_space<hbm>>
      %dma_start3A_2096 = tpu.memref_slice %arg4[%add3A_2094, %multiple_of3A_2091] : memref<8192x5000xf32, #tpu.memory_space<hbm>> -> memref<8x1280xf32, #tpu.memory_space<hbm>>
      tpu.enqueue_dma source(%arg9 : memref<8x1280xf32, #tpu.memory_space<vmem>>) target(%dma_start3A_2096 : memref<8x1280xf32, #tpu.memory_space<hbm>>) target_semaphore(%arg25 : memref<!tpu.dma_semaphore, #tpu.memory_space<semaphore_mem>>)
      %add3A_2097 = arith.constant 4 : i32
      %add3A_2098 = arith.addi %add3A_1696, %add3A_2097 : i32
      %jit3A_2099 = arith.constant 4 : i32
      %div3A_2100 = arith.divsi %add3A_2098, %jit3A_2099 : i32
      %sign3A_2101 = arith.constant 0 : i32
      %sign3A_2102 = arith.cmpi sgt, %add3A_2098, %sign3A_2101 : i32
      %sign3A_2103 = arith.extui %sign3A_2102 : i1 to i32
      %sign3A_2104 = arith.constant 0 : i32
      %sign3A_2105 = arith.cmpi slt, %add3A_2098, %sign3A_2104 : i32
      %sign3A_2106 = arith.extui %sign3A_2105 : i1 to i32
      %sign3A_2107 = arith.subi %sign3A_2103, %sign3A_2106 : i32
      %sign3A_2108 = arith.constant 0 : i32
      %sign3A_2109 = arith.cmpi sgt, %jit3A_2099, %sign3A_2108 : i32
      %sign3A_2110 = arith.extui %sign3A_2109 : i1 to i32
      %sign3A_2111 = arith.constant 0 : i32
      %sign3A_2112 = arith.cmpi slt, %jit3A_2099, %sign3A_2111 : i32
      %sign3A_2113 = arith.extui %sign3A_2112 : i1 to i32
      %sign3A_2114 = arith.subi %sign3A_2110, %sign3A_2113 : i32
      %ne3A_2115 = arith.cmpi ne, %sign3A_2107, %sign3A_2114 : i32
      %rem3A_2116 = arith.remsi %add3A_2098, %jit3A_2099 : i32
      %ne3A_2117 = arith.constant 0 : i32
      %ne3A_2118 = arith.cmpi ne, %rem3A_2116, %ne3A_2117 : i32
      %and3A_2119 = arith.andi %ne3A_2115, %ne3A_2118 : i1
      %sub3A_2120 = arith.constant 1 : i32
      %sub3A_2121 = arith.subi %div3A_2100, %sub3A_2120 : i32
      %select_n3A_2122 = arith.select %and3A_2119, %sub3A_2121, %div3A_2100 : i32
      %jit3A_2123 = arith.constant 4 : i32
      %eq3A_2124 = arith.constant 0 : i32
      %eq3A_2125 = arith.cmpi eq, %jit3A_2123, %eq3A_2124 : i32
      %jit3A_2126 = arith.constant 1 : i32
      %select_n3A_2127 = arith.select %eq3A_2125, %jit3A_2126, %jit3A_2123 : i32
      %rem3A_2128 = arith.remsi %add3A_2098, %select_n3A_2127 : i32
      %ne3A_2129 = arith.constant 0 : i32
      %ne3A_2130 = arith.cmpi ne, %rem3A_2128, %ne3A_2129 : i32
      %lt3A_2131 = arith.constant 0 : i32
      %lt3A_2132 = arith.cmpi slt, %rem3A_2128, %lt3A_2131 : i32
      %lt3A_2133 = arith.constant 0 : i32
      %lt3A_2134 = arith.cmpi slt, %select_n3A_2127, %lt3A_2133 : i32
      %ne3A_2135 = arith.xori %lt3A_2132, %lt3A_2134 : i1
      %and3A_2136 = arith.andi %ne3A_2135, %ne3A_2130 : i1
      %add3A_2137 = arith.addi %rem3A_2128, %select_n3A_2127 : i32
      %select_n3A_2138 = arith.select %and3A_2136, %add3A_2137, %rem3A_2128 : i32
      %mul3A_2139 = arith.constant 1280 : i32
      %mul3A_2140 = arith.muli %select_n3A_2138, %mul3A_2139 : i32
      %multiple_of3A_2141 = tpu.assume_multiple %mul3A_2140, 128 : i32
      %mul3A_2142 = arith.constant 8 : i32
      %mul3A_2143 = arith.muli %select_n3A_2122, %mul3A_2142 : i32
      %dma_wait3A_2144 = tpu.memref_slice %arg5[%mul3A_2143] : memref<256xi32, #tpu.memory_space<vmem>> -> memref<8xi32, #tpu.memory_space<vmem>>
      %dma_wait3A_2145 = arith.constant 0 : i32
      %dma_wait3A_2146 = tpu.memref_slice %arg2[%dma_wait3A_2145, %multiple_of3A_2141] : memref<5000x5000xf32, #tpu.memory_space<hbm>> -> memref<5000x1280xf32, #tpu.memory_space<hbm>>
      tpu.wait_indirect_dma semaphore(%arg18 : memref<!tpu.dma_semaphore, #tpu.memory_space<semaphore_mem>>) src(%dma_wait3A_2146 : memref<5000x1280xf32, #tpu.memory_space<hbm>>) dst(%arg10 : memref<8x1280xf32, #tpu.memory_space<vmem>>)
      %add3A_2147 = arith.constant 4 : i32
      %add3A_2148 = arith.addi %add3A_1696, %add3A_2147 : i32
      %jit3A_2149 = arith.constant 4 : i32
      %div3A_2150 = arith.divsi %add3A_2148, %jit3A_2149 : i32
      %sign3A_2151 = arith.constant 0 : i32
      %sign3A_2152 = arith.cmpi sgt, %add3A_2148, %sign3A_2151 : i32
      %sign3A_2153 = arith.extui %sign3A_2152 : i1 to i32
      %sign3A_2154 = arith.constant 0 : i32
      %sign3A_2155 = arith.cmpi slt, %add3A_2148, %sign3A_2154 : i32
      %sign3A_2156 = arith.extui %sign3A_2155 : i1 to i32
      %sign3A_2157 = arith.subi %sign3A_2153, %sign3A_2156 : i32
      %sign3A_2158 = arith.constant 0 : i32
      %sign3A_2159 = arith.cmpi sgt, %jit3A_2149, %sign3A_2158 : i32
      %sign3A_2160 = arith.extui %sign3A_2159 : i1 to i32
      %sign3A_2161 = arith.constant 0 : i32
      %sign3A_2162 = arith.cmpi slt, %jit3A_2149, %sign3A_2161 : i32
      %sign3A_2163 = arith.extui %sign3A_2162 : i1 to i32
      %sign3A_2164 = arith.subi %sign3A_2160, %sign3A_2163 : i32
      %ne3A_2165 = arith.cmpi ne, %sign3A_2157, %sign3A_2164 : i32
      %rem3A_2166 = arith.remsi %add3A_2148, %jit3A_2149 : i32
      %ne3A_2167 = arith.constant 0 : i32
      %ne3A_2168 = arith.cmpi ne, %rem3A_2166, %ne3A_2167 : i32
      %and3A_2169 = arith.andi %ne3A_2165, %ne3A_2168 : i1
      %sub3A_2170 = arith.constant 1 : i32
      %sub3A_2171 = arith.subi %div3A_2150, %sub3A_2170 : i32
      %select_n3A_2172 = arith.select %and3A_2169, %sub3A_2171, %div3A_2150 : i32
      %jit3A_2173 = arith.constant 4 : i32
      %eq3A_2174 = arith.constant 0 : i32
      %eq3A_2175 = arith.cmpi eq, %jit3A_2173, %eq3A_2174 : i32
      %jit3A_2176 = arith.constant 1 : i32
      %select_n3A_2177 = arith.select %eq3A_2175, %jit3A_2176, %jit3A_2173 : i32
      %rem3A_2178 = arith.remsi %add3A_2148, %select_n3A_2177 : i32
      %ne3A_2179 = arith.constant 0 : i32
      %ne3A_2180 = arith.cmpi ne, %rem3A_2178, %ne3A_2179 : i32
      %lt3A_2181 = arith.constant 0 : i32
      %lt3A_2182 = arith.cmpi slt, %rem3A_2178, %lt3A_2181 : i32
      %lt3A_2183 = arith.constant 0 : i32
      %lt3A_2184 = arith.cmpi slt, %select_n3A_2177, %lt3A_2183 : i32
      %ne3A_2185 = arith.xori %lt3A_2182, %lt3A_2184 : i1
      %and3A_2186 = arith.andi %ne3A_2185, %ne3A_2180 : i1
      %add3A_2187 = arith.addi %rem3A_2178, %select_n3A_2177 : i32
      %select_n3A_2188 = arith.select %and3A_2186, %add3A_2187, %rem3A_2178 : i32
      %mul3A_2189 = arith.constant 1280 : i32
      %mul3A_2190 = arith.muli %select_n3A_2188, %mul3A_2189 : i32
      %multiple_of3A_2191 = tpu.assume_multiple %mul3A_2190, 128 : i32
      %mul3A_2192 = arith.constant 8 : i32
      %mul3A_2193 = arith.muli %select_n3A_2172, %mul3A_2192 : i32
      %add3A_2194 = arith.addi %mul3A_2, %mul3A_2193 : i32
      %dma_start3A_2195 = tpu.memref_slice %arg4[%add3A_2194, %multiple_of3A_2191] : memref<8192x5000xf32, #tpu.memory_space<hbm>> -> memref<8x1280xf32, #tpu.memory_space<hbm>>
      %dma_start3A_2196 = tpu.memref_slice %arg4[%add3A_2194, %multiple_of3A_2191] : memref<8192x5000xf32, #tpu.memory_space<hbm>> -> memref<8x1280xf32, #tpu.memory_space<hbm>>
      tpu.enqueue_dma source(%arg10 : memref<8x1280xf32, #tpu.memory_space<vmem>>) target(%dma_start3A_2196 : memref<8x1280xf32, #tpu.memory_space<hbm>>) target_semaphore(%arg26 : memref<!tpu.dma_semaphore, #tpu.memory_space<semaphore_mem>>)
      %add3A_2197 = arith.constant 5 : i32
      %add3A_2198 = arith.addi %add3A_1696, %add3A_2197 : i32
      %jit3A_2199 = arith.constant 4 : i32
      %div3A_2200 = arith.divsi %add3A_2198, %jit3A_2199 : i32
      %sign3A_2201 = arith.constant 0 : i32
      %sign3A_2202 = arith.cmpi sgt, %add3A_2198, %sign3A_2201 : i32
      %sign3A_2203 = arith.extui %sign3A_2202 : i1 to i32
      %sign3A_2204 = arith.constant 0 : i32
      %sign3A_2205 = arith.cmpi slt, %add3A_2198, %sign3A_2204 : i32
      %sign3A_2206 = arith.extui %sign3A_2205 : i1 to i32
      %sign3A_2207 = arith.subi %sign3A_2203, %sign3A_2206 : i32
      %sign3A_2208 = arith.constant 0 : i32
      %sign3A_2209 = arith.cmpi sgt, %jit3A_2199, %sign3A_2208 : i32
      %sign3A_2210 = arith.extui %sign3A_2209 : i1 to i32
      %sign3A_2211 = arith.constant 0 : i32
      %sign3A_2212 = arith.cmpi slt, %jit3A_2199, %sign3A_2211 : i32
      %sign3A_2213 = arith.extui %sign3A_2212 : i1 to i32
      %sign3A_2214 = arith.subi %sign3A_2210, %sign3A_2213 : i32
      %ne3A_2215 = arith.cmpi ne, %sign3A_2207, %sign3A_2214 : i32
      %rem3A_2216 = arith.remsi %add3A_2198, %jit3A_2199 : i32
      %ne3A_2217 = arith.constant 0 : i32
      %ne3A_2218 = arith.cmpi ne, %rem3A_2216, %ne3A_2217 : i32
      %and3A_2219 = arith.andi %ne3A_2215, %ne3A_2218 : i1
      %sub3A_2220 = arith.constant 1 : i32
      %sub3A_2221 = arith.subi %div3A_2200, %sub3A_2220 : i32
      %select_n3A_2222 = arith.select %and3A_2219, %sub3A_2221, %div3A_2200 : i32
      %jit3A_2223 = arith.constant 4 : i32
      %eq3A_2224 = arith.constant 0 : i32
      %eq3A_2225 = arith.cmpi eq, %jit3A_2223, %eq3A_2224 : i32
      %jit3A_2226 = arith.constant 1 : i32
      %select_n3A_2227 = arith.select %eq3A_2225, %jit3A_2226, %jit3A_2223 : i32
      %rem3A_2228 = arith.remsi %add3A_2198, %select_n3A_2227 : i32
      %ne3A_2229 = arith.constant 0 : i32
      %ne3A_2230 = arith.cmpi ne, %rem3A_2228, %ne3A_2229 : i32
      %lt3A_2231 = arith.constant 0 : i32
      %lt3A_2232 = arith.cmpi slt, %rem3A_2228, %lt3A_2231 : i32
      %lt3A_2233 = arith.constant 0 : i32
      %lt3A_2234 = arith.cmpi slt, %select_n3A_2227, %lt3A_2233 : i32
      %ne3A_2235 = arith.xori %lt3A_2232, %lt3A_2234 : i1
      %and3A_2236 = arith.andi %ne3A_2235, %ne3A_2230 : i1
      %add3A_2237 = arith.addi %rem3A_2228, %select_n3A_2227 : i32
      %select_n3A_2238 = arith.select %and3A_2236, %add3A_2237, %rem3A_2228 : i32
      %mul3A_2239 = arith.constant 1280 : i32
      %mul3A_2240 = arith.muli %select_n3A_2238, %mul3A_2239 : i32
      %multiple_of3A_2241 = tpu.assume_multiple %mul3A_2240, 128 : i32
      %mul3A_2242 = arith.constant 8 : i32
      %mul3A_2243 = arith.muli %select_n3A_2222, %mul3A_2242 : i32
      %dma_wait3A_2244 = tpu.memref_slice %arg5[%mul3A_2243] : memref<256xi32, #tpu.memory_space<vmem>> -> memref<8xi32, #tpu.memory_space<vmem>>
      %dma_wait3A_2245 = arith.constant 0 : i32
      %dma_wait3A_2246 = tpu.memref_slice %arg2[%dma_wait3A_2245, %multiple_of3A_2241] : memref<5000x5000xf32, #tpu.memory_space<hbm>> -> memref<5000x1280xf32, #tpu.memory_space<hbm>>
      tpu.wait_indirect_dma semaphore(%arg19 : memref<!tpu.dma_semaphore, #tpu.memory_space<semaphore_mem>>) src(%dma_wait3A_2246 : memref<5000x1280xf32, #tpu.memory_space<hbm>>) dst(%arg11 : memref<8x1280xf32, #tpu.memory_space<vmem>>)
      %add3A_2247 = arith.constant 5 : i32
      %add3A_2248 = arith.addi %add3A_1696, %add3A_2247 : i32
      %jit3A_2249 = arith.constant 4 : i32
      %div3A_2250 = arith.divsi %add3A_2248, %jit3A_2249 : i32
      %sign3A_2251 = arith.constant 0 : i32
      %sign3A_2252 = arith.cmpi sgt, %add3A_2248, %sign3A_2251 : i32
      %sign3A_2253 = arith.extui %sign3A_2252 : i1 to i32
      %sign3A_2254 = arith.constant 0 : i32
      %sign3A_2255 = arith.cmpi slt, %add3A_2248, %sign3A_2254 : i32
      %sign3A_2256 = arith.extui %sign3A_2255 : i1 to i32
      %sign3A_2257 = arith.subi %sign3A_2253, %sign3A_2256 : i32
      %sign3A_2258 = arith.constant 0 : i32
      %sign3A_2259 = arith.cmpi sgt, %jit3A_2249, %sign3A_2258 : i32
      %sign3A_2260 = arith.extui %sign3A_2259 : i1 to i32
      %sign3A_2261 = arith.constant 0 : i32
      %sign3A_2262 = arith.cmpi slt, %jit3A_2249, %sign3A_2261 : i32
      %sign3A_2263 = arith.extui %sign3A_2262 : i1 to i32
      %sign3A_2264 = arith.subi %sign3A_2260, %sign3A_2263 : i32
      %ne3A_2265 = arith.cmpi ne, %sign3A_2257, %sign3A_2264 : i32
      %rem3A_2266 = arith.remsi %add3A_2248, %jit3A_2249 : i32
      %ne3A_2267 = arith.constant 0 : i32
      %ne3A_2268 = arith.cmpi ne, %rem3A_2266, %ne3A_2267 : i32
      %and3A_2269 = arith.andi %ne3A_2265, %ne3A_2268 : i1
      %sub3A_2270 = arith.constant 1 : i32
      %sub3A_2271 = arith.subi %div3A_2250, %sub3A_2270 : i32
      %select_n3A_2272 = arith.select %and3A_2269, %sub3A_2271, %div3A_2250 : i32
      %jit3A_2273 = arith.constant 4 : i32
      %eq3A_2274 = arith.constant 0 : i32
      %eq3A_2275 = arith.cmpi eq, %jit3A_2273, %eq3A_2274 : i32
      %jit3A_2276 = arith.constant 1 : i32
      %select_n3A_2277 = arith.select %eq3A_2275, %jit3A_2276, %jit3A_2273 : i32
      %rem3A_2278 = arith.remsi %add3A_2248, %select_n3A_2277 : i32
      %ne3A_2279 = arith.constant 0 : i32
      %ne3A_2280 = arith.cmpi ne, %rem3A_2278, %ne3A_2279 : i32
      %lt3A_2281 = arith.constant 0 : i32
      %lt3A_2282 = arith.cmpi slt, %rem3A_2278, %lt3A_2281 : i32
      %lt3A_2283 = arith.constant 0 : i32
      %lt3A_2284 = arith.cmpi slt, %select_n3A_2277, %lt3A_2283 : i32
      %ne3A_2285 = arith.xori %lt3A_2282, %lt3A_2284 : i1
      %and3A_2286 = arith.andi %ne3A_2285, %ne3A_2280 : i1
      %add3A_2287 = arith.addi %rem3A_2278, %select_n3A_2277 : i32
      %select_n3A_2288 = arith.select %and3A_2286, %add3A_2287, %rem3A_2278 : i32
      %mul3A_2289 = arith.constant 1280 : i32
      %mul3A_2290 = arith.muli %select_n3A_2288, %mul3A_2289 : i32
      %multiple_of3A_2291 = tpu.assume_multiple %mul3A_2290, 128 : i32
      %mul3A_2292 = arith.constant 8 : i32
      %mul3A_2293 = arith.muli %select_n3A_2272, %mul3A_2292 : i32
      %add3A_2294 = arith.addi %mul3A_2, %mul3A_2293 : i32
      %dma_start3A_2295 = tpu.memref_slice %arg4[%add3A_2294, %multiple_of3A_2291] : memref<8192x5000xf32, #tpu.memory_space<hbm>> -> memref<8x1280xf32, #tpu.memory_space<hbm>>
      %dma_start3A_2296 = tpu.memref_slice %arg4[%add3A_2294, %multiple_of3A_2291] : memref<8192x5000xf32, #tpu.memory_space<hbm>> -> memref<8x1280xf32, #tpu.memory_space<hbm>>
      tpu.enqueue_dma source(%arg11 : memref<8x1280xf32, #tpu.memory_space<vmem>>) target(%dma_start3A_2296 : memref<8x1280xf32, #tpu.memory_space<hbm>>) target_semaphore(%arg27 : memref<!tpu.dma_semaphore, #tpu.memory_space<semaphore_mem>>)
      %add3A_2297 = arith.constant 6 : i32
      %add3A_2298 = arith.addi %add3A_1696, %add3A_2297 : i32
      %jit3A_2299 = arith.constant 4 : i32
      %div3A_2300 = arith.divsi %add3A_2298, %jit3A_2299 : i32
      %sign3A_2301 = arith.constant 0 : i32
      %sign3A_2302 = arith.cmpi sgt, %add3A_2298, %sign3A_2301 : i32
      %sign3A_2303 = arith.extui %sign3A_2302 : i1 to i32
      %sign3A_2304 = arith.constant 0 : i32
      %sign3A_2305 = arith.cmpi slt, %add3A_2298, %sign3A_2304 : i32
      %sign3A_2306 = arith.extui %sign3A_2305 : i1 to i32
      %sign3A_2307 = arith.subi %sign3A_2303, %sign3A_2306 : i32
      %sign3A_2308 = arith.constant 0 : i32
      %sign3A_2309 = arith.cmpi sgt, %jit3A_2299, %sign3A_2308 : i32
      %sign3A_2310 = arith.extui %sign3A_2309 : i1 to i32
      %sign3A_2311 = arith.constant 0 : i32
      %sign3A_2312 = arith.cmpi slt, %jit3A_2299, %sign3A_2311 : i32
      %sign3A_2313 = arith.extui %sign3A_2312 : i1 to i32
      %sign3A_2314 = arith.subi %sign3A_2310, %sign3A_2313 : i32
      %ne3A_2315 = arith.cmpi ne, %sign3A_2307, %sign3A_2314 : i32
      %rem3A_2316 = arith.remsi %add3A_2298, %jit3A_2299 : i32
      %ne3A_2317 = arith.constant 0 : i32
      %ne3A_2318 = arith.cmpi ne, %rem3A_2316, %ne3A_2317 : i32
      %and3A_2319 = arith.andi %ne3A_2315, %ne3A_2318 : i1
      %sub3A_2320 = arith.constant 1 : i32
      %sub3A_2321 = arith.subi %div3A_2300, %sub3A_2320 : i32
      %select_n3A_2322 = arith.select %and3A_2319, %sub3A_2321, %div3A_2300 : i32
      %jit3A_2323 = arith.constant 4 : i32
      %eq3A_2324 = arith.constant 0 : i32
      %eq3A_2325 = arith.cmpi eq, %jit3A_2323, %eq3A_2324 : i32
      %jit3A_2326 = arith.constant 1 : i32
      %select_n3A_2327 = arith.select %eq3A_2325, %jit3A_2326, %jit3A_2323 : i32
      %rem3A_2328 = arith.remsi %add3A_2298, %select_n3A_2327 : i32
      %ne3A_2329 = arith.constant 0 : i32
      %ne3A_2330 = arith.cmpi ne, %rem3A_2328, %ne3A_2329 : i32
      %lt3A_2331 = arith.constant 0 : i32
      %lt3A_2332 = arith.cmpi slt, %rem3A_2328, %lt3A_2331 : i32
      %lt3A_2333 = arith.constant 0 : i32
      %lt3A_2334 = arith.cmpi slt, %select_n3A_2327, %lt3A_2333 : i32
      %ne3A_2335 = arith.xori %lt3A_2332, %lt3A_2334 : i1
      %and3A_2336 = arith.andi %ne3A_2335, %ne3A_2330 : i1
      %add3A_2337 = arith.addi %rem3A_2328, %select_n3A_2327 : i32
      %select_n3A_2338 = arith.select %and3A_2336, %add3A_2337, %rem3A_2328 : i32
      %mul3A_2339 = arith.constant 1280 : i32
      %mul3A_2340 = arith.muli %select_n3A_2338, %mul3A_2339 : i32
      %multiple_of3A_2341 = tpu.assume_multiple %mul3A_2340, 128 : i32
      %mul3A_2342 = arith.constant 8 : i32
      %mul3A_2343 = arith.muli %select_n3A_2322, %mul3A_2342 : i32
      %dma_wait3A_2344 = tpu.memref_slice %arg5[%mul3A_2343] : memref<256xi32, #tpu.memory_space<vmem>> -> memref<8xi32, #tpu.memory_space<vmem>>
      %dma_wait3A_2345 = arith.constant 0 : i32
      %dma_wait3A_2346 = tpu.memref_slice %arg2[%dma_wait3A_2345, %multiple_of3A_2341] : memref<5000x5000xf32, #tpu.memory_space<hbm>> -> memref<5000x1280xf32, #tpu.memory_space<hbm>>
      tpu.wait_indirect_dma semaphore(%arg20 : memref<!tpu.dma_semaphore, #tpu.memory_space<semaphore_mem>>) src(%dma_wait3A_2346 : memref<5000x1280xf32, #tpu.memory_space<hbm>>) dst(%arg12 : memref<8x1280xf32, #tpu.memory_space<vmem>>)
      %add3A_2347 = arith.constant 6 : i32
      %add3A_2348 = arith.addi %add3A_1696, %add3A_2347 : i32
      %jit3A_2349 = arith.constant 4 : i32
      %div3A_2350 = arith.divsi %add3A_2348, %jit3A_2349 : i32
      %sign3A_2351 = arith.constant 0 : i32
      %sign3A_2352 = arith.cmpi sgt, %add3A_2348, %sign3A_2351 : i32
      %sign3A_2353 = arith.extui %sign3A_2352 : i1 to i32
      %sign3A_2354 = arith.constant 0 : i32
      %sign3A_2355 = arith.cmpi slt, %add3A_2348, %sign3A_2354 : i32
      %sign3A_2356 = arith.extui %sign3A_2355 : i1 to i32
      %sign3A_2357 = arith.subi %sign3A_2353, %sign3A_2356 : i32
      %sign3A_2358 = arith.constant 0 : i32
      %sign3A_2359 = arith.cmpi sgt, %jit3A_2349, %sign3A_2358 : i32
      %sign3A_2360 = arith.extui %sign3A_2359 : i1 to i32
      %sign3A_2361 = arith.constant 0 : i32
      %sign3A_2362 = arith.cmpi slt, %jit3A_2349, %sign3A_2361 : i32
      %sign3A_2363 = arith.extui %sign3A_2362 : i1 to i32
      %sign3A_2364 = arith.subi %sign3A_2360, %sign3A_2363 : i32
      %ne3A_2365 = arith.cmpi ne, %sign3A_2357, %sign3A_2364 : i32
      %rem3A_2366 = arith.remsi %add3A_2348, %jit3A_2349 : i32
      %ne3A_2367 = arith.constant 0 : i32
      %ne3A_2368 = arith.cmpi ne, %rem3A_2366, %ne3A_2367 : i32
      %and3A_2369 = arith.andi %ne3A_2365, %ne3A_2368 : i1
      %sub3A_2370 = arith.constant 1 : i32
      %sub3A_2371 = arith.subi %div3A_2350, %sub3A_2370 : i32
      %select_n3A_2372 = arith.select %and3A_2369, %sub3A_2371, %div3A_2350 : i32
      %jit3A_2373 = arith.constant 4 : i32
      %eq3A_2374 = arith.constant 0 : i32
      %eq3A_2375 = arith.cmpi eq, %jit3A_2373, %eq3A_2374 : i32
      %jit3A_2376 = arith.constant 1 : i32
      %select_n3A_2377 = arith.select %eq3A_2375, %jit3A_2376, %jit3A_2373 : i32
      %rem3A_2378 = arith.remsi %add3A_2348, %select_n3A_2377 : i32
      %ne3A_2379 = arith.constant 0 : i32
      %ne3A_2380 = arith.cmpi ne, %rem3A_2378, %ne3A_2379 : i32
      %lt3A_2381 = arith.constant 0 : i32
      %lt3A_2382 = arith.cmpi slt, %rem3A_2378, %lt3A_2381 : i32
      %lt3A_2383 = arith.constant 0 : i32
      %lt3A_2384 = arith.cmpi slt, %select_n3A_2377, %lt3A_2383 : i32
      %ne3A_2385 = arith.xori %lt3A_2382, %lt3A_2384 : i1
      %and3A_2386 = arith.andi %ne3A_2385, %ne3A_2380 : i1
      %add3A_2387 = arith.addi %rem3A_2378, %select_n3A_2377 : i32
      %select_n3A_2388 = arith.select %and3A_2386, %add3A_2387, %rem3A_2378 : i32
      %mul3A_2389 = arith.constant 1280 : i32
      %mul3A_2390 = arith.muli %select_n3A_2388, %mul3A_2389 : i32
      %multiple_of3A_2391 = tpu.assume_multiple %mul3A_2390, 128 : i32
      %mul3A_2392 = arith.constant 8 : i32
      %mul3A_2393 = arith.muli %select_n3A_2372, %mul3A_2392 : i32
      %add3A_2394 = arith.addi %mul3A_2, %mul3A_2393 : i32
      %dma_start3A_2395 = tpu.memref_slice %arg4[%add3A_2394, %multiple_of3A_2391] : memref<8192x5000xf32, #tpu.memory_space<hbm>> -> memref<8x1280xf32, #tpu.memory_space<hbm>>
      %dma_start3A_2396 = tpu.memref_slice %arg4[%add3A_2394, %multiple_of3A_2391] : memref<8192x5000xf32, #tpu.memory_space<hbm>> -> memref<8x1280xf32, #tpu.memory_space<hbm>>
      tpu.enqueue_dma source(%arg12 : memref<8x1280xf32, #tpu.memory_space<vmem>>) target(%dma_start3A_2396 : memref<8x1280xf32, #tpu.memory_space<hbm>>) target_semaphore(%arg28 : memref<!tpu.dma_semaphore, #tpu.memory_space<semaphore_mem>>)
      %add3A_2397 = arith.constant 7 : i32
      %add3A_2398 = arith.addi %add3A_1696, %add3A_2397 : i32
      %jit3A_2399 = arith.constant 4 : i32
      %div3A_2400 = arith.divsi %add3A_2398, %jit3A_2399 : i32
      %sign3A_2401 = arith.constant 0 : i32
      %sign3A_2402 = arith.cmpi sgt, %add3A_2398, %sign3A_2401 : i32
      %sign3A_2403 = arith.extui %sign3A_2402 : i1 to i32
      %sign3A_2404 = arith.constant 0 : i32
      %sign3A_2405 = arith.cmpi slt, %add3A_2398, %sign3A_2404 : i32
      %sign3A_2406 = arith.extui %sign3A_2405 : i1 to i32
      %sign3A_2407 = arith.subi %sign3A_2403, %sign3A_2406 : i32
      %sign3A_2408 = arith.constant 0 : i32
      %sign3A_2409 = arith.cmpi sgt, %jit3A_2399, %sign3A_2408 : i32
      %sign3A_2410 = arith.extui %sign3A_2409 : i1 to i32
      %sign3A_2411 = arith.constant 0 : i32
      %sign3A_2412 = arith.cmpi slt, %jit3A_2399, %sign3A_2411 : i32
      %sign3A_2413 = arith.extui %sign3A_2412 : i1 to i32
      %sign3A_2414 = arith.subi %sign3A_2410, %sign3A_2413 : i32
      %ne3A_2415 = arith.cmpi ne, %sign3A_2407, %sign3A_2414 : i32
      %rem3A_2416 = arith.remsi %add3A_2398, %jit3A_2399 : i32
      %ne3A_2417 = arith.constant 0 : i32
      %ne3A_2418 = arith.cmpi ne, %rem3A_2416, %ne3A_2417 : i32
      %and3A_2419 = arith.andi %ne3A_2415, %ne3A_2418 : i1
      %sub3A_2420 = arith.constant 1 : i32
      %sub3A_2421 = arith.subi %div3A_2400, %sub3A_2420 : i32
      %select_n3A_2422 = arith.select %and3A_2419, %sub3A_2421, %div3A_2400 : i32
      %jit3A_2423 = arith.constant 4 : i32
      %eq3A_2424 = arith.constant 0 : i32
      %eq3A_2425 = arith.cmpi eq, %jit3A_2423, %eq3A_2424 : i32
      %jit3A_2426 = arith.constant 1 : i32
      %select_n3A_2427 = arith.select %eq3A_2425, %jit3A_2426, %jit3A_2423 : i32
      %rem3A_2428 = arith.remsi %add3A_2398, %select_n3A_2427 : i32
      %ne3A_2429 = arith.constant 0 : i32
      %ne3A_2430 = arith.cmpi ne, %rem3A_2428, %ne3A_2429 : i32
      %lt3A_2431 = arith.constant 0 : i32
      %lt3A_2432 = arith.cmpi slt, %rem3A_2428, %lt3A_2431 : i32
      %lt3A_2433 = arith.constant 0 : i32
      %lt3A_2434 = arith.cmpi slt, %select_n3A_2427, %lt3A_2433 : i32
      %ne3A_2435 = arith.xori %lt3A_2432, %lt3A_2434 : i1
      %and3A_2436 = arith.andi %ne3A_2435, %ne3A_2430 : i1
      %add3A_2437 = arith.addi %rem3A_2428, %select_n3A_2427 : i32
      %select_n3A_2438 = arith.select %and3A_2436, %add3A_2437, %rem3A_2428 : i32
      %mul3A_2439 = arith.constant 1280 : i32
      %mul3A_2440 = arith.muli %select_n3A_2438, %mul3A_2439 : i32
      %multiple_of3A_2441 = tpu.assume_multiple %mul3A_2440, 128 : i32
      %mul3A_2442 = arith.constant 8 : i32
      %mul3A_2443 = arith.muli %select_n3A_2422, %mul3A_2442 : i32
      %dma_wait3A_2444 = tpu.memref_slice %arg5[%mul3A_2443] : memref<256xi32, #tpu.memory_space<vmem>> -> memref<8xi32, #tpu.memory_space<vmem>>
      %dma_wait3A_2445 = arith.constant 0 : i32
      %dma_wait3A_2446 = tpu.memref_slice %arg2[%dma_wait3A_2445, %multiple_of3A_2441] : memref<5000x5000xf32, #tpu.memory_space<hbm>> -> memref<5000x1280xf32, #tpu.memory_space<hbm>>
      tpu.wait_indirect_dma semaphore(%arg21 : memref<!tpu.dma_semaphore, #tpu.memory_space<semaphore_mem>>) src(%dma_wait3A_2446 : memref<5000x1280xf32, #tpu.memory_space<hbm>>) dst(%arg13 : memref<8x1280xf32, #tpu.memory_space<vmem>>)
      %add3A_2447 = arith.constant 7 : i32
      %add3A_2448 = arith.addi %add3A_1696, %add3A_2447 : i32
      %jit3A_2449 = arith.constant 4 : i32
      %div3A_2450 = arith.divsi %add3A_2448, %jit3A_2449 : i32
      %sign3A_2451 = arith.constant 0 : i32
      %sign3A_2452 = arith.cmpi sgt, %add3A_2448, %sign3A_2451 : i32
      %sign3A_2453 = arith.extui %sign3A_2452 : i1 to i32
      %sign3A_2454 = arith.constant 0 : i32
      %sign3A_2455 = arith.cmpi slt, %add3A_2448, %sign3A_2454 : i32
      %sign3A_2456 = arith.extui %sign3A_2455 : i1 to i32
      %sign3A_2457 = arith.subi %sign3A_2453, %sign3A_2456 : i32
      %sign3A_2458 = arith.constant 0 : i32
      %sign3A_2459 = arith.cmpi sgt, %jit3A_2449, %sign3A_2458 : i32
      %sign3A_2460 = arith.extui %sign3A_2459 : i1 to i32
      %sign3A_2461 = arith.constant 0 : i32
      %sign3A_2462 = arith.cmpi slt, %jit3A_2449, %sign3A_2461 : i32
      %sign3A_2463 = arith.extui %sign3A_2462 : i1 to i32
      %sign3A_2464 = arith.subi %sign3A_2460, %sign3A_2463 : i32
      %ne3A_2465 = arith.cmpi ne, %sign3A_2457, %sign3A_2464 : i32
      %rem3A_2466 = arith.remsi %add3A_2448, %jit3A_2449 : i32
      %ne3A_2467 = arith.constant 0 : i32
      %ne3A_2468 = arith.cmpi ne, %rem3A_2466, %ne3A_2467 : i32
      %and3A_2469 = arith.andi %ne3A_2465, %ne3A_2468 : i1
      %sub3A_2470 = arith.constant 1 : i32
      %sub3A_2471 = arith.subi %div3A_2450, %sub3A_2470 : i32
      %select_n3A_2472 = arith.select %and3A_2469, %sub3A_2471, %div3A_2450 : i32
      %jit3A_2473 = arith.constant 4 : i32
      %eq3A_2474 = arith.constant 0 : i32
      %eq3A_2475 = arith.cmpi eq, %jit3A_2473, %eq3A_2474 : i32
      %jit3A_2476 = arith.constant 1 : i32
      %select_n3A_2477 = arith.select %eq3A_2475, %jit3A_2476, %jit3A_2473 : i32
      %rem3A_2478 = arith.remsi %add3A_2448, %select_n3A_2477 : i32
      %ne3A_2479 = arith.constant 0 : i32
      %ne3A_2480 = arith.cmpi ne, %rem3A_2478, %ne3A_2479 : i32
      %lt3A_2481 = arith.constant 0 : i32
      %lt3A_2482 = arith.cmpi slt, %rem3A_2478, %lt3A_2481 : i32
      %lt3A_2483 = arith.constant 0 : i32
      %lt3A_2484 = arith.cmpi slt, %select_n3A_2477, %lt3A_2483 : i32
      %ne3A_2485 = arith.xori %lt3A_2482, %lt3A_2484 : i1
      %and3A_2486 = arith.andi %ne3A_2485, %ne3A_2480 : i1
      %add3A_2487 = arith.addi %rem3A_2478, %select_n3A_2477 : i32
      %select_n3A_2488 = arith.select %and3A_2486, %add3A_2487, %rem3A_2478 : i32
      %mul3A_2489 = arith.constant 1280 : i32
      %mul3A_2490 = arith.muli %select_n3A_2488, %mul3A_2489 : i32
      %multiple_of3A_2491 = tpu.assume_multiple %mul3A_2490, 128 : i32
      %mul3A_2492 = arith.constant 8 : i32
      %mul3A_2493 = arith.muli %select_n3A_2472, %mul3A_2492 : i32
      %add3A_2494 = arith.addi %mul3A_2, %mul3A_2493 : i32
      %dma_start3A_2495 = tpu.memref_slice %arg4[%add3A_2494, %multiple_of3A_2491] : memref<8192x5000xf32, #tpu.memory_space<hbm>> -> memref<8x1280xf32, #tpu.memory_space<hbm>>
      %dma_start3A_2496 = tpu.memref_slice %arg4[%add3A_2494, %multiple_of3A_2491] : memref<8192x5000xf32, #tpu.memory_space<hbm>> -> memref<8x1280xf32, #tpu.memory_space<hbm>>
      tpu.enqueue_dma source(%arg13 : memref<8x1280xf32, #tpu.memory_space<vmem>>) target(%dma_start3A_2496 : memref<8x1280xf32, #tpu.memory_space<hbm>>) target_semaphore(%arg29 : memref<!tpu.dma_semaphore, #tpu.memory_space<semaphore_mem>>)
      %add3A_2497 = arith.constant 0 : i32
      %add3A_2498 = arith.addi %add3A_1696, %add3A_2497 : i32
      %jit3A_2499 = arith.constant 4 : i32
      %div3A_2500 = arith.divsi %add3A_2498, %jit3A_2499 : i32
      %sign3A_2501 = arith.constant 0 : i32
      %sign3A_2502 = arith.cmpi sgt, %add3A_2498, %sign3A_2501 : i32
      %sign3A_2503 = arith.extui %sign3A_2502 : i1 to i32
      %sign3A_2504 = arith.constant 0 : i32
      %sign3A_2505 = arith.cmpi slt, %add3A_2498, %sign3A_2504 : i32
      %sign3A_2506 = arith.extui %sign3A_2505 : i1 to i32
      %sign3A_2507 = arith.subi %sign3A_2503, %sign3A_2506 : i32
      %sign3A_2508 = arith.constant 0 : i32
      %sign3A_2509 = arith.cmpi sgt, %jit3A_2499, %sign3A_2508 : i32
      %sign3A_2510 = arith.extui %sign3A_2509 : i1 to i32
      %sign3A_2511 = arith.constant 0 : i32
      %sign3A_2512 = arith.cmpi slt, %jit3A_2499, %sign3A_2511 : i32
      %sign3A_2513 = arith.extui %sign3A_2512 : i1 to i32
      %sign3A_2514 = arith.subi %sign3A_2510, %sign3A_2513 : i32
      %ne3A_2515 = arith.cmpi ne, %sign3A_2507, %sign3A_2514 : i32
      %rem3A_2516 = arith.remsi %add3A_2498, %jit3A_2499 : i32
      %ne3A_2517 = arith.constant 0 : i32
      %ne3A_2518 = arith.cmpi ne, %rem3A_2516, %ne3A_2517 : i32
      %and3A_2519 = arith.andi %ne3A_2515, %ne3A_2518 : i1
      %sub3A_2520 = arith.constant 1 : i32
      %sub3A_2521 = arith.subi %div3A_2500, %sub3A_2520 : i32
      %select_n3A_2522 = arith.select %and3A_2519, %sub3A_2521, %div3A_2500 : i32
      %jit3A_2523 = arith.constant 4 : i32
      %eq3A_2524 = arith.constant 0 : i32
      %eq3A_2525 = arith.cmpi eq, %jit3A_2523, %eq3A_2524 : i32
      %jit3A_2526 = arith.constant 1 : i32
      %select_n3A_2527 = arith.select %eq3A_2525, %jit3A_2526, %jit3A_2523 : i32
      %rem3A_2528 = arith.remsi %add3A_2498, %select_n3A_2527 : i32
      %ne3A_2529 = arith.constant 0 : i32
      %ne3A_2530 = arith.cmpi ne, %rem3A_2528, %ne3A_2529 : i32
      %lt3A_2531 = arith.constant 0 : i32
      %lt3A_2532 = arith.cmpi slt, %rem3A_2528, %lt3A_2531 : i32
      %lt3A_2533 = arith.constant 0 : i32
      %lt3A_2534 = arith.cmpi slt, %select_n3A_2527, %lt3A_2533 : i32
      %ne3A_2535 = arith.xori %lt3A_2532, %lt3A_2534 : i1
      %and3A_2536 = arith.andi %ne3A_2535, %ne3A_2530 : i1
      %add3A_2537 = arith.addi %rem3A_2528, %select_n3A_2527 : i32
      %select_n3A_2538 = arith.select %and3A_2536, %add3A_2537, %rem3A_2528 : i32
      %mul3A_2539 = arith.constant 1280 : i32
      %mul3A_2540 = arith.muli %select_n3A_2538, %mul3A_2539 : i32
      %multiple_of3A_2541 = tpu.assume_multiple %mul3A_2540, 128 : i32
      %mul3A_2542 = arith.constant 8 : i32
      %mul3A_2543 = arith.muli %select_n3A_2522, %mul3A_2542 : i32
      %add3A_2544 = arith.addi %mul3A_2, %mul3A_2543 : i32
      %dma_wait3A_2545 = tpu.memref_slice %arg4[%add3A_2544, %multiple_of3A_2541] : memref<8192x5000xf32, #tpu.memory_space<hbm>> -> memref<8x1280xf32, #tpu.memory_space<hbm>>
      %dma_wait3A_2546 = tpu.memref_slice %arg4[%add3A_2544, %multiple_of3A_2541] : memref<8192x5000xf32, #tpu.memory_space<hbm>> -> memref<8x1280xf32, #tpu.memory_space<hbm>>
      tpu.wait_dma2 semaphore(%arg22 : memref<!tpu.dma_semaphore, #tpu.memory_space<semaphore_mem>>) src(%arg6 : memref<8x1280xf32, #tpu.memory_space<vmem>>) dst(%dma_wait3A_2546 : memref<8x1280xf32, #tpu.memory_space<hbm>>)
      %add3A_2547 = arith.constant 8 : i32
      %add3A_2548 = arith.addi %add3A_1696, %add3A_2547 : i32
      %add3A_2549 = arith.constant 0 : i32
      %add3A_2550 = arith.addi %add3A_2548, %add3A_2549 : i32
      %jit3A_2551 = arith.constant 4 : i32
      %div3A_2552 = arith.divsi %add3A_2550, %jit3A_2551 : i32
      %sign3A_2553 = arith.constant 0 : i32
      %sign3A_2554 = arith.cmpi sgt, %add3A_2550, %sign3A_2553 : i32
      %sign3A_2555 = arith.extui %sign3A_2554 : i1 to i32
      %sign3A_2556 = arith.constant 0 : i32
      %sign3A_2557 = arith.cmpi slt, %add3A_2550, %sign3A_2556 : i32
      %sign3A_2558 = arith.extui %sign3A_2557 : i1 to i32
      %sign3A_2559 = arith.subi %sign3A_2555, %sign3A_2558 : i32
      %sign3A_2560 = arith.constant 0 : i32
      %sign3A_2561 = arith.cmpi sgt, %jit3A_2551, %sign3A_2560 : i32
      %sign3A_2562 = arith.extui %sign3A_2561 : i1 to i32
      %sign3A_2563 = arith.constant 0 : i32
      %sign3A_2564 = arith.cmpi slt, %jit3A_2551, %sign3A_2563 : i32
      %sign3A_2565 = arith.extui %sign3A_2564 : i1 to i32
      %sign3A_2566 = arith.subi %sign3A_2562, %sign3A_2565 : i32
      %ne3A_2567 = arith.cmpi ne, %sign3A_2559, %sign3A_2566 : i32
      %rem3A_2568 = arith.remsi %add3A_2550, %jit3A_2551 : i32
      %ne3A_2569 = arith.constant 0 : i32
      %ne3A_2570 = arith.cmpi ne, %rem3A_2568, %ne3A_2569 : i32
      %and3A_2571 = arith.andi %ne3A_2567, %ne3A_2570 : i1
      %sub3A_2572 = arith.constant 1 : i32
      %sub3A_2573 = arith.subi %div3A_2552, %sub3A_2572 : i32
      %select_n3A_2574 = arith.select %and3A_2571, %sub3A_2573, %div3A_2552 : i32
      %jit3A_2575 = arith.constant 4 : i32
      %eq3A_2576 = arith.constant 0 : i32
      %eq3A_2577 = arith.cmpi eq, %jit3A_2575, %eq3A_2576 : i32
      %jit3A_2578 = arith.constant 1 : i32
      %select_n3A_2579 = arith.select %eq3A_2577, %jit3A_2578, %jit3A_2575 : i32
      %rem3A_2580 = arith.remsi %add3A_2550, %select_n3A_2579 : i32
      %ne3A_2581 = arith.constant 0 : i32
      %ne3A_2582 = arith.cmpi ne, %rem3A_2580, %ne3A_2581 : i32
      %lt3A_2583 = arith.constant 0 : i32
      %lt3A_2584 = arith.cmpi slt, %rem3A_2580, %lt3A_2583 : i32
      %lt3A_2585 = arith.constant 0 : i32
      %lt3A_2586 = arith.cmpi slt, %select_n3A_2579, %lt3A_2585 : i32
      %ne3A_2587 = arith.xori %lt3A_2584, %lt3A_2586 : i1
      %and3A_2588 = arith.andi %ne3A_2587, %ne3A_2582 : i1
      %add3A_2589 = arith.addi %rem3A_2580, %select_n3A_2579 : i32
      %select_n3A_2590 = arith.select %and3A_2588, %add3A_2589, %rem3A_2580 : i32
      %mul3A_2591 = arith.constant 1280 : i32
      %mul3A_2592 = arith.muli %select_n3A_2590, %mul3A_2591 : i32
      %multiple_of3A_2593 = tpu.assume_multiple %mul3A_2592, 128 : i32
      %mul3A_2594 = arith.constant 8 : i32
      %mul3A_2595 = arith.muli %select_n3A_2574, %mul3A_2594 : i32
      %dma_start3A_2596 = tpu.memref_slice %arg5[%mul3A_2595] : memref<256xi32, #tpu.memory_space<vmem>> -> memref<8xi32, #tpu.memory_space<vmem>>
      %dma_start3A_2597 = arith.constant 0 : i32
      %dma_start3A_2598 = tpu.memref_slice %arg2[%dma_start3A_2597, %multiple_of3A_2593] : memref<5000x5000xf32, #tpu.memory_space<hbm>> -> memref<5000x1280xf32, #tpu.memory_space<hbm>>
      tpu.enqueue_indirect_dma source(%dma_start3A_2598 : memref<5000x1280xf32, #tpu.memory_space<hbm>>) target(%arg6 : memref<8x1280xf32, #tpu.memory_space<vmem>>) offsets(%dma_start3A_2596 : memref<8xi32, #tpu.memory_space<vmem>>) semaphore(%arg14 : memref<!tpu.dma_semaphore, #tpu.memory_space<semaphore_mem>>)
      %add3A_2599 = arith.constant 1 : i32
      %add3A_2600 = arith.addi %add3A_1696, %add3A_2599 : i32
      %jit3A_2601 = arith.constant 4 : i32
      %div3A_2602 = arith.divsi %add3A_2600, %jit3A_2601 : i32
      %sign3A_2603 = arith.constant 0 : i32
      %sign3A_2604 = arith.cmpi sgt, %add3A_2600, %sign3A_2603 : i32
      %sign3A_2605 = arith.extui %sign3A_2604 : i1 to i32
      %sign3A_2606 = arith.constant 0 : i32
      %sign3A_2607 = arith.cmpi slt, %add3A_2600, %sign3A_2606 : i32
      %sign3A_2608 = arith.extui %sign3A_2607 : i1 to i32
      %sign3A_2609 = arith.subi %sign3A_2605, %sign3A_2608 : i32
      %sign3A_2610 = arith.constant 0 : i32
      %sign3A_2611 = arith.cmpi sgt, %jit3A_2601, %sign3A_2610 : i32
      %sign3A_2612 = arith.extui %sign3A_2611 : i1 to i32
      %sign3A_2613 = arith.constant 0 : i32
      %sign3A_2614 = arith.cmpi slt, %jit3A_2601, %sign3A_2613 : i32
      %sign3A_2615 = arith.extui %sign3A_2614 : i1 to i32
      %sign3A_2616 = arith.subi %sign3A_2612, %sign3A_2615 : i32
      %ne3A_2617 = arith.cmpi ne, %sign3A_2609, %sign3A_2616 : i32
      %rem3A_2618 = arith.remsi %add3A_2600, %jit3A_2601 : i32
      %ne3A_2619 = arith.constant 0 : i32
      %ne3A_2620 = arith.cmpi ne, %rem3A_2618, %ne3A_2619 : i32
      %and3A_2621 = arith.andi %ne3A_2617, %ne3A_2620 : i1
      %sub3A_2622 = arith.constant 1 : i32
      %sub3A_2623 = arith.subi %div3A_2602, %sub3A_2622 : i32
      %select_n3A_2624 = arith.select %and3A_2621, %sub3A_2623, %div3A_2602 : i32
      %jit3A_2625 = arith.constant 4 : i32
      %eq3A_2626 = arith.constant 0 : i32
      %eq3A_2627 = arith.cmpi eq, %jit3A_2625, %eq3A_2626 : i32
      %jit3A_2628 = arith.constant 1 : i32
      %select_n3A_2629 = arith.select %eq3A_2627, %jit3A_2628, %jit3A_2625 : i32
      %rem3A_2630 = arith.remsi %add3A_2600, %select_n3A_2629 : i32
      %ne3A_2631 = arith.constant 0 : i32
      %ne3A_2632 = arith.cmpi ne, %rem3A_2630, %ne3A_2631 : i32
      %lt3A_2633 = arith.constant 0 : i32
      %lt3A_2634 = arith.cmpi slt, %rem3A_2630, %lt3A_2633 : i32
      %lt3A_2635 = arith.constant 0 : i32
      %lt3A_2636 = arith.cmpi slt, %select_n3A_2629, %lt3A_2635 : i32
      %ne3A_2637 = arith.xori %lt3A_2634, %lt3A_2636 : i1
      %and3A_2638 = arith.andi %ne3A_2637, %ne3A_2632 : i1
      %add3A_2639 = arith.addi %rem3A_2630, %select_n3A_2629 : i32
      %select_n3A_2640 = arith.select %and3A_2638, %add3A_2639, %rem3A_2630 : i32
      %mul3A_2641 = arith.constant 1280 : i32
      %mul3A_2642 = arith.muli %select_n3A_2640, %mul3A_2641 : i32
      %multiple_of3A_2643 = tpu.assume_multiple %mul3A_2642, 128 : i32
      %mul3A_2644 = arith.constant 8 : i32
      %mul3A_2645 = arith.muli %select_n3A_2624, %mul3A_2644 : i32
      %add3A_2646 = arith.addi %mul3A_2, %mul3A_2645 : i32
      %dma_wait3A_2647 = tpu.memref_slice %arg4[%add3A_2646, %multiple_of3A_2643] : memref<8192x5000xf32, #tpu.memory_space<hbm>> -> memref<8x1280xf32, #tpu.memory_space<hbm>>
      %dma_wait3A_2648 = tpu.memref_slice %arg4[%add3A_2646, %multiple_of3A_2643] : memref<8192x5000xf32, #tpu.memory_space<hbm>> -> memref<8x1280xf32, #tpu.memory_space<hbm>>
      tpu.wait_dma2 semaphore(%arg23 : memref<!tpu.dma_semaphore, #tpu.memory_space<semaphore_mem>>) src(%arg7 : memref<8x1280xf32, #tpu.memory_space<vmem>>) dst(%dma_wait3A_2648 : memref<8x1280xf32, #tpu.memory_space<hbm>>)
      %add3A_2649 = arith.constant 8 : i32
      %add3A_2650 = arith.addi %add3A_1696, %add3A_2649 : i32
      %add3A_2651 = arith.constant 1 : i32
      %add3A_2652 = arith.addi %add3A_2650, %add3A_2651 : i32
      %jit3A_2653 = arith.constant 4 : i32
      %div3A_2654 = arith.divsi %add3A_2652, %jit3A_2653 : i32
      %sign3A_2655 = arith.constant 0 : i32
      %sign3A_2656 = arith.cmpi sgt, %add3A_2652, %sign3A_2655 : i32
      %sign3A_2657 = arith.extui %sign3A_2656 : i1 to i32
      %sign3A_2658 = arith.constant 0 : i32
      %sign3A_2659 = arith.cmpi slt, %add3A_2652, %sign3A_2658 : i32
      %sign3A_2660 = arith.extui %sign3A_2659 : i1 to i32
      %sign3A_2661 = arith.subi %sign3A_2657, %sign3A_2660 : i32
      %sign3A_2662 = arith.constant 0 : i32
      %sign3A_2663 = arith.cmpi sgt, %jit3A_2653, %sign3A_2662 : i32
      %sign3A_2664 = arith.extui %sign3A_2663 : i1 to i32
      %sign3A_2665 = arith.constant 0 : i32
      %sign3A_2666 = arith.cmpi slt, %jit3A_2653, %sign3A_2665 : i32
      %sign3A_2667 = arith.extui %sign3A_2666 : i1 to i32
      %sign3A_2668 = arith.subi %sign3A_2664, %sign3A_2667 : i32
      %ne3A_2669 = arith.cmpi ne, %sign3A_2661, %sign3A_2668 : i32
      %rem3A_2670 = arith.remsi %add3A_2652, %jit3A_2653 : i32
      %ne3A_2671 = arith.constant 0 : i32
      %ne3A_2672 = arith.cmpi ne, %rem3A_2670, %ne3A_2671 : i32
      %and3A_2673 = arith.andi %ne3A_2669, %ne3A_2672 : i1
      %sub3A_2674 = arith.constant 1 : i32
      %sub3A_2675 = arith.subi %div3A_2654, %sub3A_2674 : i32
      %select_n3A_2676 = arith.select %and3A_2673, %sub3A_2675, %div3A_2654 : i32
      %jit3A_2677 = arith.constant 4 : i32
      %eq3A_2678 = arith.constant 0 : i32
      %eq3A_2679 = arith.cmpi eq, %jit3A_2677, %eq3A_2678 : i32
      %jit3A_2680 = arith.constant 1 : i32
      %select_n3A_2681 = arith.select %eq3A_2679, %jit3A_2680, %jit3A_2677 : i32
      %rem3A_2682 = arith.remsi %add3A_2652, %select_n3A_2681 : i32
      %ne3A_2683 = arith.constant 0 : i32
      %ne3A_2684 = arith.cmpi ne, %rem3A_2682, %ne3A_2683 : i32
      %lt3A_2685 = arith.constant 0 : i32
      %lt3A_2686 = arith.cmpi slt, %rem3A_2682, %lt3A_2685 : i32
      %lt3A_2687 = arith.constant 0 : i32
      %lt3A_2688 = arith.cmpi slt, %select_n3A_2681, %lt3A_2687 : i32
      %ne3A_2689 = arith.xori %lt3A_2686, %lt3A_2688 : i1
      %and3A_2690 = arith.andi %ne3A_2689, %ne3A_2684 : i1
      %add3A_2691 = arith.addi %rem3A_2682, %select_n3A_2681 : i32
      %select_n3A_2692 = arith.select %and3A_2690, %add3A_2691, %rem3A_2682 : i32
      %mul3A_2693 = arith.constant 1280 : i32
      %mul3A_2694 = arith.muli %select_n3A_2692, %mul3A_2693 : i32
      %multiple_of3A_2695 = tpu.assume_multiple %mul3A_2694, 128 : i32
      %mul3A_2696 = arith.constant 8 : i32
      %mul3A_2697 = arith.muli %select_n3A_2676, %mul3A_2696 : i32
      %dma_start3A_2698 = tpu.memref_slice %arg5[%mul3A_2697] : memref<256xi32, #tpu.memory_space<vmem>> -> memref<8xi32, #tpu.memory_space<vmem>>
      %dma_start3A_2699 = arith.constant 0 : i32
      %dma_start3A_2700 = tpu.memref_slice %arg2[%dma_start3A_2699, %multiple_of3A_2695] : memref<5000x5000xf32, #tpu.memory_space<hbm>> -> memref<5000x1280xf32, #tpu.memory_space<hbm>>
      tpu.enqueue_indirect_dma source(%dma_start3A_2700 : memref<5000x1280xf32, #tpu.memory_space<hbm>>) target(%arg7 : memref<8x1280xf32, #tpu.memory_space<vmem>>) offsets(%dma_start3A_2698 : memref<8xi32, #tpu.memory_space<vmem>>) semaphore(%arg15 : memref<!tpu.dma_semaphore, #tpu.memory_space<semaphore_mem>>)
      %add3A_2701 = arith.constant 2 : i32
      %add3A_2702 = arith.addi %add3A_1696, %add3A_2701 : i32
      %jit3A_2703 = arith.constant 4 : i32
      %div3A_2704 = arith.divsi %add3A_2702, %jit3A_2703 : i32
      %sign3A_2705 = arith.constant 0 : i32
      %sign3A_2706 = arith.cmpi sgt, %add3A_2702, %sign3A_2705 : i32
      %sign3A_2707 = arith.extui %sign3A_2706 : i1 to i32
      %sign3A_2708 = arith.constant 0 : i32
      %sign3A_2709 = arith.cmpi slt, %add3A_2702, %sign3A_2708 : i32
      %sign3A_2710 = arith.extui %sign3A_2709 : i1 to i32
      %sign3A_2711 = arith.subi %sign3A_2707, %sign3A_2710 : i32
      %sign3A_2712 = arith.constant 0 : i32
      %sign3A_2713 = arith.cmpi sgt, %jit3A_2703, %sign3A_2712 : i32
      %sign3A_2714 = arith.extui %sign3A_2713 : i1 to i32
      %sign3A_2715 = arith.constant 0 : i32
      %sign3A_2716 = arith.cmpi slt, %jit3A_2703, %sign3A_2715 : i32
      %sign3A_2717 = arith.extui %sign3A_2716 : i1 to i32
      %sign3A_2718 = arith.subi %sign3A_2714, %sign3A_2717 : i32
      %ne3A_2719 = arith.cmpi ne, %sign3A_2711, %sign3A_2718 : i32
      %rem3A_2720 = arith.remsi %add3A_2702, %jit3A_2703 : i32
      %ne3A_2721 = arith.constant 0 : i32
      %ne3A_2722 = arith.cmpi ne, %rem3A_2720, %ne3A_2721 : i32
      %and3A_2723 = arith.andi %ne3A_2719, %ne3A_2722 : i1
      %sub3A_2724 = arith.constant 1 : i32
      %sub3A_2725 = arith.subi %div3A_2704, %sub3A_2724 : i32
      %select_n3A_2726 = arith.select %and3A_2723, %sub3A_2725, %div3A_2704 : i32
      %jit3A_2727 = arith.constant 4 : i32
      %eq3A_2728 = arith.constant 0 : i32
      %eq3A_2729 = arith.cmpi eq, %jit3A_2727, %eq3A_2728 : i32
      %jit3A_2730 = arith.constant 1 : i32
      %select_n3A_2731 = arith.select %eq3A_2729, %jit3A_2730, %jit3A_2727 : i32
      %rem3A_2732 = arith.remsi %add3A_2702, %select_n3A_2731 : i32
      %ne3A_2733 = arith.constant 0 : i32
      %ne3A_2734 = arith.cmpi ne, %rem3A_2732, %ne3A_2733 : i32
      %lt3A_2735 = arith.constant 0 : i32
      %lt3A_2736 = arith.cmpi slt, %rem3A_2732, %lt3A_2735 : i32
      %lt3A_2737 = arith.constant 0 : i32
      %lt3A_2738 = arith.cmpi slt, %select_n3A_2731, %lt3A_2737 : i32
      %ne3A_2739 = arith.xori %lt3A_2736, %lt3A_2738 : i1
      %and3A_2740 = arith.andi %ne3A_2739, %ne3A_2734 : i1
      %add3A_2741 = arith.addi %rem3A_2732, %select_n3A_2731 : i32
      %select_n3A_2742 = arith.select %and3A_2740, %add3A_2741, %rem3A_2732 : i32
      %mul3A_2743 = arith.constant 1280 : i32
      %mul3A_2744 = arith.muli %select_n3A_2742, %mul3A_2743 : i32
      %multiple_of3A_2745 = tpu.assume_multiple %mul3A_2744, 128 : i32
      %mul3A_2746 = arith.constant 8 : i32
      %mul3A_2747 = arith.muli %select_n3A_2726, %mul3A_2746 : i32
      %add3A_2748 = arith.addi %mul3A_2, %mul3A_2747 : i32
      %dma_wait3A_2749 = tpu.memref_slice %arg4[%add3A_2748, %multiple_of3A_2745] : memref<8192x5000xf32, #tpu.memory_space<hbm>> -> memref<8x1280xf32, #tpu.memory_space<hbm>>
      %dma_wait3A_2750 = tpu.memref_slice %arg4[%add3A_2748, %multiple_of3A_2745] : memref<8192x5000xf32, #tpu.memory_space<hbm>> -> memref<8x1280xf32, #tpu.memory_space<hbm>>
      tpu.wait_dma2 semaphore(%arg24 : memref<!tpu.dma_semaphore, #tpu.memory_space<semaphore_mem>>) src(%arg8 : memref<8x1280xf32, #tpu.memory_space<vmem>>) dst(%dma_wait3A_2750 : memref<8x1280xf32, #tpu.memory_space<hbm>>)
      %add3A_2751 = arith.constant 8 : i32
      %add3A_2752 = arith.addi %add3A_1696, %add3A_2751 : i32
      %add3A_2753 = arith.constant 2 : i32
      %add3A_2754 = arith.addi %add3A_2752, %add3A_2753 : i32
      %jit3A_2755 = arith.constant 4 : i32
      %div3A_2756 = arith.divsi %add3A_2754, %jit3A_2755 : i32
      %sign3A_2757 = arith.constant 0 : i32
      %sign3A_2758 = arith.cmpi sgt, %add3A_2754, %sign3A_2757 : i32
      %sign3A_2759 = arith.extui %sign3A_2758 : i1 to i32
      %sign3A_2760 = arith.constant 0 : i32
      %sign3A_2761 = arith.cmpi slt, %add3A_2754, %sign3A_2760 : i32
      %sign3A_2762 = arith.extui %sign3A_2761 : i1 to i32
      %sign3A_2763 = arith.subi %sign3A_2759, %sign3A_2762 : i32
      %sign3A_2764 = arith.constant 0 : i32
      %sign3A_2765 = arith.cmpi sgt, %jit3A_2755, %sign3A_2764 : i32
      %sign3A_2766 = arith.extui %sign3A_2765 : i1 to i32
      %sign3A_2767 = arith.constant 0 : i32
      %sign3A_2768 = arith.cmpi slt, %jit3A_2755, %sign3A_2767 : i32
      %sign3A_2769 = arith.extui %sign3A_2768 : i1 to i32
      %sign3A_2770 = arith.subi %sign3A_2766, %sign3A_2769 : i32
      %ne3A_2771 = arith.cmpi ne, %sign3A_2763, %sign3A_2770 : i32
      %rem3A_2772 = arith.remsi %add3A_2754, %jit3A_2755 : i32
      %ne3A_2773 = arith.constant 0 : i32
      %ne3A_2774 = arith.cmpi ne, %rem3A_2772, %ne3A_2773 : i32
      %and3A_2775 = arith.andi %ne3A_2771, %ne3A_2774 : i1
      %sub3A_2776 = arith.constant 1 : i32
      %sub3A_2777 = arith.subi %div3A_2756, %sub3A_2776 : i32
      %select_n3A_2778 = arith.select %and3A_2775, %sub3A_2777, %div3A_2756 : i32
      %jit3A_2779 = arith.constant 4 : i32
      %eq3A_2780 = arith.constant 0 : i32
      %eq3A_2781 = arith.cmpi eq, %jit3A_2779, %eq3A_2780 : i32
      %jit3A_2782 = arith.constant 1 : i32
      %select_n3A_2783 = arith.select %eq3A_2781, %jit3A_2782, %jit3A_2779 : i32
      %rem3A_2784 = arith.remsi %add3A_2754, %select_n3A_2783 : i32
      %ne3A_2785 = arith.constant 0 : i32
      %ne3A_2786 = arith.cmpi ne, %rem3A_2784, %ne3A_2785 : i32
      %lt3A_2787 = arith.constant 0 : i32
      %lt3A_2788 = arith.cmpi slt, %rem3A_2784, %lt3A_2787 : i32
      %lt3A_2789 = arith.constant 0 : i32
      %lt3A_2790 = arith.cmpi slt, %select_n3A_2783, %lt3A_2789 : i32
      %ne3A_2791 = arith.xori %lt3A_2788, %lt3A_2790 : i1
      %and3A_2792 = arith.andi %ne3A_2791, %ne3A_2786 : i1
      %add3A_2793 = arith.addi %rem3A_2784, %select_n3A_2783 : i32
      %select_n3A_2794 = arith.select %and3A_2792, %add3A_2793, %rem3A_2784 : i32
      %mul3A_2795 = arith.constant 1280 : i32
      %mul3A_2796 = arith.muli %select_n3A_2794, %mul3A_2795 : i32
      %multiple_of3A_2797 = tpu.assume_multiple %mul3A_2796, 128 : i32
      %mul3A_2798 = arith.constant 8 : i32
      %mul3A_2799 = arith.muli %select_n3A_2778, %mul3A_2798 : i32
      %dma_start3A_2800 = tpu.memref_slice %arg5[%mul3A_2799] : memref<256xi32, #tpu.memory_space<vmem>> -> memref<8xi32, #tpu.memory_space<vmem>>
      %dma_start3A_2801 = arith.constant 0 : i32
      %dma_start3A_2802 = tpu.memref_slice %arg2[%dma_start3A_2801, %multiple_of3A_2797] : memref<5000x5000xf32, #tpu.memory_space<hbm>> -> memref<5000x1280xf32, #tpu.memory_space<hbm>>
      tpu.enqueue_indirect_dma source(%dma_start3A_2802 : memref<5000x1280xf32, #tpu.memory_space<hbm>>) target(%arg8 : memref<8x1280xf32, #tpu.memory_space<vmem>>) offsets(%dma_start3A_2800 : memref<8xi32, #tpu.memory_space<vmem>>) semaphore(%arg16 : memref<!tpu.dma_semaphore, #tpu.memory_space<semaphore_mem>>)
      %add3A_2803 = arith.constant 3 : i32
      %add3A_2804 = arith.addi %add3A_1696, %add3A_2803 : i32
      %jit3A_2805 = arith.constant 4 : i32
      %div3A_2806 = arith.divsi %add3A_2804, %jit3A_2805 : i32
      %sign3A_2807 = arith.constant 0 : i32
      %sign3A_2808 = arith.cmpi sgt, %add3A_2804, %sign3A_2807 : i32
      %sign3A_2809 = arith.extui %sign3A_2808 : i1 to i32
      %sign3A_2810 = arith.constant 0 : i32
      %sign3A_2811 = arith.cmpi slt, %add3A_2804, %sign3A_2810 : i32
      %sign3A_2812 = arith.extui %sign3A_2811 : i1 to i32
      %sign3A_2813 = arith.subi %sign3A_2809, %sign3A_2812 : i32
      %sign3A_2814 = arith.constant 0 : i32
      %sign3A_2815 = arith.cmpi sgt, %jit3A_2805, %sign3A_2814 : i32
      %sign3A_2816 = arith.extui %sign3A_2815 : i1 to i32
      %sign3A_2817 = arith.constant 0 : i32
      %sign3A_2818 = arith.cmpi slt, %jit3A_2805, %sign3A_2817 : i32
      %sign3A_2819 = arith.extui %sign3A_2818 : i1 to i32
      %sign3A_2820 = arith.subi %sign3A_2816, %sign3A_2819 : i32
      %ne3A_2821 = arith.cmpi ne, %sign3A_2813, %sign3A_2820 : i32
      %rem3A_2822 = arith.remsi %add3A_2804, %jit3A_2805 : i32
      %ne3A_2823 = arith.constant 0 : i32
      %ne3A_2824 = arith.cmpi ne, %rem3A_2822, %ne3A_2823 : i32
      %and3A_2825 = arith.andi %ne3A_2821, %ne3A_2824 : i1
      %sub3A_2826 = arith.constant 1 : i32
      %sub3A_2827 = arith.subi %div3A_2806, %sub3A_2826 : i32
      %select_n3A_2828 = arith.select %and3A_2825, %sub3A_2827, %div3A_2806 : i32
      %jit3A_2829 = arith.constant 4 : i32
      %eq3A_2830 = arith.constant 0 : i32
      %eq3A_2831 = arith.cmpi eq, %jit3A_2829, %eq3A_2830 : i32
      %jit3A_2832 = arith.constant 1 : i32
      %select_n3A_2833 = arith.select %eq3A_2831, %jit3A_2832, %jit3A_2829 : i32
      %rem3A_2834 = arith.remsi %add3A_2804, %select_n3A_2833 : i32
      %ne3A_2835 = arith.constant 0 : i32
      %ne3A_2836 = arith.cmpi ne, %rem3A_2834, %ne3A_2835 : i32
      %lt3A_2837 = arith.constant 0 : i32
      %lt3A_2838 = arith.cmpi slt, %rem3A_2834, %lt3A_2837 : i32
      %lt3A_2839 = arith.constant 0 : i32
      %lt3A_2840 = arith.cmpi slt, %select_n3A_2833, %lt3A_2839 : i32
      %ne3A_2841 = arith.xori %lt3A_2838, %lt3A_2840 : i1
      %and3A_2842 = arith.andi %ne3A_2841, %ne3A_2836 : i1
      %add3A_2843 = arith.addi %rem3A_2834, %select_n3A_2833 : i32
      %select_n3A_2844 = arith.select %and3A_2842, %add3A_2843, %rem3A_2834 : i32
      %mul3A_2845 = arith.constant 1280 : i32
      %mul3A_2846 = arith.muli %select_n3A_2844, %mul3A_2845 : i32
      %multiple_of3A_2847 = tpu.assume_multiple %mul3A_2846, 128 : i32
      %mul3A_2848 = arith.constant 8 : i32
      %mul3A_2849 = arith.muli %select_n3A_2828, %mul3A_2848 : i32
      %add3A_2850 = arith.addi %mul3A_2, %mul3A_2849 : i32
      %dma_wait3A_2851 = tpu.memref_slice %arg4[%add3A_2850, %multiple_of3A_2847] : memref<8192x5000xf32, #tpu.memory_space<hbm>> -> memref<8x1280xf32, #tpu.memory_space<hbm>>
      %dma_wait3A_2852 = tpu.memref_slice %arg4[%add3A_2850, %multiple_of3A_2847] : memref<8192x5000xf32, #tpu.memory_space<hbm>> -> memref<8x1280xf32, #tpu.memory_space<hbm>>
      tpu.wait_dma2 semaphore(%arg25 : memref<!tpu.dma_semaphore, #tpu.memory_space<semaphore_mem>>) src(%arg9 : memref<8x1280xf32, #tpu.memory_space<vmem>>) dst(%dma_wait3A_2852 : memref<8x1280xf32, #tpu.memory_space<hbm>>)
      %add3A_2853 = arith.constant 8 : i32
      %add3A_2854 = arith.addi %add3A_1696, %add3A_2853 : i32
      %add3A_2855 = arith.constant 3 : i32
      %add3A_2856 = arith.addi %add3A_2854, %add3A_2855 : i32
      %jit3A_2857 = arith.constant 4 : i32
      %div3A_2858 = arith.divsi %add3A_2856, %jit3A_2857 : i32
      %sign3A_2859 = arith.constant 0 : i32
      %sign3A_2860 = arith.cmpi sgt, %add3A_2856, %sign3A_2859 : i32
      %sign3A_2861 = arith.extui %sign3A_2860 : i1 to i32
      %sign3A_2862 = arith.constant 0 : i32
      %sign3A_2863 = arith.cmpi slt, %add3A_2856, %sign3A_2862 : i32
      %sign3A_2864 = arith.extui %sign3A_2863 : i1 to i32
      %sign3A_2865 = arith.subi %sign3A_2861, %sign3A_2864 : i32
      %sign3A_2866 = arith.constant 0 : i32
      %sign3A_2867 = arith.cmpi sgt, %jit3A_2857, %sign3A_2866 : i32
      %sign3A_2868 = arith.extui %sign3A_2867 : i1 to i32
      %sign3A_2869 = arith.constant 0 : i32
      %sign3A_2870 = arith.cmpi slt, %jit3A_2857, %sign3A_2869 : i32
      %sign3A_2871 = arith.extui %sign3A_2870 : i1 to i32
      %sign3A_2872 = arith.subi %sign3A_2868, %sign3A_2871 : i32
      %ne3A_2873 = arith.cmpi ne, %sign3A_2865, %sign3A_2872 : i32
      %rem3A_2874 = arith.remsi %add3A_2856, %jit3A_2857 : i32
      %ne3A_2875 = arith.constant 0 : i32
      %ne3A_2876 = arith.cmpi ne, %rem3A_2874, %ne3A_2875 : i32
      %and3A_2877 = arith.andi %ne3A_2873, %ne3A_2876 : i1
      %sub3A_2878 = arith.constant 1 : i32
      %sub3A_2879 = arith.subi %div3A_2858, %sub3A_2878 : i32
      %select_n3A_2880 = arith.select %and3A_2877, %sub3A_2879, %div3A_2858 : i32
      %jit3A_2881 = arith.constant 4 : i32
      %eq3A_2882 = arith.constant 0 : i32
      %eq3A_2883 = arith.cmpi eq, %jit3A_2881, %eq3A_2882 : i32
      %jit3A_2884 = arith.constant 1 : i32
      %select_n3A_2885 = arith.select %eq3A_2883, %jit3A_2884, %jit3A_2881 : i32
      %rem3A_2886 = arith.remsi %add3A_2856, %select_n3A_2885 : i32
      %ne3A_2887 = arith.constant 0 : i32
      %ne3A_2888 = arith.cmpi ne, %rem3A_2886, %ne3A_2887 : i32
      %lt3A_2889 = arith.constant 0 : i32
      %lt3A_2890 = arith.cmpi slt, %rem3A_2886, %lt3A_2889 : i32
      %lt3A_2891 = arith.constant 0 : i32
      %lt3A_2892 = arith.cmpi slt, %select_n3A_2885, %lt3A_2891 : i32
      %ne3A_2893 = arith.xori %lt3A_2890, %lt3A_2892 : i1
      %and3A_2894 = arith.andi %ne3A_2893, %ne3A_2888 : i1
      %add3A_2895 = arith.addi %rem3A_2886, %select_n3A_2885 : i32
      %select_n3A_2896 = arith.select %and3A_2894, %add3A_2895, %rem3A_2886 : i32
      %mul3A_2897 = arith.constant 1280 : i32
      %mul3A_2898 = arith.muli %select_n3A_2896, %mul3A_2897 : i32
      %multiple_of3A_2899 = tpu.assume_multiple %mul3A_2898, 128 : i32
      %mul3A_2900 = arith.constant 8 : i32
      %mul3A_2901 = arith.muli %select_n3A_2880, %mul3A_2900 : i32
      %dma_start3A_2902 = tpu.memref_slice %arg5[%mul3A_2901] : memref<256xi32, #tpu.memory_space<vmem>> -> memref<8xi32, #tpu.memory_space<vmem>>
      %dma_start3A_2903 = arith.constant 0 : i32
      %dma_start3A_2904 = tpu.memref_slice %arg2[%dma_start3A_2903, %multiple_of3A_2899] : memref<5000x5000xf32, #tpu.memory_space<hbm>> -> memref<5000x1280xf32, #tpu.memory_space<hbm>>
      tpu.enqueue_indirect_dma source(%dma_start3A_2904 : memref<5000x1280xf32, #tpu.memory_space<hbm>>) target(%arg9 : memref<8x1280xf32, #tpu.memory_space<vmem>>) offsets(%dma_start3A_2902 : memref<8xi32, #tpu.memory_space<vmem>>) semaphore(%arg17 : memref<!tpu.dma_semaphore, #tpu.memory_space<semaphore_mem>>)
      %add3A_2905 = arith.constant 4 : i32
      %add3A_2906 = arith.addi %add3A_1696, %add3A_2905 : i32
      %jit3A_2907 = arith.constant 4 : i32
      %div3A_2908 = arith.divsi %add3A_2906, %jit3A_2907 : i32
      %sign3A_2909 = arith.constant 0 : i32
      %sign3A_2910 = arith.cmpi sgt, %add3A_2906, %sign3A_2909 : i32
      %sign3A_2911 = arith.extui %sign3A_2910 : i1 to i32
      %sign3A_2912 = arith.constant 0 : i32
      %sign3A_2913 = arith.cmpi slt, %add3A_2906, %sign3A_2912 : i32
      %sign3A_2914 = arith.extui %sign3A_2913 : i1 to i32
      %sign3A_2915 = arith.subi %sign3A_2911, %sign3A_2914 : i32
      %sign3A_2916 = arith.constant 0 : i32
      %sign3A_2917 = arith.cmpi sgt, %jit3A_2907, %sign3A_2916 : i32
      %sign3A_2918 = arith.extui %sign3A_2917 : i1 to i32
      %sign3A_2919 = arith.constant 0 : i32
      %sign3A_2920 = arith.cmpi slt, %jit3A_2907, %sign3A_2919 : i32
      %sign3A_2921 = arith.extui %sign3A_2920 : i1 to i32
      %sign3A_2922 = arith.subi %sign3A_2918, %sign3A_2921 : i32
      %ne3A_2923 = arith.cmpi ne, %sign3A_2915, %sign3A_2922 : i32
      %rem3A_2924 = arith.remsi %add3A_2906, %jit3A_2907 : i32
      %ne3A_2925 = arith.constant 0 : i32
      %ne3A_2926 = arith.cmpi ne, %rem3A_2924, %ne3A_2925 : i32
      %and3A_2927 = arith.andi %ne3A_2923, %ne3A_2926 : i1
      %sub3A_2928 = arith.constant 1 : i32
      %sub3A_2929 = arith.subi %div3A_2908, %sub3A_2928 : i32
      %select_n3A_2930 = arith.select %and3A_2927, %sub3A_2929, %div3A_2908 : i32
      %jit3A_2931 = arith.constant 4 : i32
      %eq3A_2932 = arith.constant 0 : i32
      %eq3A_2933 = arith.cmpi eq, %jit3A_2931, %eq3A_2932 : i32
      %jit3A_2934 = arith.constant 1 : i32
      %select_n3A_2935 = arith.select %eq3A_2933, %jit3A_2934, %jit3A_2931 : i32
      %rem3A_2936 = arith.remsi %add3A_2906, %select_n3A_2935 : i32
      %ne3A_2937 = arith.constant 0 : i32
      %ne3A_2938 = arith.cmpi ne, %rem3A_2936, %ne3A_2937 : i32
      %lt3A_2939 = arith.constant 0 : i32
      %lt3A_2940 = arith.cmpi slt, %rem3A_2936, %lt3A_2939 : i32
      %lt3A_2941 = arith.constant 0 : i32
      %lt3A_2942 = arith.cmpi slt, %select_n3A_2935, %lt3A_2941 : i32
      %ne3A_2943 = arith.xori %lt3A_2940, %lt3A_2942 : i1
      %and3A_2944 = arith.andi %ne3A_2943, %ne3A_2938 : i1
      %add3A_2945 = arith.addi %rem3A_2936, %select_n3A_2935 : i32
      %select_n3A_2946 = arith.select %and3A_2944, %add3A_2945, %rem3A_2936 : i32
      %mul3A_2947 = arith.constant 1280 : i32
      %mul3A_2948 = arith.muli %select_n3A_2946, %mul3A_2947 : i32
      %multiple_of3A_2949 = tpu.assume_multiple %mul3A_2948, 128 : i32
      %mul3A_2950 = arith.constant 8 : i32
      %mul3A_2951 = arith.muli %select_n3A_2930, %mul3A_2950 : i32
      %add3A_2952 = arith.addi %mul3A_2, %mul3A_2951 : i32
      %dma_wait3A_2953 = tpu.memref_slice %arg4[%add3A_2952, %multiple_of3A_2949] : memref<8192x5000xf32, #tpu.memory_space<hbm>> -> memref<8x1280xf32, #tpu.memory_space<hbm>>
      %dma_wait3A_2954 = tpu.memref_slice %arg4[%add3A_2952, %multiple_of3A_2949] : memref<8192x5000xf32, #tpu.memory_space<hbm>> -> memref<8x1280xf32, #tpu.memory_space<hbm>>
      tpu.wait_dma2 semaphore(%arg26 : memref<!tpu.dma_semaphore, #tpu.memory_space<semaphore_mem>>) src(%arg10 : memref<8x1280xf32, #tpu.memory_space<vmem>>) dst(%dma_wait3A_2954 : memref<8x1280xf32, #tpu.memory_space<hbm>>)
      %add3A_2955 = arith.constant 8 : i32
      %add3A_2956 = arith.addi %add3A_1696, %add3A_2955 : i32
      %add3A_2957 = arith.constant 4 : i32
      %add3A_2958 = arith.addi %add3A_2956, %add3A_2957 : i32
      %jit3A_2959 = arith.constant 4 : i32
      %div3A_2960 = arith.divsi %add3A_2958, %jit3A_2959 : i32
      %sign3A_2961 = arith.constant 0 : i32
      %sign3A_2962 = arith.cmpi sgt, %add3A_2958, %sign3A_2961 : i32
      %sign3A_2963 = arith.extui %sign3A_2962 : i1 to i32
      %sign3A_2964 = arith.constant 0 : i32
      %sign3A_2965 = arith.cmpi slt, %add3A_2958, %sign3A_2964 : i32
      %sign3A_2966 = arith.extui %sign3A_2965 : i1 to i32
      %sign3A_2967 = arith.subi %sign3A_2963, %sign3A_2966 : i32
      %sign3A_2968 = arith.constant 0 : i32
      %sign3A_2969 = arith.cmpi sgt, %jit3A_2959, %sign3A_2968 : i32
      %sign3A_2970 = arith.extui %sign3A_2969 : i1 to i32
      %sign3A_2971 = arith.constant 0 : i32
      %sign3A_2972 = arith.cmpi slt, %jit3A_2959, %sign3A_2971 : i32
      %sign3A_2973 = arith.extui %sign3A_2972 : i1 to i32
      %sign3A_2974 = arith.subi %sign3A_2970, %sign3A_2973 : i32
      %ne3A_2975 = arith.cmpi ne, %sign3A_2967, %sign3A_2974 : i32
      %rem3A_2976 = arith.remsi %add3A_2958, %jit3A_2959 : i32
      %ne3A_2977 = arith.constant 0 : i32
      %ne3A_2978 = arith.cmpi ne, %rem3A_2976, %ne3A_2977 : i32
      %and3A_2979 = arith.andi %ne3A_2975, %ne3A_2978 : i1
      %sub3A_2980 = arith.constant 1 : i32
      %sub3A_2981 = arith.subi %div3A_2960, %sub3A_2980 : i32
      %select_n3A_2982 = arith.select %and3A_2979, %sub3A_2981, %div3A_2960 : i32
      %jit3A_2983 = arith.constant 4 : i32
      %eq3A_2984 = arith.constant 0 : i32
      %eq3A_2985 = arith.cmpi eq, %jit3A_2983, %eq3A_2984 : i32
      %jit3A_2986 = arith.constant 1 : i32
      %select_n3A_2987 = arith.select %eq3A_2985, %jit3A_2986, %jit3A_2983 : i32
      %rem3A_2988 = arith.remsi %add3A_2958, %select_n3A_2987 : i32
      %ne3A_2989 = arith.constant 0 : i32
      %ne3A_2990 = arith.cmpi ne, %rem3A_2988, %ne3A_2989 : i32
      %lt3A_2991 = arith.constant 0 : i32
      %lt3A_2992 = arith.cmpi slt, %rem3A_2988, %lt3A_2991 : i32
      %lt3A_2993 = arith.constant 0 : i32
      %lt3A_2994 = arith.cmpi slt, %select_n3A_2987, %lt3A_2993 : i32
      %ne3A_2995 = arith.xori %lt3A_2992, %lt3A_2994 : i1
      %and3A_2996 = arith.andi %ne3A_2995, %ne3A_2990 : i1
      %add3A_2997 = arith.addi %rem3A_2988, %select_n3A_2987 : i32
      %select_n3A_2998 = arith.select %and3A_2996, %add3A_2997, %rem3A_2988 : i32
      %mul3A_2999 = arith.constant 1280 : i32
      %mul3A_3000 = arith.muli %select_n3A_2998, %mul3A_2999 : i32
      %multiple_of3A_3001 = tpu.assume_multiple %mul3A_3000, 128 : i32
      %mul3A_3002 = arith.constant 8 : i32
      %mul3A_3003 = arith.muli %select_n3A_2982, %mul3A_3002 : i32
      %dma_start3A_3004 = tpu.memref_slice %arg5[%mul3A_3003] : memref<256xi32, #tpu.memory_space<vmem>> -> memref<8xi32, #tpu.memory_space<vmem>>
      %dma_start3A_3005 = arith.constant 0 : i32
      %dma_start3A_3006 = tpu.memref_slice %arg2[%dma_start3A_3005, %multiple_of3A_3001] : memref<5000x5000xf32, #tpu.memory_space<hbm>> -> memref<5000x1280xf32, #tpu.memory_space<hbm>>
      tpu.enqueue_indirect_dma source(%dma_start3A_3006 : memref<5000x1280xf32, #tpu.memory_space<hbm>>) target(%arg10 : memref<8x1280xf32, #tpu.memory_space<vmem>>) offsets(%dma_start3A_3004 : memref<8xi32, #tpu.memory_space<vmem>>) semaphore(%arg18 : memref<!tpu.dma_semaphore, #tpu.memory_space<semaphore_mem>>)
      %add3A_3007 = arith.constant 5 : i32
      %add3A_3008 = arith.addi %add3A_1696, %add3A_3007 : i32
      %jit3A_3009 = arith.constant 4 : i32
      %div3A_3010 = arith.divsi %add3A_3008, %jit3A_3009 : i32
      %sign3A_3011 = arith.constant 0 : i32
      %sign3A_3012 = arith.cmpi sgt, %add3A_3008, %sign3A_3011 : i32
      %sign3A_3013 = arith.extui %sign3A_3012 : i1 to i32
      %sign3A_3014 = arith.constant 0 : i32
      %sign3A_3015 = arith.cmpi slt, %add3A_3008, %sign3A_3014 : i32
      %sign3A_3016 = arith.extui %sign3A_3015 : i1 to i32
      %sign3A_3017 = arith.subi %sign3A_3013, %sign3A_3016 : i32
      %sign3A_3018 = arith.constant 0 : i32
      %sign3A_3019 = arith.cmpi sgt, %jit3A_3009, %sign3A_3018 : i32
      %sign3A_3020 = arith.extui %sign3A_3019 : i1 to i32
      %sign3A_3021 = arith.constant 0 : i32
      %sign3A_3022 = arith.cmpi slt, %jit3A_3009, %sign3A_3021 : i32
      %sign3A_3023 = arith.extui %sign3A_3022 : i1 to i32
      %sign3A_3024 = arith.subi %sign3A_3020, %sign3A_3023 : i32
      %ne3A_3025 = arith.cmpi ne, %sign3A_3017, %sign3A_3024 : i32
      %rem3A_3026 = arith.remsi %add3A_3008, %jit3A_3009 : i32
      %ne3A_3027 = arith.constant 0 : i32
      %ne3A_3028 = arith.cmpi ne, %rem3A_3026, %ne3A_3027 : i32
      %and3A_3029 = arith.andi %ne3A_3025, %ne3A_3028 : i1
      %sub3A_3030 = arith.constant 1 : i32
      %sub3A_3031 = arith.subi %div3A_3010, %sub3A_3030 : i32
      %select_n3A_3032 = arith.select %and3A_3029, %sub3A_3031, %div3A_3010 : i32
      %jit3A_3033 = arith.constant 4 : i32
      %eq3A_3034 = arith.constant 0 : i32
      %eq3A_3035 = arith.cmpi eq, %jit3A_3033, %eq3A_3034 : i32
      %jit3A_3036 = arith.constant 1 : i32
      %select_n3A_3037 = arith.select %eq3A_3035, %jit3A_3036, %jit3A_3033 : i32
      %rem3A_3038 = arith.remsi %add3A_3008, %select_n3A_3037 : i32
      %ne3A_3039 = arith.constant 0 : i32
      %ne3A_3040 = arith.cmpi ne, %rem3A_3038, %ne3A_3039 : i32
      %lt3A_3041 = arith.constant 0 : i32
      %lt3A_3042 = arith.cmpi slt, %rem3A_3038, %lt3A_3041 : i32
      %lt3A_3043 = arith.constant 0 : i32
      %lt3A_3044 = arith.cmpi slt, %select_n3A_3037, %lt3A_3043 : i32
      %ne3A_3045 = arith.xori %lt3A_3042, %lt3A_3044 : i1
      %and3A_3046 = arith.andi %ne3A_3045, %ne3A_3040 : i1
      %add3A_3047 = arith.addi %rem3A_3038, %select_n3A_3037 : i32
      %select_n3A_3048 = arith.select %and3A_3046, %add3A_3047, %rem3A_3038 : i32
      %mul3A_3049 = arith.constant 1280 : i32
      %mul3A_3050 = arith.muli %select_n3A_3048, %mul3A_3049 : i32
      %multiple_of3A_3051 = tpu.assume_multiple %mul3A_3050, 128 : i32
      %mul3A_3052 = arith.constant 8 : i32
      %mul3A_3053 = arith.muli %select_n3A_3032, %mul3A_3052 : i32
      %add3A_3054 = arith.addi %mul3A_2, %mul3A_3053 : i32
      %dma_wait3A_3055 = tpu.memref_slice %arg4[%add3A_3054, %multiple_of3A_3051] : memref<8192x5000xf32, #tpu.memory_space<hbm>> -> memref<8x1280xf32, #tpu.memory_space<hbm>>
      %dma_wait3A_3056 = tpu.memref_slice %arg4[%add3A_3054, %multiple_of3A_3051] : memref<8192x5000xf32, #tpu.memory_space<hbm>> -> memref<8x1280xf32, #tpu.memory_space<hbm>>
      tpu.wait_dma2 semaphore(%arg27 : memref<!tpu.dma_semaphore, #tpu.memory_space<semaphore_mem>>) src(%arg11 : memref<8x1280xf32, #tpu.memory_space<vmem>>) dst(%dma_wait3A_3056 : memref<8x1280xf32, #tpu.memory_space<hbm>>)
      %add3A_3057 = arith.constant 8 : i32
      %add3A_3058 = arith.addi %add3A_1696, %add3A_3057 : i32
      %add3A_3059 = arith.constant 5 : i32
      %add3A_3060 = arith.addi %add3A_3058, %add3A_3059 : i32
      %jit3A_3061 = arith.constant 4 : i32
      %div3A_3062 = arith.divsi %add3A_3060, %jit3A_3061 : i32
      %sign3A_3063 = arith.constant 0 : i32
      %sign3A_3064 = arith.cmpi sgt, %add3A_3060, %sign3A_3063 : i32
      %sign3A_3065 = arith.extui %sign3A_3064 : i1 to i32
      %sign3A_3066 = arith.constant 0 : i32
      %sign3A_3067 = arith.cmpi slt, %add3A_3060, %sign3A_3066 : i32
      %sign3A_3068 = arith.extui %sign3A_3067 : i1 to i32
      %sign3A_3069 = arith.subi %sign3A_3065, %sign3A_3068 : i32
      %sign3A_3070 = arith.constant 0 : i32
      %sign3A_3071 = arith.cmpi sgt, %jit3A_3061, %sign3A_3070 : i32
      %sign3A_3072 = arith.extui %sign3A_3071 : i1 to i32
      %sign3A_3073 = arith.constant 0 : i32
      %sign3A_3074 = arith.cmpi slt, %jit3A_3061, %sign3A_3073 : i32
      %sign3A_3075 = arith.extui %sign3A_3074 : i1 to i32
      %sign3A_3076 = arith.subi %sign3A_3072, %sign3A_3075 : i32
      %ne3A_3077 = arith.cmpi ne, %sign3A_3069, %sign3A_3076 : i32
      %rem3A_3078 = arith.remsi %add3A_3060, %jit3A_3061 : i32
      %ne3A_3079 = arith.constant 0 : i32
      %ne3A_3080 = arith.cmpi ne, %rem3A_3078, %ne3A_3079 : i32
      %and3A_3081 = arith.andi %ne3A_3077, %ne3A_3080 : i1
      %sub3A_3082 = arith.constant 1 : i32
      %sub3A_3083 = arith.subi %div3A_3062, %sub3A_3082 : i32
      %select_n3A_3084 = arith.select %and3A_3081, %sub3A_3083, %div3A_3062 : i32
      %jit3A_3085 = arith.constant 4 : i32
      %eq3A_3086 = arith.constant 0 : i32
      %eq3A_3087 = arith.cmpi eq, %jit3A_3085, %eq3A_3086 : i32
      %jit3A_3088 = arith.constant 1 : i32
      %select_n3A_3089 = arith.select %eq3A_3087, %jit3A_3088, %jit3A_3085 : i32
      %rem3A_3090 = arith.remsi %add3A_3060, %select_n3A_3089 : i32
      %ne3A_3091 = arith.constant 0 : i32
      %ne3A_3092 = arith.cmpi ne, %rem3A_3090, %ne3A_3091 : i32
      %lt3A_3093 = arith.constant 0 : i32
      %lt3A_3094 = arith.cmpi slt, %rem3A_3090, %lt3A_3093 : i32
      %lt3A_3095 = arith.constant 0 : i32
      %lt3A_3096 = arith.cmpi slt, %select_n3A_3089, %lt3A_3095 : i32
      %ne3A_3097 = arith.xori %lt3A_3094, %lt3A_3096 : i1
      %and3A_3098 = arith.andi %ne3A_3097, %ne3A_3092 : i1
      %add3A_3099 = arith.addi %rem3A_3090, %select_n3A_3089 : i32
      %select_n3A_3100 = arith.select %and3A_3098, %add3A_3099, %rem3A_3090 : i32
      %mul3A_3101 = arith.constant 1280 : i32
      %mul3A_3102 = arith.muli %select_n3A_3100, %mul3A_3101 : i32
      %multiple_of3A_3103 = tpu.assume_multiple %mul3A_3102, 128 : i32
      %mul3A_3104 = arith.constant 8 : i32
      %mul3A_3105 = arith.muli %select_n3A_3084, %mul3A_3104 : i32
      %dma_start3A_3106 = tpu.memref_slice %arg5[%mul3A_3105] : memref<256xi32, #tpu.memory_space<vmem>> -> memref<8xi32, #tpu.memory_space<vmem>>
      %dma_start3A_3107 = arith.constant 0 : i32
      %dma_start3A_3108 = tpu.memref_slice %arg2[%dma_start3A_3107, %multiple_of3A_3103] : memref<5000x5000xf32, #tpu.memory_space<hbm>> -> memref<5000x1280xf32, #tpu.memory_space<hbm>>
      tpu.enqueue_indirect_dma source(%dma_start3A_3108 : memref<5000x1280xf32, #tpu.memory_space<hbm>>) target(%arg11 : memref<8x1280xf32, #tpu.memory_space<vmem>>) offsets(%dma_start3A_3106 : memref<8xi32, #tpu.memory_space<vmem>>) semaphore(%arg19 : memref<!tpu.dma_semaphore, #tpu.memory_space<semaphore_mem>>)
      %add3A_3109 = arith.constant 6 : i32
      %add3A_3110 = arith.addi %add3A_1696, %add3A_3109 : i32
      %jit3A_3111 = arith.constant 4 : i32
      %div3A_3112 = arith.divsi %add3A_3110, %jit3A_3111 : i32
      %sign3A_3113 = arith.constant 0 : i32
      %sign3A_3114 = arith.cmpi sgt, %add3A_3110, %sign3A_3113 : i32
      %sign3A_3115 = arith.extui %sign3A_3114 : i1 to i32
      %sign3A_3116 = arith.constant 0 : i32
      %sign3A_3117 = arith.cmpi slt, %add3A_3110, %sign3A_3116 : i32
      %sign3A_3118 = arith.extui %sign3A_3117 : i1 to i32
      %sign3A_3119 = arith.subi %sign3A_3115, %sign3A_3118 : i32
      %sign3A_3120 = arith.constant 0 : i32
      %sign3A_3121 = arith.cmpi sgt, %jit3A_3111, %sign3A_3120 : i32
      %sign3A_3122 = arith.extui %sign3A_3121 : i1 to i32
      %sign3A_3123 = arith.constant 0 : i32
      %sign3A_3124 = arith.cmpi slt, %jit3A_3111, %sign3A_3123 : i32
      %sign3A_3125 = arith.extui %sign3A_3124 : i1 to i32
      %sign3A_3126 = arith.subi %sign3A_3122, %sign3A_3125 : i32
      %ne3A_3127 = arith.cmpi ne, %sign3A_3119, %sign3A_3126 : i32
      %rem3A_3128 = arith.remsi %add3A_3110, %jit3A_3111 : i32
      %ne3A_3129 = arith.constant 0 : i32
      %ne3A_3130 = arith.cmpi ne, %rem3A_3128, %ne3A_3129 : i32
      %and3A_3131 = arith.andi %ne3A_3127, %ne3A_3130 : i1
      %sub3A_3132 = arith.constant 1 : i32
      %sub3A_3133 = arith.subi %div3A_3112, %sub3A_3132 : i32
      %select_n3A_3134 = arith.select %and3A_3131, %sub3A_3133, %div3A_3112 : i32
      %jit3A_3135 = arith.constant 4 : i32
      %eq3A_3136 = arith.constant 0 : i32
      %eq3A_3137 = arith.cmpi eq, %jit3A_3135, %eq3A_3136 : i32
      %jit3A_3138 = arith.constant 1 : i32
      %select_n3A_3139 = arith.select %eq3A_3137, %jit3A_3138, %jit3A_3135 : i32
      %rem3A_3140 = arith.remsi %add3A_3110, %select_n3A_3139 : i32
      %ne3A_3141 = arith.constant 0 : i32
      %ne3A_3142 = arith.cmpi ne, %rem3A_3140, %ne3A_3141 : i32
      %lt3A_3143 = arith.constant 0 : i32
      %lt3A_3144 = arith.cmpi slt, %rem3A_3140, %lt3A_3143 : i32
      %lt3A_3145 = arith.constant 0 : i32
      %lt3A_3146 = arith.cmpi slt, %select_n3A_3139, %lt3A_3145 : i32
      %ne3A_3147 = arith.xori %lt3A_3144, %lt3A_3146 : i1
      %and3A_3148 = arith.andi %ne3A_3147, %ne3A_3142 : i1
      %add3A_3149 = arith.addi %rem3A_3140, %select_n3A_3139 : i32
      %select_n3A_3150 = arith.select %and3A_3148, %add3A_3149, %rem3A_3140 : i32
      %mul3A_3151 = arith.constant 1280 : i32
      %mul3A_3152 = arith.muli %select_n3A_3150, %mul3A_3151 : i32
      %multiple_of3A_3153 = tpu.assume_multiple %mul3A_3152, 128 : i32
      %mul3A_3154 = arith.constant 8 : i32
      %mul3A_3155 = arith.muli %select_n3A_3134, %mul3A_3154 : i32
      %add3A_3156 = arith.addi %mul3A_2, %mul3A_3155 : i32
      %dma_wait3A_3157 = tpu.memref_slice %arg4[%add3A_3156, %multiple_of3A_3153] : memref<8192x5000xf32, #tpu.memory_space<hbm>> -> memref<8x1280xf32, #tpu.memory_space<hbm>>
      %dma_wait3A_3158 = tpu.memref_slice %arg4[%add3A_3156, %multiple_of3A_3153] : memref<8192x5000xf32, #tpu.memory_space<hbm>> -> memref<8x1280xf32, #tpu.memory_space<hbm>>
      tpu.wait_dma2 semaphore(%arg28 : memref<!tpu.dma_semaphore, #tpu.memory_space<semaphore_mem>>) src(%arg12 : memref<8x1280xf32, #tpu.memory_space<vmem>>) dst(%dma_wait3A_3158 : memref<8x1280xf32, #tpu.memory_space<hbm>>)
      %add3A_3159 = arith.constant 8 : i32
      %add3A_3160 = arith.addi %add3A_1696, %add3A_3159 : i32
      %add3A_3161 = arith.constant 6 : i32
      %add3A_3162 = arith.addi %add3A_3160, %add3A_3161 : i32
      %jit3A_3163 = arith.constant 4 : i32
      %div3A_3164 = arith.divsi %add3A_3162, %jit3A_3163 : i32
      %sign3A_3165 = arith.constant 0 : i32
      %sign3A_3166 = arith.cmpi sgt, %add3A_3162, %sign3A_3165 : i32
      %sign3A_3167 = arith.extui %sign3A_3166 : i1 to i32
      %sign3A_3168 = arith.constant 0 : i32
      %sign3A_3169 = arith.cmpi slt, %add3A_3162, %sign3A_3168 : i32
      %sign3A_3170 = arith.extui %sign3A_3169 : i1 to i32
      %sign3A_3171 = arith.subi %sign3A_3167, %sign3A_3170 : i32
      %sign3A_3172 = arith.constant 0 : i32
      %sign3A_3173 = arith.cmpi sgt, %jit3A_3163, %sign3A_3172 : i32
      %sign3A_3174 = arith.extui %sign3A_3173 : i1 to i32
      %sign3A_3175 = arith.constant 0 : i32
      %sign3A_3176 = arith.cmpi slt, %jit3A_3163, %sign3A_3175 : i32
      %sign3A_3177 = arith.extui %sign3A_3176 : i1 to i32
      %sign3A_3178 = arith.subi %sign3A_3174, %sign3A_3177 : i32
      %ne3A_3179 = arith.cmpi ne, %sign3A_3171, %sign3A_3178 : i32
      %rem3A_3180 = arith.remsi %add3A_3162, %jit3A_3163 : i32
      %ne3A_3181 = arith.constant 0 : i32
      %ne3A_3182 = arith.cmpi ne, %rem3A_3180, %ne3A_3181 : i32
      %and3A_3183 = arith.andi %ne3A_3179, %ne3A_3182 : i1
      %sub3A_3184 = arith.constant 1 : i32
      %sub3A_3185 = arith.subi %div3A_3164, %sub3A_3184 : i32
      %select_n3A_3186 = arith.select %and3A_3183, %sub3A_3185, %div3A_3164 : i32
      %jit3A_3187 = arith.constant 4 : i32
      %eq3A_3188 = arith.constant 0 : i32
      %eq3A_3189 = arith.cmpi eq, %jit3A_3187, %eq3A_3188 : i32
      %jit3A_3190 = arith.constant 1 : i32
      %select_n3A_3191 = arith.select %eq3A_3189, %jit3A_3190, %jit3A_3187 : i32
      %rem3A_3192 = arith.remsi %add3A_3162, %select_n3A_3191 : i32
      %ne3A_3193 = arith.constant 0 : i32
      %ne3A_3194 = arith.cmpi ne, %rem3A_3192, %ne3A_3193 : i32
      %lt3A_3195 = arith.constant 0 : i32
      %lt3A_3196 = arith.cmpi slt, %rem3A_3192, %lt3A_3195 : i32
      %lt3A_3197 = arith.constant 0 : i32
      %lt3A_3198 = arith.cmpi slt, %select_n3A_3191, %lt3A_3197 : i32
      %ne3A_3199 = arith.xori %lt3A_3196, %lt3A_3198 : i1
      %and3A_3200 = arith.andi %ne3A_3199, %ne3A_3194 : i1
      %add3A_3201 = arith.addi %rem3A_3192, %select_n3A_3191 : i32
      %select_n3A_3202 = arith.select %and3A_3200, %add3A_3201, %rem3A_3192 : i32
      %mul3A_3203 = arith.constant 1280 : i32
      %mul3A_3204 = arith.muli %select_n3A_3202, %mul3A_3203 : i32
      %multiple_of3A_3205 = tpu.assume_multiple %mul3A_3204, 128 : i32
      %mul3A_3206 = arith.constant 8 : i32
      %mul3A_3207 = arith.muli %select_n3A_3186, %mul3A_3206 : i32
      %dma_start3A_3208 = tpu.memref_slice %arg5[%mul3A_3207] : memref<256xi32, #tpu.memory_space<vmem>> -> memref<8xi32, #tpu.memory_space<vmem>>
      %dma_start3A_3209 = arith.constant 0 : i32
      %dma_start3A_3210 = tpu.memref_slice %arg2[%dma_start3A_3209, %multiple_of3A_3205] : memref<5000x5000xf32, #tpu.memory_space<hbm>> -> memref<5000x1280xf32, #tpu.memory_space<hbm>>
      tpu.enqueue_indirect_dma source(%dma_start3A_3210 : memref<5000x1280xf32, #tpu.memory_space<hbm>>) target(%arg12 : memref<8x1280xf32, #tpu.memory_space<vmem>>) offsets(%dma_start3A_3208 : memref<8xi32, #tpu.memory_space<vmem>>) semaphore(%arg20 : memref<!tpu.dma_semaphore, #tpu.memory_space<semaphore_mem>>)
      %add3A_3211 = arith.constant 7 : i32
      %add3A_3212 = arith.addi %add3A_1696, %add3A_3211 : i32
      %jit3A_3213 = arith.constant 4 : i32
      %div3A_3214 = arith.divsi %add3A_3212, %jit3A_3213 : i32
      %sign3A_3215 = arith.constant 0 : i32
      %sign3A_3216 = arith.cmpi sgt, %add3A_3212, %sign3A_3215 : i32
      %sign3A_3217 = arith.extui %sign3A_3216 : i1 to i32
      %sign3A_3218 = arith.constant 0 : i32
      %sign3A_3219 = arith.cmpi slt, %add3A_3212, %sign3A_3218 : i32
      %sign3A_3220 = arith.extui %sign3A_3219 : i1 to i32
      %sign3A_3221 = arith.subi %sign3A_3217, %sign3A_3220 : i32
      %sign3A_3222 = arith.constant 0 : i32
      %sign3A_3223 = arith.cmpi sgt, %jit3A_3213, %sign3A_3222 : i32
      %sign3A_3224 = arith.extui %sign3A_3223 : i1 to i32
      %sign3A_3225 = arith.constant 0 : i32
      %sign3A_3226 = arith.cmpi slt, %jit3A_3213, %sign3A_3225 : i32
      %sign3A_3227 = arith.extui %sign3A_3226 : i1 to i32
      %sign3A_3228 = arith.subi %sign3A_3224, %sign3A_3227 : i32
      %ne3A_3229 = arith.cmpi ne, %sign3A_3221, %sign3A_3228 : i32
      %rem3A_3230 = arith.remsi %add3A_3212, %jit3A_3213 : i32
      %ne3A_3231 = arith.constant 0 : i32
      %ne3A_3232 = arith.cmpi ne, %rem3A_3230, %ne3A_3231 : i32
      %and3A_3233 = arith.andi %ne3A_3229, %ne3A_3232 : i1
      %sub3A_3234 = arith.constant 1 : i32
      %sub3A_3235 = arith.subi %div3A_3214, %sub3A_3234 : i32
      %select_n3A_3236 = arith.select %and3A_3233, %sub3A_3235, %div3A_3214 : i32
      %jit3A_3237 = arith.constant 4 : i32
      %eq3A_3238 = arith.constant 0 : i32
      %eq3A_3239 = arith.cmpi eq, %jit3A_3237, %eq3A_3238 : i32
      %jit3A_3240 = arith.constant 1 : i32
      %select_n3A_3241 = arith.select %eq3A_3239, %jit3A_3240, %jit3A_3237 : i32
      %rem3A_3242 = arith.remsi %add3A_3212, %select_n3A_3241 : i32
      %ne3A_3243 = arith.constant 0 : i32
      %ne3A_3244 = arith.cmpi ne, %rem3A_3242, %ne3A_3243 : i32
      %lt3A_3245 = arith.constant 0 : i32
      %lt3A_3246 = arith.cmpi slt, %rem3A_3242, %lt3A_3245 : i32
      %lt3A_3247 = arith.constant 0 : i32
      %lt3A_3248 = arith.cmpi slt, %select_n3A_3241, %lt3A_3247 : i32
      %ne3A_3249 = arith.xori %lt3A_3246, %lt3A_3248 : i1
      %and3A_3250 = arith.andi %ne3A_3249, %ne3A_3244 : i1
      %add3A_3251 = arith.addi %rem3A_3242, %select_n3A_3241 : i32
      %select_n3A_3252 = arith.select %and3A_3250, %add3A_3251, %rem3A_3242 : i32
      %mul3A_3253 = arith.constant 1280 : i32
      %mul3A_3254 = arith.muli %select_n3A_3252, %mul3A_3253 : i32
      %multiple_of3A_3255 = tpu.assume_multiple %mul3A_3254, 128 : i32
      %mul3A_3256 = arith.constant 8 : i32
      %mul3A_3257 = arith.muli %select_n3A_3236, %mul3A_3256 : i32
      %add3A_3258 = arith.addi %mul3A_2, %mul3A_3257 : i32
      %dma_wait3A_3259 = tpu.memref_slice %arg4[%add3A_3258, %multiple_of3A_3255] : memref<8192x5000xf32, #tpu.memory_space<hbm>> -> memref<8x1280xf32, #tpu.memory_space<hbm>>
      %dma_wait3A_3260 = tpu.memref_slice %arg4[%add3A_3258, %multiple_of3A_3255] : memref<8192x5000xf32, #tpu.memory_space<hbm>> -> memref<8x1280xf32, #tpu.memory_space<hbm>>
      tpu.wait_dma2 semaphore(%arg29 : memref<!tpu.dma_semaphore, #tpu.memory_space<semaphore_mem>>) src(%arg13 : memref<8x1280xf32, #tpu.memory_space<vmem>>) dst(%dma_wait3A_3260 : memref<8x1280xf32, #tpu.memory_space<hbm>>)
      %add3A_3261 = arith.constant 8 : i32
      %add3A_3262 = arith.addi %add3A_1696, %add3A_3261 : i32
      %add3A_3263 = arith.constant 7 : i32
      %add3A_3264 = arith.addi %add3A_3262, %add3A_3263 : i32
      %jit3A_3265 = arith.constant 4 : i32
      %div3A_3266 = arith.divsi %add3A_3264, %jit3A_3265 : i32
      %sign3A_3267 = arith.constant 0 : i32
      %sign3A_3268 = arith.cmpi sgt, %add3A_3264, %sign3A_3267 : i32
      %sign3A_3269 = arith.extui %sign3A_3268 : i1 to i32
      %sign3A_3270 = arith.constant 0 : i32
      %sign3A_3271 = arith.cmpi slt, %add3A_3264, %sign3A_3270 : i32
      %sign3A_3272 = arith.extui %sign3A_3271 : i1 to i32
      %sign3A_3273 = arith.subi %sign3A_3269, %sign3A_3272 : i32
      %sign3A_3274 = arith.constant 0 : i32
      %sign3A_3275 = arith.cmpi sgt, %jit3A_3265, %sign3A_3274 : i32
      %sign3A_3276 = arith.extui %sign3A_3275 : i1 to i32
      %sign3A_3277 = arith.constant 0 : i32
      %sign3A_3278 = arith.cmpi slt, %jit3A_3265, %sign3A_3277 : i32
      %sign3A_3279 = arith.extui %sign3A_3278 : i1 to i32
      %sign3A_3280 = arith.subi %sign3A_3276, %sign3A_3279 : i32
      %ne3A_3281 = arith.cmpi ne, %sign3A_3273, %sign3A_3280 : i32
      %rem3A_3282 = arith.remsi %add3A_3264, %jit3A_3265 : i32
      %ne3A_3283 = arith.constant 0 : i32
      %ne3A_3284 = arith.cmpi ne, %rem3A_3282, %ne3A_3283 : i32
      %and3A_3285 = arith.andi %ne3A_3281, %ne3A_3284 : i1
      %sub3A_3286 = arith.constant 1 : i32
      %sub3A_3287 = arith.subi %div3A_3266, %sub3A_3286 : i32
      %select_n3A_3288 = arith.select %and3A_3285, %sub3A_3287, %div3A_3266 : i32
      %jit3A_3289 = arith.constant 4 : i32
      %eq3A_3290 = arith.constant 0 : i32
      %eq3A_3291 = arith.cmpi eq, %jit3A_3289, %eq3A_3290 : i32
      %jit3A_3292 = arith.constant 1 : i32
      %select_n3A_3293 = arith.select %eq3A_3291, %jit3A_3292, %jit3A_3289 : i32
      %rem3A_3294 = arith.remsi %add3A_3264, %select_n3A_3293 : i32
      %ne3A_3295 = arith.constant 0 : i32
      %ne3A_3296 = arith.cmpi ne, %rem3A_3294, %ne3A_3295 : i32
      %lt3A_3297 = arith.constant 0 : i32
      %lt3A_3298 = arith.cmpi slt, %rem3A_3294, %lt3A_3297 : i32
      %lt3A_3299 = arith.constant 0 : i32
      %lt3A_3300 = arith.cmpi slt, %select_n3A_3293, %lt3A_3299 : i32
      %ne3A_3301 = arith.xori %lt3A_3298, %lt3A_3300 : i1
      %and3A_3302 = arith.andi %ne3A_3301, %ne3A_3296 : i1
      %add3A_3303 = arith.addi %rem3A_3294, %select_n3A_3293 : i32
      %select_n3A_3304 = arith.select %and3A_3302, %add3A_3303, %rem3A_3294 : i32
      %mul3A_3305 = arith.constant 1280 : i32
      %mul3A_3306 = arith.muli %select_n3A_3304, %mul3A_3305 : i32
      %multiple_of3A_3307 = tpu.assume_multiple %mul3A_3306, 128 : i32
      %mul3A_3308 = arith.constant 8 : i32
      %mul3A_3309 = arith.muli %select_n3A_3288, %mul3A_3308 : i32
      %dma_start3A_3310 = tpu.memref_slice %arg5[%mul3A_3309] : memref<256xi32, #tpu.memory_space<vmem>> -> memref<8xi32, #tpu.memory_space<vmem>>
      %dma_start3A_3311 = arith.constant 0 : i32
      %dma_start3A_3312 = tpu.memref_slice %arg2[%dma_start3A_3311, %multiple_of3A_3307] : memref<5000x5000xf32, #tpu.memory_space<hbm>> -> memref<5000x1280xf32, #tpu.memory_space<hbm>>
      tpu.enqueue_indirect_dma source(%dma_start3A_3312 : memref<5000x1280xf32, #tpu.memory_space<hbm>>) target(%arg13 : memref<8x1280xf32, #tpu.memory_space<vmem>>) offsets(%dma_start3A_3310 : memref<8xi32, #tpu.memory_space<vmem>>) semaphore(%arg21 : memref<!tpu.dma_semaphore, #tpu.memory_space<semaphore_mem>>)
    }
    %scan3A_396 = arith.constant 15 : i32
    %add3A_397 = arith.constant 128 : i32
    %add3A_398 = arith.addi %mul3A_4, %add3A_397 : i32
    %sub3A_399 = arith.constant 8 : i32
    %sub3A_400 = arith.subi %add3A_398, %sub3A_399 : i32
    %add3A_401 = arith.constant 0 : i32
    %add3A_402 = arith.addi %sub3A_400, %add3A_401 : i32
    %jit3A_403 = arith.constant 4 : i32
    %div3A_404 = arith.divsi %add3A_402, %jit3A_403 : i32
    %sign3A_405 = arith.constant 0 : i32
    %sign3A_406 = arith.cmpi sgt, %add3A_402, %sign3A_405 : i32
    %sign3A_407 = arith.extui %sign3A_406 : i1 to i32
    %sign3A_408 = arith.constant 0 : i32
    %sign3A_409 = arith.cmpi slt, %add3A_402, %sign3A_408 : i32
    %sign3A_410 = arith.extui %sign3A_409 : i1 to i32
    %sign3A_411 = arith.subi %sign3A_407, %sign3A_410 : i32
    %sign3A_412 = arith.constant 0 : i32
    %sign3A_413 = arith.cmpi sgt, %jit3A_403, %sign3A_412 : i32
    %sign3A_414 = arith.extui %sign3A_413 : i1 to i32
    %sign3A_415 = arith.constant 0 : i32
    %sign3A_416 = arith.cmpi slt, %jit3A_403, %sign3A_415 : i32
    %sign3A_417 = arith.extui %sign3A_416 : i1 to i32
    %sign3A_418 = arith.subi %sign3A_414, %sign3A_417 : i32
    %ne3A_419 = arith.cmpi ne, %sign3A_411, %sign3A_418 : i32
    %rem3A_420 = arith.remsi %add3A_402, %jit3A_403 : i32
    %ne3A_421 = arith.constant 0 : i32
    %ne3A_422 = arith.cmpi ne, %rem3A_420, %ne3A_421 : i32
    %and3A_423 = arith.andi %ne3A_419, %ne3A_422 : i1
    %sub3A_424 = arith.constant 1 : i32
    %sub3A_425 = arith.subi %div3A_404, %sub3A_424 : i32
    %select_n3A_426 = arith.select %and3A_423, %sub3A_425, %div3A_404 : i32
    %jit3A_427 = arith.constant 4 : i32
    %eq3A_428 = arith.constant 0 : i32
    %eq3A_429 = arith.cmpi eq, %jit3A_427, %eq3A_428 : i32
    %jit3A_430 = arith.constant 1 : i32
    %select_n3A_431 = arith.select %eq3A_429, %jit3A_430, %jit3A_427 : i32
    %rem3A_432 = arith.remsi %add3A_402, %select_n3A_431 : i32
    %ne3A_433 = arith.constant 0 : i32
    %ne3A_434 = arith.cmpi ne, %rem3A_432, %ne3A_433 : i32
    %lt3A_435 = arith.constant 0 : i32
    %lt3A_436 = arith.cmpi slt, %rem3A_432, %lt3A_435 : i32
    %lt3A_437 = arith.constant 0 : i32
    %lt3A_438 = arith.cmpi slt, %select_n3A_431, %lt3A_437 : i32
    %ne3A_439 = arith.xori %lt3A_436, %lt3A_438 : i1
    %and3A_440 = arith.andi %ne3A_439, %ne3A_434 : i1
    %add3A_441 = arith.addi %rem3A_432, %select_n3A_431 : i32
    %select_n3A_442 = arith.select %and3A_440, %add3A_441, %rem3A_432 : i32
    %mul3A_443 = arith.constant 1280 : i32
    %mul3A_444 = arith.muli %select_n3A_442, %mul3A_443 : i32
    %multiple_of3A_445 = tpu.assume_multiple %mul3A_444, 128 : i32
    %mul3A_446 = arith.constant 8 : i32
    %mul3A_447 = arith.muli %select_n3A_426, %mul3A_446 : i32
    %dma_wait3A = tpu.memref_slice %arg5[%mul3A_447] : memref<256xi32, #tpu.memory_space<vmem>> -> memref<8xi32, #tpu.memory_space<vmem>>
    %dma_wait3A_448 = arith.constant 0 : i32
    %dma_wait3A_449 = tpu.memref_slice %arg2[%dma_wait3A_448, %multiple_of3A_445] : memref<5000x5000xf32, #tpu.memory_space<hbm>> -> memref<5000x1280xf32, #tpu.memory_space<hbm>>
    tpu.wait_indirect_dma semaphore(%arg14 : memref<!tpu.dma_semaphore, #tpu.memory_space<semaphore_mem>>) src(%dma_wait3A_449 : memref<5000x1280xf32, #tpu.memory_space<hbm>>) dst(%arg6 : memref<8x1280xf32, #tpu.memory_space<vmem>>)
    %add3A_450 = arith.constant 128 : i32
    %add3A_451 = arith.addi %mul3A_4, %add3A_450 : i32
    %sub3A_452 = arith.constant 8 : i32
    %sub3A_453 = arith.subi %add3A_451, %sub3A_452 : i32
    %add3A_454 = arith.constant 0 : i32
    %add3A_455 = arith.addi %sub3A_453, %add3A_454 : i32
    %jit3A_456 = arith.constant 4 : i32
    %div3A_457 = arith.divsi %add3A_455, %jit3A_456 : i32
    %sign3A_458 = arith.constant 0 : i32
    %sign3A_459 = arith.cmpi sgt, %add3A_455, %sign3A_458 : i32
    %sign3A_460 = arith.extui %sign3A_459 : i1 to i32
    %sign3A_461 = arith.constant 0 : i32
    %sign3A_462 = arith.cmpi slt, %add3A_455, %sign3A_461 : i32
    %sign3A_463 = arith.extui %sign3A_462 : i1 to i32
    %sign3A_464 = arith.subi %sign3A_460, %sign3A_463 : i32
    %sign3A_465 = arith.constant 0 : i32
    %sign3A_466 = arith.cmpi sgt, %jit3A_456, %sign3A_465 : i32
    %sign3A_467 = arith.extui %sign3A_466 : i1 to i32
    %sign3A_468 = arith.constant 0 : i32
    %sign3A_469 = arith.cmpi slt, %jit3A_456, %sign3A_468 : i32
    %sign3A_470 = arith.extui %sign3A_469 : i1 to i32
    %sign3A_471 = arith.subi %sign3A_467, %sign3A_470 : i32
    %ne3A_472 = arith.cmpi ne, %sign3A_464, %sign3A_471 : i32
    %rem3A_473 = arith.remsi %add3A_455, %jit3A_456 : i32
    %ne3A_474 = arith.constant 0 : i32
    %ne3A_475 = arith.cmpi ne, %rem3A_473, %ne3A_474 : i32
    %and3A_476 = arith.andi %ne3A_472, %ne3A_475 : i1
    %sub3A_477 = arith.constant 1 : i32
    %sub3A_478 = arith.subi %div3A_457, %sub3A_477 : i32
    %select_n3A_479 = arith.select %and3A_476, %sub3A_478, %div3A_457 : i32
    %jit3A_480 = arith.constant 4 : i32
    %eq3A_481 = arith.constant 0 : i32
    %eq3A_482 = arith.cmpi eq, %jit3A_480, %eq3A_481 : i32
    %jit3A_483 = arith.constant 1 : i32
    %select_n3A_484 = arith.select %eq3A_482, %jit3A_483, %jit3A_480 : i32
    %rem3A_485 = arith.remsi %add3A_455, %select_n3A_484 : i32
    %ne3A_486 = arith.constant 0 : i32
    %ne3A_487 = arith.cmpi ne, %rem3A_485, %ne3A_486 : i32
    %lt3A_488 = arith.constant 0 : i32
    %lt3A_489 = arith.cmpi slt, %rem3A_485, %lt3A_488 : i32
    %lt3A_490 = arith.constant 0 : i32
    %lt3A_491 = arith.cmpi slt, %select_n3A_484, %lt3A_490 : i32
    %ne3A_492 = arith.xori %lt3A_489, %lt3A_491 : i1
    %and3A_493 = arith.andi %ne3A_492, %ne3A_487 : i1
    %add3A_494 = arith.addi %rem3A_485, %select_n3A_484 : i32
    %select_n3A_495 = arith.select %and3A_493, %add3A_494, %rem3A_485 : i32
    %mul3A_496 = arith.constant 1280 : i32
    %mul3A_497 = arith.muli %select_n3A_495, %mul3A_496 : i32
    %multiple_of3A_498 = tpu.assume_multiple %mul3A_497, 128 : i32
    %mul3A_499 = arith.constant 8 : i32
    %mul3A_500 = arith.muli %select_n3A_479, %mul3A_499 : i32
    %add3A_501 = arith.addi %mul3A_2, %mul3A_500 : i32
    %dma_start3A_502 = tpu.memref_slice %arg4[%add3A_501, %multiple_of3A_498] : memref<8192x5000xf32, #tpu.memory_space<hbm>> -> memref<8x1280xf32, #tpu.memory_space<hbm>>
    %dma_start3A_503 = tpu.memref_slice %arg4[%add3A_501, %multiple_of3A_498] : memref<8192x5000xf32, #tpu.memory_space<hbm>> -> memref<8x1280xf32, #tpu.memory_space<hbm>>
    tpu.enqueue_dma source(%arg6 : memref<8x1280xf32, #tpu.memory_space<vmem>>) target(%dma_start3A_503 : memref<8x1280xf32, #tpu.memory_space<hbm>>) target_semaphore(%arg22 : memref<!tpu.dma_semaphore, #tpu.memory_space<semaphore_mem>>)
    %add3A_504 = arith.constant 128 : i32
    %add3A_505 = arith.addi %mul3A_4, %add3A_504 : i32
    %sub3A_506 = arith.constant 8 : i32
    %sub3A_507 = arith.subi %add3A_505, %sub3A_506 : i32
    %add3A_508 = arith.constant 1 : i32
    %add3A_509 = arith.addi %sub3A_507, %add3A_508 : i32
    %jit3A_510 = arith.constant 4 : i32
    %div3A_511 = arith.divsi %add3A_509, %jit3A_510 : i32
    %sign3A_512 = arith.constant 0 : i32
    %sign3A_513 = arith.cmpi sgt, %add3A_509, %sign3A_512 : i32
    %sign3A_514 = arith.extui %sign3A_513 : i1 to i32
    %sign3A_515 = arith.constant 0 : i32
    %sign3A_516 = arith.cmpi slt, %add3A_509, %sign3A_515 : i32
    %sign3A_517 = arith.extui %sign3A_516 : i1 to i32
    %sign3A_518 = arith.subi %sign3A_514, %sign3A_517 : i32
    %sign3A_519 = arith.constant 0 : i32
    %sign3A_520 = arith.cmpi sgt, %jit3A_510, %sign3A_519 : i32
    %sign3A_521 = arith.extui %sign3A_520 : i1 to i32
    %sign3A_522 = arith.constant 0 : i32
    %sign3A_523 = arith.cmpi slt, %jit3A_510, %sign3A_522 : i32
    %sign3A_524 = arith.extui %sign3A_523 : i1 to i32
    %sign3A_525 = arith.subi %sign3A_521, %sign3A_524 : i32
    %ne3A_526 = arith.cmpi ne, %sign3A_518, %sign3A_525 : i32
    %rem3A_527 = arith.remsi %add3A_509, %jit3A_510 : i32
    %ne3A_528 = arith.constant 0 : i32
    %ne3A_529 = arith.cmpi ne, %rem3A_527, %ne3A_528 : i32
    %and3A_530 = arith.andi %ne3A_526, %ne3A_529 : i1
    %sub3A_531 = arith.constant 1 : i32
    %sub3A_532 = arith.subi %div3A_511, %sub3A_531 : i32
    %select_n3A_533 = arith.select %and3A_530, %sub3A_532, %div3A_511 : i32
    %jit3A_534 = arith.constant 4 : i32
    %eq3A_535 = arith.constant 0 : i32
    %eq3A_536 = arith.cmpi eq, %jit3A_534, %eq3A_535 : i32
    %jit3A_537 = arith.constant 1 : i32
    %select_n3A_538 = arith.select %eq3A_536, %jit3A_537, %jit3A_534 : i32
    %rem3A_539 = arith.remsi %add3A_509, %select_n3A_538 : i32
    %ne3A_540 = arith.constant 0 : i32
    %ne3A_541 = arith.cmpi ne, %rem3A_539, %ne3A_540 : i32
    %lt3A_542 = arith.constant 0 : i32
    %lt3A_543 = arith.cmpi slt, %rem3A_539, %lt3A_542 : i32
    %lt3A_544 = arith.constant 0 : i32
    %lt3A_545 = arith.cmpi slt, %select_n3A_538, %lt3A_544 : i32
    %ne3A_546 = arith.xori %lt3A_543, %lt3A_545 : i1
    %and3A_547 = arith.andi %ne3A_546, %ne3A_541 : i1
    %add3A_548 = arith.addi %rem3A_539, %select_n3A_538 : i32
    %select_n3A_549 = arith.select %and3A_547, %add3A_548, %rem3A_539 : i32
    %mul3A_550 = arith.constant 1280 : i32
    %mul3A_551 = arith.muli %select_n3A_549, %mul3A_550 : i32
    %multiple_of3A_552 = tpu.assume_multiple %mul3A_551, 128 : i32
    %mul3A_553 = arith.constant 8 : i32
    %mul3A_554 = arith.muli %select_n3A_533, %mul3A_553 : i32
    %dma_wait3A_555 = tpu.memref_slice %arg5[%mul3A_554] : memref<256xi32, #tpu.memory_space<vmem>> -> memref<8xi32, #tpu.memory_space<vmem>>
    %dma_wait3A_556 = arith.constant 0 : i32
    %dma_wait3A_557 = tpu.memref_slice %arg2[%dma_wait3A_556, %multiple_of3A_552] : memref<5000x5000xf32, #tpu.memory_space<hbm>> -> memref<5000x1280xf32, #tpu.memory_space<hbm>>
    tpu.wait_indirect_dma semaphore(%arg15 : memref<!tpu.dma_semaphore, #tpu.memory_space<semaphore_mem>>) src(%dma_wait3A_557 : memref<5000x1280xf32, #tpu.memory_space<hbm>>) dst(%arg7 : memref<8x1280xf32, #tpu.memory_space<vmem>>)
    %add3A_558 = arith.constant 128 : i32
    %add3A_559 = arith.addi %mul3A_4, %add3A_558 : i32
    %sub3A_560 = arith.constant 8 : i32
    %sub3A_561 = arith.subi %add3A_559, %sub3A_560 : i32
    %add3A_562 = arith.constant 1 : i32
    %add3A_563 = arith.addi %sub3A_561, %add3A_562 : i32
    %jit3A_564 = arith.constant 4 : i32
    %div3A_565 = arith.divsi %add3A_563, %jit3A_564 : i32
    %sign3A_566 = arith.constant 0 : i32
    %sign3A_567 = arith.cmpi sgt, %add3A_563, %sign3A_566 : i32
    %sign3A_568 = arith.extui %sign3A_567 : i1 to i32
    %sign3A_569 = arith.constant 0 : i32
    %sign3A_570 = arith.cmpi slt, %add3A_563, %sign3A_569 : i32
    %sign3A_571 = arith.extui %sign3A_570 : i1 to i32
    %sign3A_572 = arith.subi %sign3A_568, %sign3A_571 : i32
    %sign3A_573 = arith.constant 0 : i32
    %sign3A_574 = arith.cmpi sgt, %jit3A_564, %sign3A_573 : i32
    %sign3A_575 = arith.extui %sign3A_574 : i1 to i32
    %sign3A_576 = arith.constant 0 : i32
    %sign3A_577 = arith.cmpi slt, %jit3A_564, %sign3A_576 : i32
    %sign3A_578 = arith.extui %sign3A_577 : i1 to i32
    %sign3A_579 = arith.subi %sign3A_575, %sign3A_578 : i32
    %ne3A_580 = arith.cmpi ne, %sign3A_572, %sign3A_579 : i32
    %rem3A_581 = arith.remsi %add3A_563, %jit3A_564 : i32
    %ne3A_582 = arith.constant 0 : i32
    %ne3A_583 = arith.cmpi ne, %rem3A_581, %ne3A_582 : i32
    %and3A_584 = arith.andi %ne3A_580, %ne3A_583 : i1
    %sub3A_585 = arith.constant 1 : i32
    %sub3A_586 = arith.subi %div3A_565, %sub3A_585 : i32
    %select_n3A_587 = arith.select %and3A_584, %sub3A_586, %div3A_565 : i32
    %jit3A_588 = arith.constant 4 : i32
    %eq3A_589 = arith.constant 0 : i32
    %eq3A_590 = arith.cmpi eq, %jit3A_588, %eq3A_589 : i32
    %jit3A_591 = arith.constant 1 : i32
    %select_n3A_592 = arith.select %eq3A_590, %jit3A_591, %jit3A_588 : i32
    %rem3A_593 = arith.remsi %add3A_563, %select_n3A_592 : i32
    %ne3A_594 = arith.constant 0 : i32
    %ne3A_595 = arith.cmpi ne, %rem3A_593, %ne3A_594 : i32
    %lt3A_596 = arith.constant 0 : i32
    %lt3A_597 = arith.cmpi slt, %rem3A_593, %lt3A_596 : i32
    %lt3A_598 = arith.constant 0 : i32
    %lt3A_599 = arith.cmpi slt, %select_n3A_592, %lt3A_598 : i32
    %ne3A_600 = arith.xori %lt3A_597, %lt3A_599 : i1
    %and3A_601 = arith.andi %ne3A_600, %ne3A_595 : i1
    %add3A_602 = arith.addi %rem3A_593, %select_n3A_592 : i32
    %select_n3A_603 = arith.select %and3A_601, %add3A_602, %rem3A_593 : i32
    %mul3A_604 = arith.constant 1280 : i32
    %mul3A_605 = arith.muli %select_n3A_603, %mul3A_604 : i32
    %multiple_of3A_606 = tpu.assume_multiple %mul3A_605, 128 : i32
    %mul3A_607 = arith.constant 8 : i32
    %mul3A_608 = arith.muli %select_n3A_587, %mul3A_607 : i32
    %add3A_609 = arith.addi %mul3A_2, %mul3A_608 : i32
    %dma_start3A_610 = tpu.memref_slice %arg4[%add3A_609, %multiple_of3A_606] : memref<8192x5000xf32, #tpu.memory_space<hbm>> -> memref<8x1280xf32, #tpu.memory_space<hbm>>
    %dma_start3A_611 = tpu.memref_slice %arg4[%add3A_609, %multiple_of3A_606] : memref<8192x5000xf32, #tpu.memory_space<hbm>> -> memref<8x1280xf32, #tpu.memory_space<hbm>>
    tpu.enqueue_dma source(%arg7 : memref<8x1280xf32, #tpu.memory_space<vmem>>) target(%dma_start3A_611 : memref<8x1280xf32, #tpu.memory_space<hbm>>) target_semaphore(%arg23 : memref<!tpu.dma_semaphore, #tpu.memory_space<semaphore_mem>>)
    %add3A_612 = arith.constant 128 : i32
    %add3A_613 = arith.addi %mul3A_4, %add3A_612 : i32
    %sub3A_614 = arith.constant 8 : i32
    %sub3A_615 = arith.subi %add3A_613, %sub3A_614 : i32
    %add3A_616 = arith.constant 2 : i32
    %add3A_617 = arith.addi %sub3A_615, %add3A_616 : i32
    %jit3A_618 = arith.constant 4 : i32
    %div3A_619 = arith.divsi %add3A_617, %jit3A_618 : i32
    %sign3A_620 = arith.constant 0 : i32
    %sign3A_621 = arith.cmpi sgt, %add3A_617, %sign3A_620 : i32
    %sign3A_622 = arith.extui %sign3A_621 : i1 to i32
    %sign3A_623 = arith.constant 0 : i32
    %sign3A_624 = arith.cmpi slt, %add3A_617, %sign3A_623 : i32
    %sign3A_625 = arith.extui %sign3A_624 : i1 to i32
    %sign3A_626 = arith.subi %sign3A_622, %sign3A_625 : i32
    %sign3A_627 = arith.constant 0 : i32
    %sign3A_628 = arith.cmpi sgt, %jit3A_618, %sign3A_627 : i32
    %sign3A_629 = arith.extui %sign3A_628 : i1 to i32
    %sign3A_630 = arith.constant 0 : i32
    %sign3A_631 = arith.cmpi slt, %jit3A_618, %sign3A_630 : i32
    %sign3A_632 = arith.extui %sign3A_631 : i1 to i32
    %sign3A_633 = arith.subi %sign3A_629, %sign3A_632 : i32
    %ne3A_634 = arith.cmpi ne, %sign3A_626, %sign3A_633 : i32
    %rem3A_635 = arith.remsi %add3A_617, %jit3A_618 : i32
    %ne3A_636 = arith.constant 0 : i32
    %ne3A_637 = arith.cmpi ne, %rem3A_635, %ne3A_636 : i32
    %and3A_638 = arith.andi %ne3A_634, %ne3A_637 : i1
    %sub3A_639 = arith.constant 1 : i32
    %sub3A_640 = arith.subi %div3A_619, %sub3A_639 : i32
    %select_n3A_641 = arith.select %and3A_638, %sub3A_640, %div3A_619 : i32
    %jit3A_642 = arith.constant 4 : i32
    %eq3A_643 = arith.constant 0 : i32
    %eq3A_644 = arith.cmpi eq, %jit3A_642, %eq3A_643 : i32
    %jit3A_645 = arith.constant 1 : i32
    %select_n3A_646 = arith.select %eq3A_644, %jit3A_645, %jit3A_642 : i32
    %rem3A_647 = arith.remsi %add3A_617, %select_n3A_646 : i32
    %ne3A_648 = arith.constant 0 : i32
    %ne3A_649 = arith.cmpi ne, %rem3A_647, %ne3A_648 : i32
    %lt3A_650 = arith.constant 0 : i32
    %lt3A_651 = arith.cmpi slt, %rem3A_647, %lt3A_650 : i32
    %lt3A_652 = arith.constant 0 : i32
    %lt3A_653 = arith.cmpi slt, %select_n3A_646, %lt3A_652 : i32
    %ne3A_654 = arith.xori %lt3A_651, %lt3A_653 : i1
    %and3A_655 = arith.andi %ne3A_654, %ne3A_649 : i1
    %add3A_656 = arith.addi %rem3A_647, %select_n3A_646 : i32
    %select_n3A_657 = arith.select %and3A_655, %add3A_656, %rem3A_647 : i32
    %mul3A_658 = arith.constant 1280 : i32
    %mul3A_659 = arith.muli %select_n3A_657, %mul3A_658 : i32
    %multiple_of3A_660 = tpu.assume_multiple %mul3A_659, 128 : i32
    %mul3A_661 = arith.constant 8 : i32
    %mul3A_662 = arith.muli %select_n3A_641, %mul3A_661 : i32
    %dma_wait3A_663 = tpu.memref_slice %arg5[%mul3A_662] : memref<256xi32, #tpu.memory_space<vmem>> -> memref<8xi32, #tpu.memory_space<vmem>>
    %dma_wait3A_664 = arith.constant 0 : i32
    %dma_wait3A_665 = tpu.memref_slice %arg2[%dma_wait3A_664, %multiple_of3A_660] : memref<5000x5000xf32, #tpu.memory_space<hbm>> -> memref<5000x1280xf32, #tpu.memory_space<hbm>>
    tpu.wait_indirect_dma semaphore(%arg16 : memref<!tpu.dma_semaphore, #tpu.memory_space<semaphore_mem>>) src(%dma_wait3A_665 : memref<5000x1280xf32, #tpu.memory_space<hbm>>) dst(%arg8 : memref<8x1280xf32, #tpu.memory_space<vmem>>)
    %add3A_666 = arith.constant 128 : i32
    %add3A_667 = arith.addi %mul3A_4, %add3A_666 : i32
    %sub3A_668 = arith.constant 8 : i32
    %sub3A_669 = arith.subi %add3A_667, %sub3A_668 : i32
    %add3A_670 = arith.constant 2 : i32
    %add3A_671 = arith.addi %sub3A_669, %add3A_670 : i32
    %jit3A_672 = arith.constant 4 : i32
    %div3A_673 = arith.divsi %add3A_671, %jit3A_672 : i32
    %sign3A_674 = arith.constant 0 : i32
    %sign3A_675 = arith.cmpi sgt, %add3A_671, %sign3A_674 : i32
    %sign3A_676 = arith.extui %sign3A_675 : i1 to i32
    %sign3A_677 = arith.constant 0 : i32
    %sign3A_678 = arith.cmpi slt, %add3A_671, %sign3A_677 : i32
    %sign3A_679 = arith.extui %sign3A_678 : i1 to i32
    %sign3A_680 = arith.subi %sign3A_676, %sign3A_679 : i32
    %sign3A_681 = arith.constant 0 : i32
    %sign3A_682 = arith.cmpi sgt, %jit3A_672, %sign3A_681 : i32
    %sign3A_683 = arith.extui %sign3A_682 : i1 to i32
    %sign3A_684 = arith.constant 0 : i32
    %sign3A_685 = arith.cmpi slt, %jit3A_672, %sign3A_684 : i32
    %sign3A_686 = arith.extui %sign3A_685 : i1 to i32
    %sign3A_687 = arith.subi %sign3A_683, %sign3A_686 : i32
    %ne3A_688 = arith.cmpi ne, %sign3A_680, %sign3A_687 : i32
    %rem3A_689 = arith.remsi %add3A_671, %jit3A_672 : i32
    %ne3A_690 = arith.constant 0 : i32
    %ne3A_691 = arith.cmpi ne, %rem3A_689, %ne3A_690 : i32
    %and3A_692 = arith.andi %ne3A_688, %ne3A_691 : i1
    %sub3A_693 = arith.constant 1 : i32
    %sub3A_694 = arith.subi %div3A_673, %sub3A_693 : i32
    %select_n3A_695 = arith.select %and3A_692, %sub3A_694, %div3A_673 : i32
    %jit3A_696 = arith.constant 4 : i32
    %eq3A_697 = arith.constant 0 : i32
    %eq3A_698 = arith.cmpi eq, %jit3A_696, %eq3A_697 : i32
    %jit3A_699 = arith.constant 1 : i32
    %select_n3A_700 = arith.select %eq3A_698, %jit3A_699, %jit3A_696 : i32
    %rem3A_701 = arith.remsi %add3A_671, %select_n3A_700 : i32
    %ne3A_702 = arith.constant 0 : i32
    %ne3A_703 = arith.cmpi ne, %rem3A_701, %ne3A_702 : i32
    %lt3A_704 = arith.constant 0 : i32
    %lt3A_705 = arith.cmpi slt, %rem3A_701, %lt3A_704 : i32
    %lt3A_706 = arith.constant 0 : i32
    %lt3A_707 = arith.cmpi slt, %select_n3A_700, %lt3A_706 : i32
    %ne3A_708 = arith.xori %lt3A_705, %lt3A_707 : i1
    %and3A_709 = arith.andi %ne3A_708, %ne3A_703 : i1
    %add3A_710 = arith.addi %rem3A_701, %select_n3A_700 : i32
    %select_n3A_711 = arith.select %and3A_709, %add3A_710, %rem3A_701 : i32
    %mul3A_712 = arith.constant 1280 : i32
    %mul3A_713 = arith.muli %select_n3A_711, %mul3A_712 : i32
    %multiple_of3A_714 = tpu.assume_multiple %mul3A_713, 128 : i32
    %mul3A_715 = arith.constant 8 : i32
    %mul3A_716 = arith.muli %select_n3A_695, %mul3A_715 : i32
    %add3A_717 = arith.addi %mul3A_2, %mul3A_716 : i32
    %dma_start3A_718 = tpu.memref_slice %arg4[%add3A_717, %multiple_of3A_714] : memref<8192x5000xf32, #tpu.memory_space<hbm>> -> memref<8x1280xf32, #tpu.memory_space<hbm>>
    %dma_start3A_719 = tpu.memref_slice %arg4[%add3A_717, %multiple_of3A_714] : memref<8192x5000xf32, #tpu.memory_space<hbm>> -> memref<8x1280xf32, #tpu.memory_space<hbm>>
    tpu.enqueue_dma source(%arg8 : memref<8x1280xf32, #tpu.memory_space<vmem>>) target(%dma_start3A_719 : memref<8x1280xf32, #tpu.memory_space<hbm>>) target_semaphore(%arg24 : memref<!tpu.dma_semaphore, #tpu.memory_space<semaphore_mem>>)
    %add3A_720 = arith.constant 128 : i32
    %add3A_721 = arith.addi %mul3A_4, %add3A_720 : i32
    %sub3A_722 = arith.constant 8 : i32
    %sub3A_723 = arith.subi %add3A_721, %sub3A_722 : i32
    %add3A_724 = arith.constant 3 : i32
    %add3A_725 = arith.addi %sub3A_723, %add3A_724 : i32
    %jit3A_726 = arith.constant 4 : i32
    %div3A_727 = arith.divsi %add3A_725, %jit3A_726 : i32
    %sign3A_728 = arith.constant 0 : i32
    %sign3A_729 = arith.cmpi sgt, %add3A_725, %sign3A_728 : i32
    %sign3A_730 = arith.extui %sign3A_729 : i1 to i32
    %sign3A_731 = arith.constant 0 : i32
    %sign3A_732 = arith.cmpi slt, %add3A_725, %sign3A_731 : i32
    %sign3A_733 = arith.extui %sign3A_732 : i1 to i32
    %sign3A_734 = arith.subi %sign3A_730, %sign3A_733 : i32
    %sign3A_735 = arith.constant 0 : i32
    %sign3A_736 = arith.cmpi sgt, %jit3A_726, %sign3A_735 : i32
    %sign3A_737 = arith.extui %sign3A_736 : i1 to i32
    %sign3A_738 = arith.constant 0 : i32
    %sign3A_739 = arith.cmpi slt, %jit3A_726, %sign3A_738 : i32
    %sign3A_740 = arith.extui %sign3A_739 : i1 to i32
    %sign3A_741 = arith.subi %sign3A_737, %sign3A_740 : i32
    %ne3A_742 = arith.cmpi ne, %sign3A_734, %sign3A_741 : i32
    %rem3A_743 = arith.remsi %add3A_725, %jit3A_726 : i32
    %ne3A_744 = arith.constant 0 : i32
    %ne3A_745 = arith.cmpi ne, %rem3A_743, %ne3A_744 : i32
    %and3A_746 = arith.andi %ne3A_742, %ne3A_745 : i1
    %sub3A_747 = arith.constant 1 : i32
    %sub3A_748 = arith.subi %div3A_727, %sub3A_747 : i32
    %select_n3A_749 = arith.select %and3A_746, %sub3A_748, %div3A_727 : i32
    %jit3A_750 = arith.constant 4 : i32
    %eq3A_751 = arith.constant 0 : i32
    %eq3A_752 = arith.cmpi eq, %jit3A_750, %eq3A_751 : i32
    %jit3A_753 = arith.constant 1 : i32
    %select_n3A_754 = arith.select %eq3A_752, %jit3A_753, %jit3A_750 : i32
    %rem3A_755 = arith.remsi %add3A_725, %select_n3A_754 : i32
    %ne3A_756 = arith.constant 0 : i32
    %ne3A_757 = arith.cmpi ne, %rem3A_755, %ne3A_756 : i32
    %lt3A_758 = arith.constant 0 : i32
    %lt3A_759 = arith.cmpi slt, %rem3A_755, %lt3A_758 : i32
    %lt3A_760 = arith.constant 0 : i32
    %lt3A_761 = arith.cmpi slt, %select_n3A_754, %lt3A_760 : i32
    %ne3A_762 = arith.xori %lt3A_759, %lt3A_761 : i1
    %and3A_763 = arith.andi %ne3A_762, %ne3A_757 : i1
    %add3A_764 = arith.addi %rem3A_755, %select_n3A_754 : i32
    %select_n3A_765 = arith.select %and3A_763, %add3A_764, %rem3A_755 : i32
    %mul3A_766 = arith.constant 1280 : i32
    %mul3A_767 = arith.muli %select_n3A_765, %mul3A_766 : i32
    %multiple_of3A_768 = tpu.assume_multiple %mul3A_767, 128 : i32
    %mul3A_769 = arith.constant 8 : i32
    %mul3A_770 = arith.muli %select_n3A_749, %mul3A_769 : i32
    %dma_wait3A_771 = tpu.memref_slice %arg5[%mul3A_770] : memref<256xi32, #tpu.memory_space<vmem>> -> memref<8xi32, #tpu.memory_space<vmem>>
    %dma_wait3A_772 = arith.constant 0 : i32
    %dma_wait3A_773 = tpu.memref_slice %arg2[%dma_wait3A_772, %multiple_of3A_768] : memref<5000x5000xf32, #tpu.memory_space<hbm>> -> memref<5000x1280xf32, #tpu.memory_space<hbm>>
    tpu.wait_indirect_dma semaphore(%arg17 : memref<!tpu.dma_semaphore, #tpu.memory_space<semaphore_mem>>) src(%dma_wait3A_773 : memref<5000x1280xf32, #tpu.memory_space<hbm>>) dst(%arg9 : memref<8x1280xf32, #tpu.memory_space<vmem>>)
    %add3A_774 = arith.constant 128 : i32
    %add3A_775 = arith.addi %mul3A_4, %add3A_774 : i32
    %sub3A_776 = arith.constant 8 : i32
    %sub3A_777 = arith.subi %add3A_775, %sub3A_776 : i32
    %add3A_778 = arith.constant 3 : i32
    %add3A_779 = arith.addi %sub3A_777, %add3A_778 : i32
    %jit3A_780 = arith.constant 4 : i32
    %div3A_781 = arith.divsi %add3A_779, %jit3A_780 : i32
    %sign3A_782 = arith.constant 0 : i32
    %sign3A_783 = arith.cmpi sgt, %add3A_779, %sign3A_782 : i32
    %sign3A_784 = arith.extui %sign3A_783 : i1 to i32
    %sign3A_785 = arith.constant 0 : i32
    %sign3A_786 = arith.cmpi slt, %add3A_779, %sign3A_785 : i32
    %sign3A_787 = arith.extui %sign3A_786 : i1 to i32
    %sign3A_788 = arith.subi %sign3A_784, %sign3A_787 : i32
    %sign3A_789 = arith.constant 0 : i32
    %sign3A_790 = arith.cmpi sgt, %jit3A_780, %sign3A_789 : i32
    %sign3A_791 = arith.extui %sign3A_790 : i1 to i32
    %sign3A_792 = arith.constant 0 : i32
    %sign3A_793 = arith.cmpi slt, %jit3A_780, %sign3A_792 : i32
    %sign3A_794 = arith.extui %sign3A_793 : i1 to i32
    %sign3A_795 = arith.subi %sign3A_791, %sign3A_794 : i32
    %ne3A_796 = arith.cmpi ne, %sign3A_788, %sign3A_795 : i32
    %rem3A_797 = arith.remsi %add3A_779, %jit3A_780 : i32
    %ne3A_798 = arith.constant 0 : i32
    %ne3A_799 = arith.cmpi ne, %rem3A_797, %ne3A_798 : i32
    %and3A_800 = arith.andi %ne3A_796, %ne3A_799 : i1
    %sub3A_801 = arith.constant 1 : i32
    %sub3A_802 = arith.subi %div3A_781, %sub3A_801 : i32
    %select_n3A_803 = arith.select %and3A_800, %sub3A_802, %div3A_781 : i32
    %jit3A_804 = arith.constant 4 : i32
    %eq3A_805 = arith.constant 0 : i32
    %eq3A_806 = arith.cmpi eq, %jit3A_804, %eq3A_805 : i32
    %jit3A_807 = arith.constant 1 : i32
    %select_n3A_808 = arith.select %eq3A_806, %jit3A_807, %jit3A_804 : i32
    %rem3A_809 = arith.remsi %add3A_779, %select_n3A_808 : i32
    %ne3A_810 = arith.constant 0 : i32
    %ne3A_811 = arith.cmpi ne, %rem3A_809, %ne3A_810 : i32
    %lt3A_812 = arith.constant 0 : i32
    %lt3A_813 = arith.cmpi slt, %rem3A_809, %lt3A_812 : i32
    %lt3A_814 = arith.constant 0 : i32
    %lt3A_815 = arith.cmpi slt, %select_n3A_808, %lt3A_814 : i32
    %ne3A_816 = arith.xori %lt3A_813, %lt3A_815 : i1
    %and3A_817 = arith.andi %ne3A_816, %ne3A_811 : i1
    %add3A_818 = arith.addi %rem3A_809, %select_n3A_808 : i32
    %select_n3A_819 = arith.select %and3A_817, %add3A_818, %rem3A_809 : i32
    %mul3A_820 = arith.constant 1280 : i32
    %mul3A_821 = arith.muli %select_n3A_819, %mul3A_820 : i32
    %multiple_of3A_822 = tpu.assume_multiple %mul3A_821, 128 : i32
    %mul3A_823 = arith.constant 8 : i32
    %mul3A_824 = arith.muli %select_n3A_803, %mul3A_823 : i32
    %add3A_825 = arith.addi %mul3A_2, %mul3A_824 : i32
    %dma_start3A_826 = tpu.memref_slice %arg4[%add3A_825, %multiple_of3A_822] : memref<8192x5000xf32, #tpu.memory_space<hbm>> -> memref<8x1280xf32, #tpu.memory_space<hbm>>
    %dma_start3A_827 = tpu.memref_slice %arg4[%add3A_825, %multiple_of3A_822] : memref<8192x5000xf32, #tpu.memory_space<hbm>> -> memref<8x1280xf32, #tpu.memory_space<hbm>>
    tpu.enqueue_dma source(%arg9 : memref<8x1280xf32, #tpu.memory_space<vmem>>) target(%dma_start3A_827 : memref<8x1280xf32, #tpu.memory_space<hbm>>) target_semaphore(%arg25 : memref<!tpu.dma_semaphore, #tpu.memory_space<semaphore_mem>>)
    %add3A_828 = arith.constant 128 : i32
    %add3A_829 = arith.addi %mul3A_4, %add3A_828 : i32
    %sub3A_830 = arith.constant 8 : i32
    %sub3A_831 = arith.subi %add3A_829, %sub3A_830 : i32
    %add3A_832 = arith.constant 4 : i32
    %add3A_833 = arith.addi %sub3A_831, %add3A_832 : i32
    %jit3A_834 = arith.constant 4 : i32
    %div3A_835 = arith.divsi %add3A_833, %jit3A_834 : i32
    %sign3A_836 = arith.constant 0 : i32
    %sign3A_837 = arith.cmpi sgt, %add3A_833, %sign3A_836 : i32
    %sign3A_838 = arith.extui %sign3A_837 : i1 to i32
    %sign3A_839 = arith.constant 0 : i32
    %sign3A_840 = arith.cmpi slt, %add3A_833, %sign3A_839 : i32
    %sign3A_841 = arith.extui %sign3A_840 : i1 to i32
    %sign3A_842 = arith.subi %sign3A_838, %sign3A_841 : i32
    %sign3A_843 = arith.constant 0 : i32
    %sign3A_844 = arith.cmpi sgt, %jit3A_834, %sign3A_843 : i32
    %sign3A_845 = arith.extui %sign3A_844 : i1 to i32
    %sign3A_846 = arith.constant 0 : i32
    %sign3A_847 = arith.cmpi slt, %jit3A_834, %sign3A_846 : i32
    %sign3A_848 = arith.extui %sign3A_847 : i1 to i32
    %sign3A_849 = arith.subi %sign3A_845, %sign3A_848 : i32
    %ne3A_850 = arith.cmpi ne, %sign3A_842, %sign3A_849 : i32
    %rem3A_851 = arith.remsi %add3A_833, %jit3A_834 : i32
    %ne3A_852 = arith.constant 0 : i32
    %ne3A_853 = arith.cmpi ne, %rem3A_851, %ne3A_852 : i32
    %and3A_854 = arith.andi %ne3A_850, %ne3A_853 : i1
    %sub3A_855 = arith.constant 1 : i32
    %sub3A_856 = arith.subi %div3A_835, %sub3A_855 : i32
    %select_n3A_857 = arith.select %and3A_854, %sub3A_856, %div3A_835 : i32
    %jit3A_858 = arith.constant 4 : i32
    %eq3A_859 = arith.constant 0 : i32
    %eq3A_860 = arith.cmpi eq, %jit3A_858, %eq3A_859 : i32
    %jit3A_861 = arith.constant 1 : i32
    %select_n3A_862 = arith.select %eq3A_860, %jit3A_861, %jit3A_858 : i32
    %rem3A_863 = arith.remsi %add3A_833, %select_n3A_862 : i32
    %ne3A_864 = arith.constant 0 : i32
    %ne3A_865 = arith.cmpi ne, %rem3A_863, %ne3A_864 : i32
    %lt3A_866 = arith.constant 0 : i32
    %lt3A_867 = arith.cmpi slt, %rem3A_863, %lt3A_866 : i32
    %lt3A_868 = arith.constant 0 : i32
    %lt3A_869 = arith.cmpi slt, %select_n3A_862, %lt3A_868 : i32
    %ne3A_870 = arith.xori %lt3A_867, %lt3A_869 : i1
    %and3A_871 = arith.andi %ne3A_870, %ne3A_865 : i1
    %add3A_872 = arith.addi %rem3A_863, %select_n3A_862 : i32
    %select_n3A_873 = arith.select %and3A_871, %add3A_872, %rem3A_863 : i32
    %mul3A_874 = arith.constant 1280 : i32
    %mul3A_875 = arith.muli %select_n3A_873, %mul3A_874 : i32
    %multiple_of3A_876 = tpu.assume_multiple %mul3A_875, 128 : i32
    %mul3A_877 = arith.constant 8 : i32
    %mul3A_878 = arith.muli %select_n3A_857, %mul3A_877 : i32
    %dma_wait3A_879 = tpu.memref_slice %arg5[%mul3A_878] : memref<256xi32, #tpu.memory_space<vmem>> -> memref<8xi32, #tpu.memory_space<vmem>>
    %dma_wait3A_880 = arith.constant 0 : i32
    %dma_wait3A_881 = tpu.memref_slice %arg2[%dma_wait3A_880, %multiple_of3A_876] : memref<5000x5000xf32, #tpu.memory_space<hbm>> -> memref<5000x1280xf32, #tpu.memory_space<hbm>>
    tpu.wait_indirect_dma semaphore(%arg18 : memref<!tpu.dma_semaphore, #tpu.memory_space<semaphore_mem>>) src(%dma_wait3A_881 : memref<5000x1280xf32, #tpu.memory_space<hbm>>) dst(%arg10 : memref<8x1280xf32, #tpu.memory_space<vmem>>)
    %add3A_882 = arith.constant 128 : i32
    %add3A_883 = arith.addi %mul3A_4, %add3A_882 : i32
    %sub3A_884 = arith.constant 8 : i32
    %sub3A_885 = arith.subi %add3A_883, %sub3A_884 : i32
    %add3A_886 = arith.constant 4 : i32
    %add3A_887 = arith.addi %sub3A_885, %add3A_886 : i32
    %jit3A_888 = arith.constant 4 : i32
    %div3A_889 = arith.divsi %add3A_887, %jit3A_888 : i32
    %sign3A_890 = arith.constant 0 : i32
    %sign3A_891 = arith.cmpi sgt, %add3A_887, %sign3A_890 : i32
    %sign3A_892 = arith.extui %sign3A_891 : i1 to i32
    %sign3A_893 = arith.constant 0 : i32
    %sign3A_894 = arith.cmpi slt, %add3A_887, %sign3A_893 : i32
    %sign3A_895 = arith.extui %sign3A_894 : i1 to i32
    %sign3A_896 = arith.subi %sign3A_892, %sign3A_895 : i32
    %sign3A_897 = arith.constant 0 : i32
    %sign3A_898 = arith.cmpi sgt, %jit3A_888, %sign3A_897 : i32
    %sign3A_899 = arith.extui %sign3A_898 : i1 to i32
    %sign3A_900 = arith.constant 0 : i32
    %sign3A_901 = arith.cmpi slt, %jit3A_888, %sign3A_900 : i32
    %sign3A_902 = arith.extui %sign3A_901 : i1 to i32
    %sign3A_903 = arith.subi %sign3A_899, %sign3A_902 : i32
    %ne3A_904 = arith.cmpi ne, %sign3A_896, %sign3A_903 : i32
    %rem3A_905 = arith.remsi %add3A_887, %jit3A_888 : i32
    %ne3A_906 = arith.constant 0 : i32
    %ne3A_907 = arith.cmpi ne, %rem3A_905, %ne3A_906 : i32
    %and3A_908 = arith.andi %ne3A_904, %ne3A_907 : i1
    %sub3A_909 = arith.constant 1 : i32
    %sub3A_910 = arith.subi %div3A_889, %sub3A_909 : i32
    %select_n3A_911 = arith.select %and3A_908, %sub3A_910, %div3A_889 : i32
    %jit3A_912 = arith.constant 4 : i32
    %eq3A_913 = arith.constant 0 : i32
    %eq3A_914 = arith.cmpi eq, %jit3A_912, %eq3A_913 : i32
    %jit3A_915 = arith.constant 1 : i32
    %select_n3A_916 = arith.select %eq3A_914, %jit3A_915, %jit3A_912 : i32
    %rem3A_917 = arith.remsi %add3A_887, %select_n3A_916 : i32
    %ne3A_918 = arith.constant 0 : i32
    %ne3A_919 = arith.cmpi ne, %rem3A_917, %ne3A_918 : i32
    %lt3A_920 = arith.constant 0 : i32
    %lt3A_921 = arith.cmpi slt, %rem3A_917, %lt3A_920 : i32
    %lt3A_922 = arith.constant 0 : i32
    %lt3A_923 = arith.cmpi slt, %select_n3A_916, %lt3A_922 : i32
    %ne3A_924 = arith.xori %lt3A_921, %lt3A_923 : i1
    %and3A_925 = arith.andi %ne3A_924, %ne3A_919 : i1
    %add3A_926 = arith.addi %rem3A_917, %select_n3A_916 : i32
    %select_n3A_927 = arith.select %and3A_925, %add3A_926, %rem3A_917 : i32
    %mul3A_928 = arith.constant 1280 : i32
    %mul3A_929 = arith.muli %select_n3A_927, %mul3A_928 : i32
    %multiple_of3A_930 = tpu.assume_multiple %mul3A_929, 128 : i32
    %mul3A_931 = arith.constant 8 : i32
    %mul3A_932 = arith.muli %select_n3A_911, %mul3A_931 : i32
    %add3A_933 = arith.addi %mul3A_2, %mul3A_932 : i32
    %dma_start3A_934 = tpu.memref_slice %arg4[%add3A_933, %multiple_of3A_930] : memref<8192x5000xf32, #tpu.memory_space<hbm>> -> memref<8x1280xf32, #tpu.memory_space<hbm>>
    %dma_start3A_935 = tpu.memref_slice %arg4[%add3A_933, %multiple_of3A_930] : memref<8192x5000xf32, #tpu.memory_space<hbm>> -> memref<8x1280xf32, #tpu.memory_space<hbm>>
    tpu.enqueue_dma source(%arg10 : memref<8x1280xf32, #tpu.memory_space<vmem>>) target(%dma_start3A_935 : memref<8x1280xf32, #tpu.memory_space<hbm>>) target_semaphore(%arg26 : memref<!tpu.dma_semaphore, #tpu.memory_space<semaphore_mem>>)
    %add3A_936 = arith.constant 128 : i32
    %add3A_937 = arith.addi %mul3A_4, %add3A_936 : i32
    %sub3A_938 = arith.constant 8 : i32
    %sub3A_939 = arith.subi %add3A_937, %sub3A_938 : i32
    %add3A_940 = arith.constant 5 : i32
    %add3A_941 = arith.addi %sub3A_939, %add3A_940 : i32
    %jit3A_942 = arith.constant 4 : i32
    %div3A_943 = arith.divsi %add3A_941, %jit3A_942 : i32
    %sign3A_944 = arith.constant 0 : i32
    %sign3A_945 = arith.cmpi sgt, %add3A_941, %sign3A_944 : i32
    %sign3A_946 = arith.extui %sign3A_945 : i1 to i32
    %sign3A_947 = arith.constant 0 : i32
    %sign3A_948 = arith.cmpi slt, %add3A_941, %sign3A_947 : i32
    %sign3A_949 = arith.extui %sign3A_948 : i1 to i32
    %sign3A_950 = arith.subi %sign3A_946, %sign3A_949 : i32
    %sign3A_951 = arith.constant 0 : i32
    %sign3A_952 = arith.cmpi sgt, %jit3A_942, %sign3A_951 : i32
    %sign3A_953 = arith.extui %sign3A_952 : i1 to i32
    %sign3A_954 = arith.constant 0 : i32
    %sign3A_955 = arith.cmpi slt, %jit3A_942, %sign3A_954 : i32
    %sign3A_956 = arith.extui %sign3A_955 : i1 to i32
    %sign3A_957 = arith.subi %sign3A_953, %sign3A_956 : i32
    %ne3A_958 = arith.cmpi ne, %sign3A_950, %sign3A_957 : i32
    %rem3A_959 = arith.remsi %add3A_941, %jit3A_942 : i32
    %ne3A_960 = arith.constant 0 : i32
    %ne3A_961 = arith.cmpi ne, %rem3A_959, %ne3A_960 : i32
    %and3A_962 = arith.andi %ne3A_958, %ne3A_961 : i1
    %sub3A_963 = arith.constant 1 : i32
    %sub3A_964 = arith.subi %div3A_943, %sub3A_963 : i32
    %select_n3A_965 = arith.select %and3A_962, %sub3A_964, %div3A_943 : i32
    %jit3A_966 = arith.constant 4 : i32
    %eq3A_967 = arith.constant 0 : i32
    %eq3A_968 = arith.cmpi eq, %jit3A_966, %eq3A_967 : i32
    %jit3A_969 = arith.constant 1 : i32
    %select_n3A_970 = arith.select %eq3A_968, %jit3A_969, %jit3A_966 : i32
    %rem3A_971 = arith.remsi %add3A_941, %select_n3A_970 : i32
    %ne3A_972 = arith.constant 0 : i32
    %ne3A_973 = arith.cmpi ne, %rem3A_971, %ne3A_972 : i32
    %lt3A_974 = arith.constant 0 : i32
    %lt3A_975 = arith.cmpi slt, %rem3A_971, %lt3A_974 : i32
    %lt3A_976 = arith.constant 0 : i32
    %lt3A_977 = arith.cmpi slt, %select_n3A_970, %lt3A_976 : i32
    %ne3A_978 = arith.xori %lt3A_975, %lt3A_977 : i1
    %and3A_979 = arith.andi %ne3A_978, %ne3A_973 : i1
    %add3A_980 = arith.addi %rem3A_971, %select_n3A_970 : i32
    %select_n3A_981 = arith.select %and3A_979, %add3A_980, %rem3A_971 : i32
    %mul3A_982 = arith.constant 1280 : i32
    %mul3A_983 = arith.muli %select_n3A_981, %mul3A_982 : i32
    %multiple_of3A_984 = tpu.assume_multiple %mul3A_983, 128 : i32
    %mul3A_985 = arith.constant 8 : i32
    %mul3A_986 = arith.muli %select_n3A_965, %mul3A_985 : i32
    %dma_wait3A_987 = tpu.memref_slice %arg5[%mul3A_986] : memref<256xi32, #tpu.memory_space<vmem>> -> memref<8xi32, #tpu.memory_space<vmem>>
    %dma_wait3A_988 = arith.constant 0 : i32
    %dma_wait3A_989 = tpu.memref_slice %arg2[%dma_wait3A_988, %multiple_of3A_984] : memref<5000x5000xf32, #tpu.memory_space<hbm>> -> memref<5000x1280xf32, #tpu.memory_space<hbm>>
    tpu.wait_indirect_dma semaphore(%arg19 : memref<!tpu.dma_semaphore, #tpu.memory_space<semaphore_mem>>) src(%dma_wait3A_989 : memref<5000x1280xf32, #tpu.memory_space<hbm>>) dst(%arg11 : memref<8x1280xf32, #tpu.memory_space<vmem>>)
    %add3A_990 = arith.constant 128 : i32
    %add3A_991 = arith.addi %mul3A_4, %add3A_990 : i32
    %sub3A_992 = arith.constant 8 : i32
    %sub3A_993 = arith.subi %add3A_991, %sub3A_992 : i32
    %add3A_994 = arith.constant 5 : i32
    %add3A_995 = arith.addi %sub3A_993, %add3A_994 : i32
    %jit3A_996 = arith.constant 4 : i32
    %div3A_997 = arith.divsi %add3A_995, %jit3A_996 : i32
    %sign3A_998 = arith.constant 0 : i32
    %sign3A_999 = arith.cmpi sgt, %add3A_995, %sign3A_998 : i32
    %sign3A_1000 = arith.extui %sign3A_999 : i1 to i32
    %sign3A_1001 = arith.constant 0 : i32
    %sign3A_1002 = arith.cmpi slt, %add3A_995, %sign3A_1001 : i32
    %sign3A_1003 = arith.extui %sign3A_1002 : i1 to i32
    %sign3A_1004 = arith.subi %sign3A_1000, %sign3A_1003 : i32
    %sign3A_1005 = arith.constant 0 : i32
    %sign3A_1006 = arith.cmpi sgt, %jit3A_996, %sign3A_1005 : i32
    %sign3A_1007 = arith.extui %sign3A_1006 : i1 to i32
    %sign3A_1008 = arith.constant 0 : i32
    %sign3A_1009 = arith.cmpi slt, %jit3A_996, %sign3A_1008 : i32
    %sign3A_1010 = arith.extui %sign3A_1009 : i1 to i32
    %sign3A_1011 = arith.subi %sign3A_1007, %sign3A_1010 : i32
    %ne3A_1012 = arith.cmpi ne, %sign3A_1004, %sign3A_1011 : i32
    %rem3A_1013 = arith.remsi %add3A_995, %jit3A_996 : i32
    %ne3A_1014 = arith.constant 0 : i32
    %ne3A_1015 = arith.cmpi ne, %rem3A_1013, %ne3A_1014 : i32
    %and3A_1016 = arith.andi %ne3A_1012, %ne3A_1015 : i1
    %sub3A_1017 = arith.constant 1 : i32
    %sub3A_1018 = arith.subi %div3A_997, %sub3A_1017 : i32
    %select_n3A_1019 = arith.select %and3A_1016, %sub3A_1018, %div3A_997 : i32
    %jit3A_1020 = arith.constant 4 : i32
    %eq3A_1021 = arith.constant 0 : i32
    %eq3A_1022 = arith.cmpi eq, %jit3A_1020, %eq3A_1021 : i32
    %jit3A_1023 = arith.constant 1 : i32
    %select_n3A_1024 = arith.select %eq3A_1022, %jit3A_1023, %jit3A_1020 : i32
    %rem3A_1025 = arith.remsi %add3A_995, %select_n3A_1024 : i32
    %ne3A_1026 = arith.constant 0 : i32
    %ne3A_1027 = arith.cmpi ne, %rem3A_1025, %ne3A_1026 : i32
    %lt3A_1028 = arith.constant 0 : i32
    %lt3A_1029 = arith.cmpi slt, %rem3A_1025, %lt3A_1028 : i32
    %lt3A_1030 = arith.constant 0 : i32
    %lt3A_1031 = arith.cmpi slt, %select_n3A_1024, %lt3A_1030 : i32
    %ne3A_1032 = arith.xori %lt3A_1029, %lt3A_1031 : i1
    %and3A_1033 = arith.andi %ne3A_1032, %ne3A_1027 : i1
    %add3A_1034 = arith.addi %rem3A_1025, %select_n3A_1024 : i32
    %select_n3A_1035 = arith.select %and3A_1033, %add3A_1034, %rem3A_1025 : i32
    %mul3A_1036 = arith.constant 1280 : i32
    %mul3A_1037 = arith.muli %select_n3A_1035, %mul3A_1036 : i32
    %multiple_of3A_1038 = tpu.assume_multiple %mul3A_1037, 128 : i32
    %mul3A_1039 = arith.constant 8 : i32
    %mul3A_1040 = arith.muli %select_n3A_1019, %mul3A_1039 : i32
    %add3A_1041 = arith.addi %mul3A_2, %mul3A_1040 : i32
    %dma_start3A_1042 = tpu.memref_slice %arg4[%add3A_1041, %multiple_of3A_1038] : memref<8192x5000xf32, #tpu.memory_space<hbm>> -> memref<8x1280xf32, #tpu.memory_space<hbm>>
    %dma_start3A_1043 = tpu.memref_slice %arg4[%add3A_1041, %multiple_of3A_1038] : memref<8192x5000xf32, #tpu.memory_space<hbm>> -> memref<8x1280xf32, #tpu.memory_space<hbm>>
    tpu.enqueue_dma source(%arg11 : memref<8x1280xf32, #tpu.memory_space<vmem>>) target(%dma_start3A_1043 : memref<8x1280xf32, #tpu.memory_space<hbm>>) target_semaphore(%arg27 : memref<!tpu.dma_semaphore, #tpu.memory_space<semaphore_mem>>)
    %add3A_1044 = arith.constant 128 : i32
    %add3A_1045 = arith.addi %mul3A_4, %add3A_1044 : i32
    %sub3A_1046 = arith.constant 8 : i32
    %sub3A_1047 = arith.subi %add3A_1045, %sub3A_1046 : i32
    %add3A_1048 = arith.constant 6 : i32
    %add3A_1049 = arith.addi %sub3A_1047, %add3A_1048 : i32
    %jit3A_1050 = arith.constant 4 : i32
    %div3A_1051 = arith.divsi %add3A_1049, %jit3A_1050 : i32
    %sign3A_1052 = arith.constant 0 : i32
    %sign3A_1053 = arith.cmpi sgt, %add3A_1049, %sign3A_1052 : i32
    %sign3A_1054 = arith.extui %sign3A_1053 : i1 to i32
    %sign3A_1055 = arith.constant 0 : i32
    %sign3A_1056 = arith.cmpi slt, %add3A_1049, %sign3A_1055 : i32
    %sign3A_1057 = arith.extui %sign3A_1056 : i1 to i32
    %sign3A_1058 = arith.subi %sign3A_1054, %sign3A_1057 : i32
    %sign3A_1059 = arith.constant 0 : i32
    %sign3A_1060 = arith.cmpi sgt, %jit3A_1050, %sign3A_1059 : i32
    %sign3A_1061 = arith.extui %sign3A_1060 : i1 to i32
    %sign3A_1062 = arith.constant 0 : i32
    %sign3A_1063 = arith.cmpi slt, %jit3A_1050, %sign3A_1062 : i32
    %sign3A_1064 = arith.extui %sign3A_1063 : i1 to i32
    %sign3A_1065 = arith.subi %sign3A_1061, %sign3A_1064 : i32
    %ne3A_1066 = arith.cmpi ne, %sign3A_1058, %sign3A_1065 : i32
    %rem3A_1067 = arith.remsi %add3A_1049, %jit3A_1050 : i32
    %ne3A_1068 = arith.constant 0 : i32
    %ne3A_1069 = arith.cmpi ne, %rem3A_1067, %ne3A_1068 : i32
    %and3A_1070 = arith.andi %ne3A_1066, %ne3A_1069 : i1
    %sub3A_1071 = arith.constant 1 : i32
    %sub3A_1072 = arith.subi %div3A_1051, %sub3A_1071 : i32
    %select_n3A_1073 = arith.select %and3A_1070, %sub3A_1072, %div3A_1051 : i32
    %jit3A_1074 = arith.constant 4 : i32
    %eq3A_1075 = arith.constant 0 : i32
    %eq3A_1076 = arith.cmpi eq, %jit3A_1074, %eq3A_1075 : i32
    %jit3A_1077 = arith.constant 1 : i32
    %select_n3A_1078 = arith.select %eq3A_1076, %jit3A_1077, %jit3A_1074 : i32
    %rem3A_1079 = arith.remsi %add3A_1049, %select_n3A_1078 : i32
    %ne3A_1080 = arith.constant 0 : i32
    %ne3A_1081 = arith.cmpi ne, %rem3A_1079, %ne3A_1080 : i32
    %lt3A_1082 = arith.constant 0 : i32
    %lt3A_1083 = arith.cmpi slt, %rem3A_1079, %lt3A_1082 : i32
    %lt3A_1084 = arith.constant 0 : i32
    %lt3A_1085 = arith.cmpi slt, %select_n3A_1078, %lt3A_1084 : i32
    %ne3A_1086 = arith.xori %lt3A_1083, %lt3A_1085 : i1
    %and3A_1087 = arith.andi %ne3A_1086, %ne3A_1081 : i1
    %add3A_1088 = arith.addi %rem3A_1079, %select_n3A_1078 : i32
    %select_n3A_1089 = arith.select %and3A_1087, %add3A_1088, %rem3A_1079 : i32
    %mul3A_1090 = arith.constant 1280 : i32
    %mul3A_1091 = arith.muli %select_n3A_1089, %mul3A_1090 : i32
    %multiple_of3A_1092 = tpu.assume_multiple %mul3A_1091, 128 : i32
    %mul3A_1093 = arith.constant 8 : i32
    %mul3A_1094 = arith.muli %select_n3A_1073, %mul3A_1093 : i32
    %dma_wait3A_1095 = tpu.memref_slice %arg5[%mul3A_1094] : memref<256xi32, #tpu.memory_space<vmem>> -> memref<8xi32, #tpu.memory_space<vmem>>
    %dma_wait3A_1096 = arith.constant 0 : i32
    %dma_wait3A_1097 = tpu.memref_slice %arg2[%dma_wait3A_1096, %multiple_of3A_1092] : memref<5000x5000xf32, #tpu.memory_space<hbm>> -> memref<5000x1280xf32, #tpu.memory_space<hbm>>
    tpu.wait_indirect_dma semaphore(%arg20 : memref<!tpu.dma_semaphore, #tpu.memory_space<semaphore_mem>>) src(%dma_wait3A_1097 : memref<5000x1280xf32, #tpu.memory_space<hbm>>) dst(%arg12 : memref<8x1280xf32, #tpu.memory_space<vmem>>)
    %add3A_1098 = arith.constant 128 : i32
    %add3A_1099 = arith.addi %mul3A_4, %add3A_1098 : i32
    %sub3A_1100 = arith.constant 8 : i32
    %sub3A_1101 = arith.subi %add3A_1099, %sub3A_1100 : i32
    %add3A_1102 = arith.constant 6 : i32
    %add3A_1103 = arith.addi %sub3A_1101, %add3A_1102 : i32
    %jit3A_1104 = arith.constant 4 : i32
    %div3A_1105 = arith.divsi %add3A_1103, %jit3A_1104 : i32
    %sign3A_1106 = arith.constant 0 : i32
    %sign3A_1107 = arith.cmpi sgt, %add3A_1103, %sign3A_1106 : i32
    %sign3A_1108 = arith.extui %sign3A_1107 : i1 to i32
    %sign3A_1109 = arith.constant 0 : i32
    %sign3A_1110 = arith.cmpi slt, %add3A_1103, %sign3A_1109 : i32
    %sign3A_1111 = arith.extui %sign3A_1110 : i1 to i32
    %sign3A_1112 = arith.subi %sign3A_1108, %sign3A_1111 : i32
    %sign3A_1113 = arith.constant 0 : i32
    %sign3A_1114 = arith.cmpi sgt, %jit3A_1104, %sign3A_1113 : i32
    %sign3A_1115 = arith.extui %sign3A_1114 : i1 to i32
    %sign3A_1116 = arith.constant 0 : i32
    %sign3A_1117 = arith.cmpi slt, %jit3A_1104, %sign3A_1116 : i32
    %sign3A_1118 = arith.extui %sign3A_1117 : i1 to i32
    %sign3A_1119 = arith.subi %sign3A_1115, %sign3A_1118 : i32
    %ne3A_1120 = arith.cmpi ne, %sign3A_1112, %sign3A_1119 : i32
    %rem3A_1121 = arith.remsi %add3A_1103, %jit3A_1104 : i32
    %ne3A_1122 = arith.constant 0 : i32
    %ne3A_1123 = arith.cmpi ne, %rem3A_1121, %ne3A_1122 : i32
    %and3A_1124 = arith.andi %ne3A_1120, %ne3A_1123 : i1
    %sub3A_1125 = arith.constant 1 : i32
    %sub3A_1126 = arith.subi %div3A_1105, %sub3A_1125 : i32
    %select_n3A_1127 = arith.select %and3A_1124, %sub3A_1126, %div3A_1105 : i32
    %jit3A_1128 = arith.constant 4 : i32
    %eq3A_1129 = arith.constant 0 : i32
    %eq3A_1130 = arith.cmpi eq, %jit3A_1128, %eq3A_1129 : i32
    %jit3A_1131 = arith.constant 1 : i32
    %select_n3A_1132 = arith.select %eq3A_1130, %jit3A_1131, %jit3A_1128 : i32
    %rem3A_1133 = arith.remsi %add3A_1103, %select_n3A_1132 : i32
    %ne3A_1134 = arith.constant 0 : i32
    %ne3A_1135 = arith.cmpi ne, %rem3A_1133, %ne3A_1134 : i32
    %lt3A_1136 = arith.constant 0 : i32
    %lt3A_1137 = arith.cmpi slt, %rem3A_1133, %lt3A_1136 : i32
    %lt3A_1138 = arith.constant 0 : i32
    %lt3A_1139 = arith.cmpi slt, %select_n3A_1132, %lt3A_1138 : i32
    %ne3A_1140 = arith.xori %lt3A_1137, %lt3A_1139 : i1
    %and3A_1141 = arith.andi %ne3A_1140, %ne3A_1135 : i1
    %add3A_1142 = arith.addi %rem3A_1133, %select_n3A_1132 : i32
    %select_n3A_1143 = arith.select %and3A_1141, %add3A_1142, %rem3A_1133 : i32
    %mul3A_1144 = arith.constant 1280 : i32
    %mul3A_1145 = arith.muli %select_n3A_1143, %mul3A_1144 : i32
    %multiple_of3A_1146 = tpu.assume_multiple %mul3A_1145, 128 : i32
    %mul3A_1147 = arith.constant 8 : i32
    %mul3A_1148 = arith.muli %select_n3A_1127, %mul3A_1147 : i32
    %add3A_1149 = arith.addi %mul3A_2, %mul3A_1148 : i32
    %dma_start3A_1150 = tpu.memref_slice %arg4[%add3A_1149, %multiple_of3A_1146] : memref<8192x5000xf32, #tpu.memory_space<hbm>> -> memref<8x1280xf32, #tpu.memory_space<hbm>>
    %dma_start3A_1151 = tpu.memref_slice %arg4[%add3A_1149, %multiple_of3A_1146] : memref<8192x5000xf32, #tpu.memory_space<hbm>> -> memref<8x1280xf32, #tpu.memory_space<hbm>>
    tpu.enqueue_dma source(%arg12 : memref<8x1280xf32, #tpu.memory_space<vmem>>) target(%dma_start3A_1151 : memref<8x1280xf32, #tpu.memory_space<hbm>>) target_semaphore(%arg28 : memref<!tpu.dma_semaphore, #tpu.memory_space<semaphore_mem>>)
    %add3A_1152 = arith.constant 128 : i32
    %add3A_1153 = arith.addi %mul3A_4, %add3A_1152 : i32
    %sub3A_1154 = arith.constant 8 : i32
    %sub3A_1155 = arith.subi %add3A_1153, %sub3A_1154 : i32
    %add3A_1156 = arith.constant 7 : i32
    %add3A_1157 = arith.addi %sub3A_1155, %add3A_1156 : i32
    %jit3A_1158 = arith.constant 4 : i32
    %div3A_1159 = arith.divsi %add3A_1157, %jit3A_1158 : i32
    %sign3A_1160 = arith.constant 0 : i32
    %sign3A_1161 = arith.cmpi sgt, %add3A_1157, %sign3A_1160 : i32
    %sign3A_1162 = arith.extui %sign3A_1161 : i1 to i32
    %sign3A_1163 = arith.constant 0 : i32
    %sign3A_1164 = arith.cmpi slt, %add3A_1157, %sign3A_1163 : i32
    %sign3A_1165 = arith.extui %sign3A_1164 : i1 to i32
    %sign3A_1166 = arith.subi %sign3A_1162, %sign3A_1165 : i32
    %sign3A_1167 = arith.constant 0 : i32
    %sign3A_1168 = arith.cmpi sgt, %jit3A_1158, %sign3A_1167 : i32
    %sign3A_1169 = arith.extui %sign3A_1168 : i1 to i32
    %sign3A_1170 = arith.constant 0 : i32
    %sign3A_1171 = arith.cmpi slt, %jit3A_1158, %sign3A_1170 : i32
    %sign3A_1172 = arith.extui %sign3A_1171 : i1 to i32
    %sign3A_1173 = arith.subi %sign3A_1169, %sign3A_1172 : i32
    %ne3A_1174 = arith.cmpi ne, %sign3A_1166, %sign3A_1173 : i32
    %rem3A_1175 = arith.remsi %add3A_1157, %jit3A_1158 : i32
    %ne3A_1176 = arith.constant 0 : i32
    %ne3A_1177 = arith.cmpi ne, %rem3A_1175, %ne3A_1176 : i32
    %and3A_1178 = arith.andi %ne3A_1174, %ne3A_1177 : i1
    %sub3A_1179 = arith.constant 1 : i32
    %sub3A_1180 = arith.subi %div3A_1159, %sub3A_1179 : i32
    %select_n3A_1181 = arith.select %and3A_1178, %sub3A_1180, %div3A_1159 : i32
    %jit3A_1182 = arith.constant 4 : i32
    %eq3A_1183 = arith.constant 0 : i32
    %eq3A_1184 = arith.cmpi eq, %jit3A_1182, %eq3A_1183 : i32
    %jit3A_1185 = arith.constant 1 : i32
    %select_n3A_1186 = arith.select %eq3A_1184, %jit3A_1185, %jit3A_1182 : i32
    %rem3A_1187 = arith.remsi %add3A_1157, %select_n3A_1186 : i32
    %ne3A_1188 = arith.constant 0 : i32
    %ne3A_1189 = arith.cmpi ne, %rem3A_1187, %ne3A_1188 : i32
    %lt3A_1190 = arith.constant 0 : i32
    %lt3A_1191 = arith.cmpi slt, %rem3A_1187, %lt3A_1190 : i32
    %lt3A_1192 = arith.constant 0 : i32
    %lt3A_1193 = arith.cmpi slt, %select_n3A_1186, %lt3A_1192 : i32
    %ne3A_1194 = arith.xori %lt3A_1191, %lt3A_1193 : i1
    %and3A_1195 = arith.andi %ne3A_1194, %ne3A_1189 : i1
    %add3A_1196 = arith.addi %rem3A_1187, %select_n3A_1186 : i32
    %select_n3A_1197 = arith.select %and3A_1195, %add3A_1196, %rem3A_1187 : i32
    %mul3A_1198 = arith.constant 1280 : i32
    %mul3A_1199 = arith.muli %select_n3A_1197, %mul3A_1198 : i32
    %multiple_of3A_1200 = tpu.assume_multiple %mul3A_1199, 128 : i32
    %mul3A_1201 = arith.constant 8 : i32
    %mul3A_1202 = arith.muli %select_n3A_1181, %mul3A_1201 : i32
    %dma_wait3A_1203 = tpu.memref_slice %arg5[%mul3A_1202] : memref<256xi32, #tpu.memory_space<vmem>> -> memref<8xi32, #tpu.memory_space<vmem>>
    %dma_wait3A_1204 = arith.constant 0 : i32
    %dma_wait3A_1205 = tpu.memref_slice %arg2[%dma_wait3A_1204, %multiple_of3A_1200] : memref<5000x5000xf32, #tpu.memory_space<hbm>> -> memref<5000x1280xf32, #tpu.memory_space<hbm>>
    tpu.wait_indirect_dma semaphore(%arg21 : memref<!tpu.dma_semaphore, #tpu.memory_space<semaphore_mem>>) src(%dma_wait3A_1205 : memref<5000x1280xf32, #tpu.memory_space<hbm>>) dst(%arg13 : memref<8x1280xf32, #tpu.memory_space<vmem>>)
    %add3A_1206 = arith.constant 128 : i32
    %add3A_1207 = arith.addi %mul3A_4, %add3A_1206 : i32
    %sub3A_1208 = arith.constant 8 : i32
    %sub3A_1209 = arith.subi %add3A_1207, %sub3A_1208 : i32
    %add3A_1210 = arith.constant 7 : i32
    %add3A_1211 = arith.addi %sub3A_1209, %add3A_1210 : i32
    %jit3A_1212 = arith.constant 4 : i32
    %div3A_1213 = arith.divsi %add3A_1211, %jit3A_1212 : i32
    %sign3A_1214 = arith.constant 0 : i32
    %sign3A_1215 = arith.cmpi sgt, %add3A_1211, %sign3A_1214 : i32
    %sign3A_1216 = arith.extui %sign3A_1215 : i1 to i32
    %sign3A_1217 = arith.constant 0 : i32
    %sign3A_1218 = arith.cmpi slt, %add3A_1211, %sign3A_1217 : i32
    %sign3A_1219 = arith.extui %sign3A_1218 : i1 to i32
    %sign3A_1220 = arith.subi %sign3A_1216, %sign3A_1219 : i32
    %sign3A_1221 = arith.constant 0 : i32
    %sign3A_1222 = arith.cmpi sgt, %jit3A_1212, %sign3A_1221 : i32
    %sign3A_1223 = arith.extui %sign3A_1222 : i1 to i32
    %sign3A_1224 = arith.constant 0 : i32
    %sign3A_1225 = arith.cmpi slt, %jit3A_1212, %sign3A_1224 : i32
    %sign3A_1226 = arith.extui %sign3A_1225 : i1 to i32
    %sign3A_1227 = arith.subi %sign3A_1223, %sign3A_1226 : i32
    %ne3A_1228 = arith.cmpi ne, %sign3A_1220, %sign3A_1227 : i32
    %rem3A_1229 = arith.remsi %add3A_1211, %jit3A_1212 : i32
    %ne3A_1230 = arith.constant 0 : i32
    %ne3A_1231 = arith.cmpi ne, %rem3A_1229, %ne3A_1230 : i32
    %and3A_1232 = arith.andi %ne3A_1228, %ne3A_1231 : i1
    %sub3A_1233 = arith.constant 1 : i32
    %sub3A_1234 = arith.subi %div3A_1213, %sub3A_1233 : i32
    %select_n3A_1235 = arith.select %and3A_1232, %sub3A_1234, %div3A_1213 : i32
    %jit3A_1236 = arith.constant 4 : i32
    %eq3A_1237 = arith.constant 0 : i32
    %eq3A_1238 = arith.cmpi eq, %jit3A_1236, %eq3A_1237 : i32
    %jit3A_1239 = arith.constant 1 : i32
    %select_n3A_1240 = arith.select %eq3A_1238, %jit3A_1239, %jit3A_1236 : i32
    %rem3A_1241 = arith.remsi %add3A_1211, %select_n3A_1240 : i32
    %ne3A_1242 = arith.constant 0 : i32
    %ne3A_1243 = arith.cmpi ne, %rem3A_1241, %ne3A_1242 : i32
    %lt3A_1244 = arith.constant 0 : i32
    %lt3A_1245 = arith.cmpi slt, %rem3A_1241, %lt3A_1244 : i32
    %lt3A_1246 = arith.constant 0 : i32
    %lt3A_1247 = arith.cmpi slt, %select_n3A_1240, %lt3A_1246 : i32
    %ne3A_1248 = arith.xori %lt3A_1245, %lt3A_1247 : i1
    %and3A_1249 = arith.andi %ne3A_1248, %ne3A_1243 : i1
    %add3A_1250 = arith.addi %rem3A_1241, %select_n3A_1240 : i32
    %select_n3A_1251 = arith.select %and3A_1249, %add3A_1250, %rem3A_1241 : i32
    %mul3A_1252 = arith.constant 1280 : i32
    %mul3A_1253 = arith.muli %select_n3A_1251, %mul3A_1252 : i32
    %multiple_of3A_1254 = tpu.assume_multiple %mul3A_1253, 128 : i32
    %mul3A_1255 = arith.constant 8 : i32
    %mul3A_1256 = arith.muli %select_n3A_1235, %mul3A_1255 : i32
    %add3A_1257 = arith.addi %mul3A_2, %mul3A_1256 : i32
    %dma_start3A_1258 = tpu.memref_slice %arg4[%add3A_1257, %multiple_of3A_1254] : memref<8192x5000xf32, #tpu.memory_space<hbm>> -> memref<8x1280xf32, #tpu.memory_space<hbm>>
    %dma_start3A_1259 = tpu.memref_slice %arg4[%add3A_1257, %multiple_of3A_1254] : memref<8192x5000xf32, #tpu.memory_space<hbm>> -> memref<8x1280xf32, #tpu.memory_space<hbm>>
    tpu.enqueue_dma source(%arg13 : memref<8x1280xf32, #tpu.memory_space<vmem>>) target(%dma_start3A_1259 : memref<8x1280xf32, #tpu.memory_space<hbm>>) target_semaphore(%arg29 : memref<!tpu.dma_semaphore, #tpu.memory_space<semaphore_mem>>)
    %add3A_1260 = arith.constant 128 : i32
    %add3A_1261 = arith.addi %mul3A_4, %add3A_1260 : i32
    %sub3A_1262 = arith.constant 8 : i32
    %sub3A_1263 = arith.subi %add3A_1261, %sub3A_1262 : i32
    %add3A_1264 = arith.constant 0 : i32
    %add3A_1265 = arith.addi %sub3A_1263, %add3A_1264 : i32
    %jit3A_1266 = arith.constant 4 : i32
    %div3A_1267 = arith.divsi %add3A_1265, %jit3A_1266 : i32
    %sign3A_1268 = arith.constant 0 : i32
    %sign3A_1269 = arith.cmpi sgt, %add3A_1265, %sign3A_1268 : i32
    %sign3A_1270 = arith.extui %sign3A_1269 : i1 to i32
    %sign3A_1271 = arith.constant 0 : i32
    %sign3A_1272 = arith.cmpi slt, %add3A_1265, %sign3A_1271 : i32
    %sign3A_1273 = arith.extui %sign3A_1272 : i1 to i32
    %sign3A_1274 = arith.subi %sign3A_1270, %sign3A_1273 : i32
    %sign3A_1275 = arith.constant 0 : i32
    %sign3A_1276 = arith.cmpi sgt, %jit3A_1266, %sign3A_1275 : i32
    %sign3A_1277 = arith.extui %sign3A_1276 : i1 to i32
    %sign3A_1278 = arith.constant 0 : i32
    %sign3A_1279 = arith.cmpi slt, %jit3A_1266, %sign3A_1278 : i32
    %sign3A_1280 = arith.extui %sign3A_1279 : i1 to i32
    %sign3A_1281 = arith.subi %sign3A_1277, %sign3A_1280 : i32
    %ne3A_1282 = arith.cmpi ne, %sign3A_1274, %sign3A_1281 : i32
    %rem3A_1283 = arith.remsi %add3A_1265, %jit3A_1266 : i32
    %ne3A_1284 = arith.constant 0 : i32
    %ne3A_1285 = arith.cmpi ne, %rem3A_1283, %ne3A_1284 : i32
    %and3A_1286 = arith.andi %ne3A_1282, %ne3A_1285 : i1
    %sub3A_1287 = arith.constant 1 : i32
    %sub3A_1288 = arith.subi %div3A_1267, %sub3A_1287 : i32
    %select_n3A_1289 = arith.select %and3A_1286, %sub3A_1288, %div3A_1267 : i32
    %jit3A_1290 = arith.constant 4 : i32
    %eq3A_1291 = arith.constant 0 : i32
    %eq3A_1292 = arith.cmpi eq, %jit3A_1290, %eq3A_1291 : i32
    %jit3A_1293 = arith.constant 1 : i32
    %select_n3A_1294 = arith.select %eq3A_1292, %jit3A_1293, %jit3A_1290 : i32
    %rem3A_1295 = arith.remsi %add3A_1265, %select_n3A_1294 : i32
    %ne3A_1296 = arith.constant 0 : i32
    %ne3A_1297 = arith.cmpi ne, %rem3A_1295, %ne3A_1296 : i32
    %lt3A_1298 = arith.constant 0 : i32
    %lt3A_1299 = arith.cmpi slt, %rem3A_1295, %lt3A_1298 : i32
    %lt3A_1300 = arith.constant 0 : i32
    %lt3A_1301 = arith.cmpi slt, %select_n3A_1294, %lt3A_1300 : i32
    %ne3A_1302 = arith.xori %lt3A_1299, %lt3A_1301 : i1
    %and3A_1303 = arith.andi %ne3A_1302, %ne3A_1297 : i1
    %add3A_1304 = arith.addi %rem3A_1295, %select_n3A_1294 : i32
    %select_n3A_1305 = arith.select %and3A_1303, %add3A_1304, %rem3A_1295 : i32
    %mul3A_1306 = arith.constant 1280 : i32
    %mul3A_1307 = arith.muli %select_n3A_1305, %mul3A_1306 : i32
    %multiple_of3A_1308 = tpu.assume_multiple %mul3A_1307, 128 : i32
    %mul3A_1309 = arith.constant 8 : i32
    %mul3A_1310 = arith.muli %select_n3A_1289, %mul3A_1309 : i32
    %add3A_1311 = arith.addi %mul3A_2, %mul3A_1310 : i32
    %dma_wait3A_1312 = tpu.memref_slice %arg4[%add3A_1311, %multiple_of3A_1308] : memref<8192x5000xf32, #tpu.memory_space<hbm>> -> memref<8x1280xf32, #tpu.memory_space<hbm>>
    %dma_wait3A_1313 = tpu.memref_slice %arg4[%add3A_1311, %multiple_of3A_1308] : memref<8192x5000xf32, #tpu.memory_space<hbm>> -> memref<8x1280xf32, #tpu.memory_space<hbm>>
    tpu.wait_dma2 semaphore(%arg22 : memref<!tpu.dma_semaphore, #tpu.memory_space<semaphore_mem>>) src(%arg6 : memref<8x1280xf32, #tpu.memory_space<vmem>>) dst(%dma_wait3A_1313 : memref<8x1280xf32, #tpu.memory_space<hbm>>)
    %add3A_1314 = arith.constant 128 : i32
    %add3A_1315 = arith.addi %mul3A_4, %add3A_1314 : i32
    %sub3A_1316 = arith.constant 8 : i32
    %sub3A_1317 = arith.subi %add3A_1315, %sub3A_1316 : i32
    %add3A_1318 = arith.constant 1 : i32
    %add3A_1319 = arith.addi %sub3A_1317, %add3A_1318 : i32
    %jit3A_1320 = arith.constant 4 : i32
    %div3A_1321 = arith.divsi %add3A_1319, %jit3A_1320 : i32
    %sign3A_1322 = arith.constant 0 : i32
    %sign3A_1323 = arith.cmpi sgt, %add3A_1319, %sign3A_1322 : i32
    %sign3A_1324 = arith.extui %sign3A_1323 : i1 to i32
    %sign3A_1325 = arith.constant 0 : i32
    %sign3A_1326 = arith.cmpi slt, %add3A_1319, %sign3A_1325 : i32
    %sign3A_1327 = arith.extui %sign3A_1326 : i1 to i32
    %sign3A_1328 = arith.subi %sign3A_1324, %sign3A_1327 : i32
    %sign3A_1329 = arith.constant 0 : i32
    %sign3A_1330 = arith.cmpi sgt, %jit3A_1320, %sign3A_1329 : i32
    %sign3A_1331 = arith.extui %sign3A_1330 : i1 to i32
    %sign3A_1332 = arith.constant 0 : i32
    %sign3A_1333 = arith.cmpi slt, %jit3A_1320, %sign3A_1332 : i32
    %sign3A_1334 = arith.extui %sign3A_1333 : i1 to i32
    %sign3A_1335 = arith.subi %sign3A_1331, %sign3A_1334 : i32
    %ne3A_1336 = arith.cmpi ne, %sign3A_1328, %sign3A_1335 : i32
    %rem3A_1337 = arith.remsi %add3A_1319, %jit3A_1320 : i32
    %ne3A_1338 = arith.constant 0 : i32
    %ne3A_1339 = arith.cmpi ne, %rem3A_1337, %ne3A_1338 : i32
    %and3A_1340 = arith.andi %ne3A_1336, %ne3A_1339 : i1
    %sub3A_1341 = arith.constant 1 : i32
    %sub3A_1342 = arith.subi %div3A_1321, %sub3A_1341 : i32
    %select_n3A_1343 = arith.select %and3A_1340, %sub3A_1342, %div3A_1321 : i32
    %jit3A_1344 = arith.constant 4 : i32
    %eq3A_1345 = arith.constant 0 : i32
    %eq3A_1346 = arith.cmpi eq, %jit3A_1344, %eq3A_1345 : i32
    %jit3A_1347 = arith.constant 1 : i32
    %select_n3A_1348 = arith.select %eq3A_1346, %jit3A_1347, %jit3A_1344 : i32
    %rem3A_1349 = arith.remsi %add3A_1319, %select_n3A_1348 : i32
    %ne3A_1350 = arith.constant 0 : i32
    %ne3A_1351 = arith.cmpi ne, %rem3A_1349, %ne3A_1350 : i32
    %lt3A_1352 = arith.constant 0 : i32
    %lt3A_1353 = arith.cmpi slt, %rem3A_1349, %lt3A_1352 : i32
    %lt3A_1354 = arith.constant 0 : i32
    %lt3A_1355 = arith.cmpi slt, %select_n3A_1348, %lt3A_1354 : i32
    %ne3A_1356 = arith.xori %lt3A_1353, %lt3A_1355 : i1
    %and3A_1357 = arith.andi %ne3A_1356, %ne3A_1351 : i1
    %add3A_1358 = arith.addi %rem3A_1349, %select_n3A_1348 : i32
    %select_n3A_1359 = arith.select %and3A_1357, %add3A_1358, %rem3A_1349 : i32
    %mul3A_1360 = arith.constant 1280 : i32
    %mul3A_1361 = arith.muli %select_n3A_1359, %mul3A_1360 : i32
    %multiple_of3A_1362 = tpu.assume_multiple %mul3A_1361, 128 : i32
    %mul3A_1363 = arith.constant 8 : i32
    %mul3A_1364 = arith.muli %select_n3A_1343, %mul3A_1363 : i32
    %add3A_1365 = arith.addi %mul3A_2, %mul3A_1364 : i32
    %dma_wait3A_1366 = tpu.memref_slice %arg4[%add3A_1365, %multiple_of3A_1362] : memref<8192x5000xf32, #tpu.memory_space<hbm>> -> memref<8x1280xf32, #tpu.memory_space<hbm>>
    %dma_wait3A_1367 = tpu.memref_slice %arg4[%add3A_1365, %multiple_of3A_1362] : memref<8192x5000xf32, #tpu.memory_space<hbm>> -> memref<8x1280xf32, #tpu.memory_space<hbm>>
    tpu.wait_dma2 semaphore(%arg23 : memref<!tpu.dma_semaphore, #tpu.memory_space<semaphore_mem>>) src(%arg7 : memref<8x1280xf32, #tpu.memory_space<vmem>>) dst(%dma_wait3A_1367 : memref<8x1280xf32, #tpu.memory_space<hbm>>)
    %add3A_1368 = arith.constant 128 : i32
    %add3A_1369 = arith.addi %mul3A_4, %add3A_1368 : i32
    %sub3A_1370 = arith.constant 8 : i32
    %sub3A_1371 = arith.subi %add3A_1369, %sub3A_1370 : i32
    %add3A_1372 = arith.constant 2 : i32
    %add3A_1373 = arith.addi %sub3A_1371, %add3A_1372 : i32
    %jit3A_1374 = arith.constant 4 : i32
    %div3A_1375 = arith.divsi %add3A_1373, %jit3A_1374 : i32
    %sign3A_1376 = arith.constant 0 : i32
    %sign3A_1377 = arith.cmpi sgt, %add3A_1373, %sign3A_1376 : i32
    %sign3A_1378 = arith.extui %sign3A_1377 : i1 to i32
    %sign3A_1379 = arith.constant 0 : i32
    %sign3A_1380 = arith.cmpi slt, %add3A_1373, %sign3A_1379 : i32
    %sign3A_1381 = arith.extui %sign3A_1380 : i1 to i32
    %sign3A_1382 = arith.subi %sign3A_1378, %sign3A_1381 : i32
    %sign3A_1383 = arith.constant 0 : i32
    %sign3A_1384 = arith.cmpi sgt, %jit3A_1374, %sign3A_1383 : i32
    %sign3A_1385 = arith.extui %sign3A_1384 : i1 to i32
    %sign3A_1386 = arith.constant 0 : i32
    %sign3A_1387 = arith.cmpi slt, %jit3A_1374, %sign3A_1386 : i32
    %sign3A_1388 = arith.extui %sign3A_1387 : i1 to i32
    %sign3A_1389 = arith.subi %sign3A_1385, %sign3A_1388 : i32
    %ne3A_1390 = arith.cmpi ne, %sign3A_1382, %sign3A_1389 : i32
    %rem3A_1391 = arith.remsi %add3A_1373, %jit3A_1374 : i32
    %ne3A_1392 = arith.constant 0 : i32
    %ne3A_1393 = arith.cmpi ne, %rem3A_1391, %ne3A_1392 : i32
    %and3A_1394 = arith.andi %ne3A_1390, %ne3A_1393 : i1
    %sub3A_1395 = arith.constant 1 : i32
    %sub3A_1396 = arith.subi %div3A_1375, %sub3A_1395 : i32
    %select_n3A_1397 = arith.select %and3A_1394, %sub3A_1396, %div3A_1375 : i32
    %jit3A_1398 = arith.constant 4 : i32
    %eq3A_1399 = arith.constant 0 : i32
    %eq3A_1400 = arith.cmpi eq, %jit3A_1398, %eq3A_1399 : i32
    %jit3A_1401 = arith.constant 1 : i32
    %select_n3A_1402 = arith.select %eq3A_1400, %jit3A_1401, %jit3A_1398 : i32
    %rem3A_1403 = arith.remsi %add3A_1373, %select_n3A_1402 : i32
    %ne3A_1404 = arith.constant 0 : i32
    %ne3A_1405 = arith.cmpi ne, %rem3A_1403, %ne3A_1404 : i32
    %lt3A_1406 = arith.constant 0 : i32
    %lt3A_1407 = arith.cmpi slt, %rem3A_1403, %lt3A_1406 : i32
    %lt3A_1408 = arith.constant 0 : i32
    %lt3A_1409 = arith.cmpi slt, %select_n3A_1402, %lt3A_1408 : i32
    %ne3A_1410 = arith.xori %lt3A_1407, %lt3A_1409 : i1
    %and3A_1411 = arith.andi %ne3A_1410, %ne3A_1405 : i1
    %add3A_1412 = arith.addi %rem3A_1403, %select_n3A_1402 : i32
    %select_n3A_1413 = arith.select %and3A_1411, %add3A_1412, %rem3A_1403 : i32
    %mul3A_1414 = arith.constant 1280 : i32
    %mul3A_1415 = arith.muli %select_n3A_1413, %mul3A_1414 : i32
    %multiple_of3A_1416 = tpu.assume_multiple %mul3A_1415, 128 : i32
    %mul3A_1417 = arith.constant 8 : i32
    %mul3A_1418 = arith.muli %select_n3A_1397, %mul3A_1417 : i32
    %add3A_1419 = arith.addi %mul3A_2, %mul3A_1418 : i32
    %dma_wait3A_1420 = tpu.memref_slice %arg4[%add3A_1419, %multiple_of3A_1416] : memref<8192x5000xf32, #tpu.memory_space<hbm>> -> memref<8x1280xf32, #tpu.memory_space<hbm>>
    %dma_wait3A_1421 = tpu.memref_slice %arg4[%add3A_1419, %multiple_of3A_1416] : memref<8192x5000xf32, #tpu.memory_space<hbm>> -> memref<8x1280xf32, #tpu.memory_space<hbm>>
    tpu.wait_dma2 semaphore(%arg24 : memref<!tpu.dma_semaphore, #tpu.memory_space<semaphore_mem>>) src(%arg8 : memref<8x1280xf32, #tpu.memory_space<vmem>>) dst(%dma_wait3A_1421 : memref<8x1280xf32, #tpu.memory_space<hbm>>)
    %add3A_1422 = arith.constant 128 : i32
    %add3A_1423 = arith.addi %mul3A_4, %add3A_1422 : i32
    %sub3A_1424 = arith.constant 8 : i32
    %sub3A_1425 = arith.subi %add3A_1423, %sub3A_1424 : i32
    %add3A_1426 = arith.constant 3 : i32
    %add3A_1427 = arith.addi %sub3A_1425, %add3A_1426 : i32
    %jit3A_1428 = arith.constant 4 : i32
    %div3A_1429 = arith.divsi %add3A_1427, %jit3A_1428 : i32
    %sign3A_1430 = arith.constant 0 : i32
    %sign3A_1431 = arith.cmpi sgt, %add3A_1427, %sign3A_1430 : i32
    %sign3A_1432 = arith.extui %sign3A_1431 : i1 to i32
    %sign3A_1433 = arith.constant 0 : i32
    %sign3A_1434 = arith.cmpi slt, %add3A_1427, %sign3A_1433 : i32
    %sign3A_1435 = arith.extui %sign3A_1434 : i1 to i32
    %sign3A_1436 = arith.subi %sign3A_1432, %sign3A_1435 : i32
    %sign3A_1437 = arith.constant 0 : i32
    %sign3A_1438 = arith.cmpi sgt, %jit3A_1428, %sign3A_1437 : i32
    %sign3A_1439 = arith.extui %sign3A_1438 : i1 to i32
    %sign3A_1440 = arith.constant 0 : i32
    %sign3A_1441 = arith.cmpi slt, %jit3A_1428, %sign3A_1440 : i32
    %sign3A_1442 = arith.extui %sign3A_1441 : i1 to i32
    %sign3A_1443 = arith.subi %sign3A_1439, %sign3A_1442 : i32
    %ne3A_1444 = arith.cmpi ne, %sign3A_1436, %sign3A_1443 : i32
    %rem3A_1445 = arith.remsi %add3A_1427, %jit3A_1428 : i32
    %ne3A_1446 = arith.constant 0 : i32
    %ne3A_1447 = arith.cmpi ne, %rem3A_1445, %ne3A_1446 : i32
    %and3A_1448 = arith.andi %ne3A_1444, %ne3A_1447 : i1
    %sub3A_1449 = arith.constant 1 : i32
    %sub3A_1450 = arith.subi %div3A_1429, %sub3A_1449 : i32
    %select_n3A_1451 = arith.select %and3A_1448, %sub3A_1450, %div3A_1429 : i32
    %jit3A_1452 = arith.constant 4 : i32
    %eq3A_1453 = arith.constant 0 : i32
    %eq3A_1454 = arith.cmpi eq, %jit3A_1452, %eq3A_1453 : i32
    %jit3A_1455 = arith.constant 1 : i32
    %select_n3A_1456 = arith.select %eq3A_1454, %jit3A_1455, %jit3A_1452 : i32
    %rem3A_1457 = arith.remsi %add3A_1427, %select_n3A_1456 : i32
    %ne3A_1458 = arith.constant 0 : i32
    %ne3A_1459 = arith.cmpi ne, %rem3A_1457, %ne3A_1458 : i32
    %lt3A_1460 = arith.constant 0 : i32
    %lt3A_1461 = arith.cmpi slt, %rem3A_1457, %lt3A_1460 : i32
    %lt3A_1462 = arith.constant 0 : i32
    %lt3A_1463 = arith.cmpi slt, %select_n3A_1456, %lt3A_1462 : i32
    %ne3A_1464 = arith.xori %lt3A_1461, %lt3A_1463 : i1
    %and3A_1465 = arith.andi %ne3A_1464, %ne3A_1459 : i1
    %add3A_1466 = arith.addi %rem3A_1457, %select_n3A_1456 : i32
    %select_n3A_1467 = arith.select %and3A_1465, %add3A_1466, %rem3A_1457 : i32
    %mul3A_1468 = arith.constant 1280 : i32
    %mul3A_1469 = arith.muli %select_n3A_1467, %mul3A_1468 : i32
    %multiple_of3A_1470 = tpu.assume_multiple %mul3A_1469, 128 : i32
    %mul3A_1471 = arith.constant 8 : i32
    %mul3A_1472 = arith.muli %select_n3A_1451, %mul3A_1471 : i32
    %add3A_1473 = arith.addi %mul3A_2, %mul3A_1472 : i32
    %dma_wait3A_1474 = tpu.memref_slice %arg4[%add3A_1473, %multiple_of3A_1470] : memref<8192x5000xf32, #tpu.memory_space<hbm>> -> memref<8x1280xf32, #tpu.memory_space<hbm>>
    %dma_wait3A_1475 = tpu.memref_slice %arg4[%add3A_1473, %multiple_of3A_1470] : memref<8192x5000xf32, #tpu.memory_space<hbm>> -> memref<8x1280xf32, #tpu.memory_space<hbm>>
    tpu.wait_dma2 semaphore(%arg25 : memref<!tpu.dma_semaphore, #tpu.memory_space<semaphore_mem>>) src(%arg9 : memref<8x1280xf32, #tpu.memory_space<vmem>>) dst(%dma_wait3A_1475 : memref<8x1280xf32, #tpu.memory_space<hbm>>)
    %add3A_1476 = arith.constant 128 : i32
    %add3A_1477 = arith.addi %mul3A_4, %add3A_1476 : i32
    %sub3A_1478 = arith.constant 8 : i32
    %sub3A_1479 = arith.subi %add3A_1477, %sub3A_1478 : i32
    %add3A_1480 = arith.constant 4 : i32
    %add3A_1481 = arith.addi %sub3A_1479, %add3A_1480 : i32
    %jit3A_1482 = arith.constant 4 : i32
    %div3A_1483 = arith.divsi %add3A_1481, %jit3A_1482 : i32
    %sign3A_1484 = arith.constant 0 : i32
    %sign3A_1485 = arith.cmpi sgt, %add3A_1481, %sign3A_1484 : i32
    %sign3A_1486 = arith.extui %sign3A_1485 : i1 to i32
    %sign3A_1487 = arith.constant 0 : i32
    %sign3A_1488 = arith.cmpi slt, %add3A_1481, %sign3A_1487 : i32
    %sign3A_1489 = arith.extui %sign3A_1488 : i1 to i32
    %sign3A_1490 = arith.subi %sign3A_1486, %sign3A_1489 : i32
    %sign3A_1491 = arith.constant 0 : i32
    %sign3A_1492 = arith.cmpi sgt, %jit3A_1482, %sign3A_1491 : i32
    %sign3A_1493 = arith.extui %sign3A_1492 : i1 to i32
    %sign3A_1494 = arith.constant 0 : i32
    %sign3A_1495 = arith.cmpi slt, %jit3A_1482, %sign3A_1494 : i32
    %sign3A_1496 = arith.extui %sign3A_1495 : i1 to i32
    %sign3A_1497 = arith.subi %sign3A_1493, %sign3A_1496 : i32
    %ne3A_1498 = arith.cmpi ne, %sign3A_1490, %sign3A_1497 : i32
    %rem3A_1499 = arith.remsi %add3A_1481, %jit3A_1482 : i32
    %ne3A_1500 = arith.constant 0 : i32
    %ne3A_1501 = arith.cmpi ne, %rem3A_1499, %ne3A_1500 : i32
    %and3A_1502 = arith.andi %ne3A_1498, %ne3A_1501 : i1
    %sub3A_1503 = arith.constant 1 : i32
    %sub3A_1504 = arith.subi %div3A_1483, %sub3A_1503 : i32
    %select_n3A_1505 = arith.select %and3A_1502, %sub3A_1504, %div3A_1483 : i32
    %jit3A_1506 = arith.constant 4 : i32
    %eq3A_1507 = arith.constant 0 : i32
    %eq3A_1508 = arith.cmpi eq, %jit3A_1506, %eq3A_1507 : i32
    %jit3A_1509 = arith.constant 1 : i32
    %select_n3A_1510 = arith.select %eq3A_1508, %jit3A_1509, %jit3A_1506 : i32
    %rem3A_1511 = arith.remsi %add3A_1481, %select_n3A_1510 : i32
    %ne3A_1512 = arith.constant 0 : i32
    %ne3A_1513 = arith.cmpi ne, %rem3A_1511, %ne3A_1512 : i32
    %lt3A_1514 = arith.constant 0 : i32
    %lt3A_1515 = arith.cmpi slt, %rem3A_1511, %lt3A_1514 : i32
    %lt3A_1516 = arith.constant 0 : i32
    %lt3A_1517 = arith.cmpi slt, %select_n3A_1510, %lt3A_1516 : i32
    %ne3A_1518 = arith.xori %lt3A_1515, %lt3A_1517 : i1
    %and3A_1519 = arith.andi %ne3A_1518, %ne3A_1513 : i1
    %add3A_1520 = arith.addi %rem3A_1511, %select_n3A_1510 : i32
    %select_n3A_1521 = arith.select %and3A_1519, %add3A_1520, %rem3A_1511 : i32
    %mul3A_1522 = arith.constant 1280 : i32
    %mul3A_1523 = arith.muli %select_n3A_1521, %mul3A_1522 : i32
    %multiple_of3A_1524 = tpu.assume_multiple %mul3A_1523, 128 : i32
    %mul3A_1525 = arith.constant 8 : i32
    %mul3A_1526 = arith.muli %select_n3A_1505, %mul3A_1525 : i32
    %add3A_1527 = arith.addi %mul3A_2, %mul3A_1526 : i32
    %dma_wait3A_1528 = tpu.memref_slice %arg4[%add3A_1527, %multiple_of3A_1524] : memref<8192x5000xf32, #tpu.memory_space<hbm>> -> memref<8x1280xf32, #tpu.memory_space<hbm>>
    %dma_wait3A_1529 = tpu.memref_slice %arg4[%add3A_1527, %multiple_of3A_1524] : memref<8192x5000xf32, #tpu.memory_space<hbm>> -> memref<8x1280xf32, #tpu.memory_space<hbm>>
    tpu.wait_dma2 semaphore(%arg26 : memref<!tpu.dma_semaphore, #tpu.memory_space<semaphore_mem>>) src(%arg10 : memref<8x1280xf32, #tpu.memory_space<vmem>>) dst(%dma_wait3A_1529 : memref<8x1280xf32, #tpu.memory_space<hbm>>)
    %add3A_1530 = arith.constant 128 : i32
    %add3A_1531 = arith.addi %mul3A_4, %add3A_1530 : i32
    %sub3A_1532 = arith.constant 8 : i32
    %sub3A_1533 = arith.subi %add3A_1531, %sub3A_1532 : i32
    %add3A_1534 = arith.constant 5 : i32
    %add3A_1535 = arith.addi %sub3A_1533, %add3A_1534 : i32
    %jit3A_1536 = arith.constant 4 : i32
    %div3A_1537 = arith.divsi %add3A_1535, %jit3A_1536 : i32
    %sign3A_1538 = arith.constant 0 : i32
    %sign3A_1539 = arith.cmpi sgt, %add3A_1535, %sign3A_1538 : i32
    %sign3A_1540 = arith.extui %sign3A_1539 : i1 to i32
    %sign3A_1541 = arith.constant 0 : i32
    %sign3A_1542 = arith.cmpi slt, %add3A_1535, %sign3A_1541 : i32
    %sign3A_1543 = arith.extui %sign3A_1542 : i1 to i32
    %sign3A_1544 = arith.subi %sign3A_1540, %sign3A_1543 : i32
    %sign3A_1545 = arith.constant 0 : i32
    %sign3A_1546 = arith.cmpi sgt, %jit3A_1536, %sign3A_1545 : i32
    %sign3A_1547 = arith.extui %sign3A_1546 : i1 to i32
    %sign3A_1548 = arith.constant 0 : i32
    %sign3A_1549 = arith.cmpi slt, %jit3A_1536, %sign3A_1548 : i32
    %sign3A_1550 = arith.extui %sign3A_1549 : i1 to i32
    %sign3A_1551 = arith.subi %sign3A_1547, %sign3A_1550 : i32
    %ne3A_1552 = arith.cmpi ne, %sign3A_1544, %sign3A_1551 : i32
    %rem3A_1553 = arith.remsi %add3A_1535, %jit3A_1536 : i32
    %ne3A_1554 = arith.constant 0 : i32
    %ne3A_1555 = arith.cmpi ne, %rem3A_1553, %ne3A_1554 : i32
    %and3A_1556 = arith.andi %ne3A_1552, %ne3A_1555 : i1
    %sub3A_1557 = arith.constant 1 : i32
    %sub3A_1558 = arith.subi %div3A_1537, %sub3A_1557 : i32
    %select_n3A_1559 = arith.select %and3A_1556, %sub3A_1558, %div3A_1537 : i32
    %jit3A_1560 = arith.constant 4 : i32
    %eq3A_1561 = arith.constant 0 : i32
    %eq3A_1562 = arith.cmpi eq, %jit3A_1560, %eq3A_1561 : i32
    %jit3A_1563 = arith.constant 1 : i32
    %select_n3A_1564 = arith.select %eq3A_1562, %jit3A_1563, %jit3A_1560 : i32
    %rem3A_1565 = arith.remsi %add3A_1535, %select_n3A_1564 : i32
    %ne3A_1566 = arith.constant 0 : i32
    %ne3A_1567 = arith.cmpi ne, %rem3A_1565, %ne3A_1566 : i32
    %lt3A_1568 = arith.constant 0 : i32
    %lt3A_1569 = arith.cmpi slt, %rem3A_1565, %lt3A_1568 : i32
    %lt3A_1570 = arith.constant 0 : i32
    %lt3A_1571 = arith.cmpi slt, %select_n3A_1564, %lt3A_1570 : i32
    %ne3A_1572 = arith.xori %lt3A_1569, %lt3A_1571 : i1
    %and3A_1573 = arith.andi %ne3A_1572, %ne3A_1567 : i1
    %add3A_1574 = arith.addi %rem3A_1565, %select_n3A_1564 : i32
    %select_n3A_1575 = arith.select %and3A_1573, %add3A_1574, %rem3A_1565 : i32
    %mul3A_1576 = arith.constant 1280 : i32
    %mul3A_1577 = arith.muli %select_n3A_1575, %mul3A_1576 : i32
    %multiple_of3A_1578 = tpu.assume_multiple %mul3A_1577, 128 : i32
    %mul3A_1579 = arith.constant 8 : i32
    %mul3A_1580 = arith.muli %select_n3A_1559, %mul3A_1579 : i32
    %add3A_1581 = arith.addi %mul3A_2, %mul3A_1580 : i32
    %dma_wait3A_1582 = tpu.memref_slice %arg4[%add3A_1581, %multiple_of3A_1578] : memref<8192x5000xf32, #tpu.memory_space<hbm>> -> memref<8x1280xf32, #tpu.memory_space<hbm>>
    %dma_wait3A_1583 = tpu.memref_slice %arg4[%add3A_1581, %multiple_of3A_1578] : memref<8192x5000xf32, #tpu.memory_space<hbm>> -> memref<8x1280xf32, #tpu.memory_space<hbm>>
    tpu.wait_dma2 semaphore(%arg27 : memref<!tpu.dma_semaphore, #tpu.memory_space<semaphore_mem>>) src(%arg11 : memref<8x1280xf32, #tpu.memory_space<vmem>>) dst(%dma_wait3A_1583 : memref<8x1280xf32, #tpu.memory_space<hbm>>)
    %add3A_1584 = arith.constant 128 : i32
    %add3A_1585 = arith.addi %mul3A_4, %add3A_1584 : i32
    %sub3A_1586 = arith.constant 8 : i32
    %sub3A_1587 = arith.subi %add3A_1585, %sub3A_1586 : i32
    %add3A_1588 = arith.constant 6 : i32
    %add3A_1589 = arith.addi %sub3A_1587, %add3A_1588 : i32
    %jit3A_1590 = arith.constant 4 : i32
    %div3A_1591 = arith.divsi %add3A_1589, %jit3A_1590 : i32
    %sign3A_1592 = arith.constant 0 : i32
    %sign3A_1593 = arith.cmpi sgt, %add3A_1589, %sign3A_1592 : i32
    %sign3A_1594 = arith.extui %sign3A_1593 : i1 to i32
    %sign3A_1595 = arith.constant 0 : i32
    %sign3A_1596 = arith.cmpi slt, %add3A_1589, %sign3A_1595 : i32
    %sign3A_1597 = arith.extui %sign3A_1596 : i1 to i32
    %sign3A_1598 = arith.subi %sign3A_1594, %sign3A_1597 : i32
    %sign3A_1599 = arith.constant 0 : i32
    %sign3A_1600 = arith.cmpi sgt, %jit3A_1590, %sign3A_1599 : i32
    %sign3A_1601 = arith.extui %sign3A_1600 : i1 to i32
    %sign3A_1602 = arith.constant 0 : i32
    %sign3A_1603 = arith.cmpi slt, %jit3A_1590, %sign3A_1602 : i32
    %sign3A_1604 = arith.extui %sign3A_1603 : i1 to i32
    %sign3A_1605 = arith.subi %sign3A_1601, %sign3A_1604 : i32
    %ne3A_1606 = arith.cmpi ne, %sign3A_1598, %sign3A_1605 : i32
    %rem3A_1607 = arith.remsi %add3A_1589, %jit3A_1590 : i32
    %ne3A_1608 = arith.constant 0 : i32
    %ne3A_1609 = arith.cmpi ne, %rem3A_1607, %ne3A_1608 : i32
    %and3A_1610 = arith.andi %ne3A_1606, %ne3A_1609 : i1
    %sub3A_1611 = arith.constant 1 : i32
    %sub3A_1612 = arith.subi %div3A_1591, %sub3A_1611 : i32
    %select_n3A_1613 = arith.select %and3A_1610, %sub3A_1612, %div3A_1591 : i32
    %jit3A_1614 = arith.constant 4 : i32
    %eq3A_1615 = arith.constant 0 : i32
    %eq3A_1616 = arith.cmpi eq, %jit3A_1614, %eq3A_1615 : i32
    %jit3A_1617 = arith.constant 1 : i32
    %select_n3A_1618 = arith.select %eq3A_1616, %jit3A_1617, %jit3A_1614 : i32
    %rem3A_1619 = arith.remsi %add3A_1589, %select_n3A_1618 : i32
    %ne3A_1620 = arith.constant 0 : i32
    %ne3A_1621 = arith.cmpi ne, %rem3A_1619, %ne3A_1620 : i32
    %lt3A_1622 = arith.constant 0 : i32
    %lt3A_1623 = arith.cmpi slt, %rem3A_1619, %lt3A_1622 : i32
    %lt3A_1624 = arith.constant 0 : i32
    %lt3A_1625 = arith.cmpi slt, %select_n3A_1618, %lt3A_1624 : i32
    %ne3A_1626 = arith.xori %lt3A_1623, %lt3A_1625 : i1
    %and3A_1627 = arith.andi %ne3A_1626, %ne3A_1621 : i1
    %add3A_1628 = arith.addi %rem3A_1619, %select_n3A_1618 : i32
    %select_n3A_1629 = arith.select %and3A_1627, %add3A_1628, %rem3A_1619 : i32
    %mul3A_1630 = arith.constant 1280 : i32
    %mul3A_1631 = arith.muli %select_n3A_1629, %mul3A_1630 : i32
    %multiple_of3A_1632 = tpu.assume_multiple %mul3A_1631, 128 : i32
    %mul3A_1633 = arith.constant 8 : i32
    %mul3A_1634 = arith.muli %select_n3A_1613, %mul3A_1633 : i32
    %add3A_1635 = arith.addi %mul3A_2, %mul3A_1634 : i32
    %dma_wait3A_1636 = tpu.memref_slice %arg4[%add3A_1635, %multiple_of3A_1632] : memref<8192x5000xf32, #tpu.memory_space<hbm>> -> memref<8x1280xf32, #tpu.memory_space<hbm>>
    %dma_wait3A_1637 = tpu.memref_slice %arg4[%add3A_1635, %multiple_of3A_1632] : memref<8192x5000xf32, #tpu.memory_space<hbm>> -> memref<8x1280xf32, #tpu.memory_space<hbm>>
    tpu.wait_dma2 semaphore(%arg28 : memref<!tpu.dma_semaphore, #tpu.memory_space<semaphore_mem>>) src(%arg12 : memref<8x1280xf32, #tpu.memory_space<vmem>>) dst(%dma_wait3A_1637 : memref<8x1280xf32, #tpu.memory_space<hbm>>)
    %add3A_1638 = arith.constant 128 : i32
    %add3A_1639 = arith.addi %mul3A_4, %add3A_1638 : i32
    %sub3A_1640 = arith.constant 8 : i32
    %sub3A_1641 = arith.subi %add3A_1639, %sub3A_1640 : i32
    %add3A_1642 = arith.constant 7 : i32
    %add3A_1643 = arith.addi %sub3A_1641, %add3A_1642 : i32
    %jit3A_1644 = arith.constant 4 : i32
    %div3A_1645 = arith.divsi %add3A_1643, %jit3A_1644 : i32
    %sign3A_1646 = arith.constant 0 : i32
    %sign3A_1647 = arith.cmpi sgt, %add3A_1643, %sign3A_1646 : i32
    %sign3A_1648 = arith.extui %sign3A_1647 : i1 to i32
    %sign3A_1649 = arith.constant 0 : i32
    %sign3A_1650 = arith.cmpi slt, %add3A_1643, %sign3A_1649 : i32
    %sign3A_1651 = arith.extui %sign3A_1650 : i1 to i32
    %sign3A_1652 = arith.subi %sign3A_1648, %sign3A_1651 : i32
    %sign3A_1653 = arith.constant 0 : i32
    %sign3A_1654 = arith.cmpi sgt, %jit3A_1644, %sign3A_1653 : i32
    %sign3A_1655 = arith.extui %sign3A_1654 : i1 to i32
    %sign3A_1656 = arith.constant 0 : i32
    %sign3A_1657 = arith.cmpi slt, %jit3A_1644, %sign3A_1656 : i32
    %sign3A_1658 = arith.extui %sign3A_1657 : i1 to i32
    %sign3A_1659 = arith.subi %sign3A_1655, %sign3A_1658 : i32
    %ne3A_1660 = arith.cmpi ne, %sign3A_1652, %sign3A_1659 : i32
    %rem3A_1661 = arith.remsi %add3A_1643, %jit3A_1644 : i32
    %ne3A_1662 = arith.constant 0 : i32
    %ne3A_1663 = arith.cmpi ne, %rem3A_1661, %ne3A_1662 : i32
    %and3A_1664 = arith.andi %ne3A_1660, %ne3A_1663 : i1
    %sub3A_1665 = arith.constant 1 : i32
    %sub3A_1666 = arith.subi %div3A_1645, %sub3A_1665 : i32
    %select_n3A_1667 = arith.select %and3A_1664, %sub3A_1666, %div3A_1645 : i32
    %jit3A_1668 = arith.constant 4 : i32
    %eq3A_1669 = arith.constant 0 : i32
    %eq3A_1670 = arith.cmpi eq, %jit3A_1668, %eq3A_1669 : i32
    %jit3A_1671 = arith.constant 1 : i32
    %select_n3A_1672 = arith.select %eq3A_1670, %jit3A_1671, %jit3A_1668 : i32
    %rem3A_1673 = arith.remsi %add3A_1643, %select_n3A_1672 : i32
    %ne3A_1674 = arith.constant 0 : i32
    %ne3A_1675 = arith.cmpi ne, %rem3A_1673, %ne3A_1674 : i32
    %lt3A_1676 = arith.constant 0 : i32
    %lt3A_1677 = arith.cmpi slt, %rem3A_1673, %lt3A_1676 : i32
    %lt3A_1678 = arith.constant 0 : i32
    %lt3A_1679 = arith.cmpi slt, %select_n3A_1672, %lt3A_1678 : i32
    %ne3A_1680 = arith.xori %lt3A_1677, %lt3A_1679 : i1
    %and3A_1681 = arith.andi %ne3A_1680, %ne3A_1675 : i1
    %add3A_1682 = arith.addi %rem3A_1673, %select_n3A_1672 : i32
    %select_n3A_1683 = arith.select %and3A_1681, %add3A_1682, %rem3A_1673 : i32
    %mul3A_1684 = arith.constant 1280 : i32
    %mul3A_1685 = arith.muli %select_n3A_1683, %mul3A_1684 : i32
    %multiple_of3A_1686 = tpu.assume_multiple %mul3A_1685, 128 : i32
    %mul3A_1687 = arith.constant 8 : i32
    %mul3A_1688 = arith.muli %select_n3A_1667, %mul3A_1687 : i32
    %add3A_1689 = arith.addi %mul3A_2, %mul3A_1688 : i32
    %dma_wait3A_1690 = tpu.memref_slice %arg4[%add3A_1689, %multiple_of3A_1686] : memref<8192x5000xf32, #tpu.memory_space<hbm>> -> memref<8x1280xf32, #tpu.memory_space<hbm>>
    %dma_wait3A_1691 = tpu.memref_slice %arg4[%add3A_1689, %multiple_of3A_1686] : memref<8192x5000xf32, #tpu.memory_space<hbm>> -> memref<8x1280xf32, #tpu.memory_space<hbm>>
    tpu.wait_dma2 semaphore(%arg29 : memref<!tpu.dma_semaphore, #tpu.memory_space<semaphore_mem>>) src(%arg13 : memref<8x1280xf32, #tpu.memory_space<vmem>>) dst(%dma_wait3A_1691 : memref<8x1280xf32, #tpu.memory_space<hbm>>)
    return
  }
}

</mosaic_0001>

<sc_bundles>
// kernel: kernel.3.cloned.1.call-start
scs
__scs_entry_jumppad:
0x0: {  	(pc) =	sbr.rel $0x88, $3  }
0x1: {  	(tag) =	ssettag $0x0;
	lr =	simm.s32 $0x1  }
0x2: {  	[smem:$0x3F9F] =	sst lr;
	_ =	strace $0xD0000000  }
0x3: {  	_ = 	snop  }
0x4: {  	_ = 	snop  }
0x5: {  	_ = 	snop  }
0x6: {  	_ = 	snop  }
0x7: {  	_ = 	snop  }
__scs_overlays_trampoline_lowered:
0x8: {  	[smem:$0x3FAE] =	sst s0  }
0x9: {  	[smem:$0x3FAF] =	sst s1  }
0xa: {  	[smem:$0x3FB0] =	sst s2  }
0xb: {  	[smem:$0x3FB1] =	sst s3  }
0xc: {  	[smem:$0x3FB2] =	sst s4  }
0xd: {  	[smem:$0x3FB3] =	sst s5  }
0xe: {  	[smem:$0x3FB4] =	sst s6  }
0xf: {  	[smem:$0x3FB5] =	sst s7  }
0x10: {  	[smem:$0x3FB6] =	sst s8  }
0x11: {  	[smem:$0x3FB7] =	sst s9;
	s0 =	simm.s32 @!p0 $0x0  }
0x12: {  	s1 =	sld [smem:$0x3F9D];
	s0 =	simm.s32 @p0 $0x1  }
0x13: {  	[smem:$0x3FB8] =	sst s0;
	s0 =	simm.s32 @!p1 $0x0  }
0x14: {  	s2 =	sld [smem:$0x3F9C];
	s0 =	simm.s32 @p1 $0x1  }
0x15: {  	[smem:$0x3FB9] =	sst s0;
	s0 =	simm.s32 @!p2 $0x0  }
0x16: {  	s3 =	sld [smem:$0x3FDB];
	s0 =	simm.s32 @p2 $0x1  }
0x17: {  	s4 =	simm.s32 $0x1BF5;
	[smem:$0x3FBB] =	sst s0  }
0x18: {  	s0 =	sld [smem:$0x3F9E];
	_ =	swait.ge [sflag:s4], $0x0  }
0x19: {  	s7 =	sld [smem:$0x3F9F]  }
0x1a: {  	s8 =	sadd.s32 $0xFFFFE003, lr  }
0x1b: {  	s9 =	sadd.s32 $0xFFFFFEF7, lr;
	s5 =	simm.s32 $0xFFFFFFFF;
	p2 =	slt.u32 s8, $0xFFFFF086  }
0x1c: {  	p1 =	slt.u32 s9, $0xF7A;
	s5 =	simm.s32 @!p2 $0x0  }
0x1d: {  	s5 =	simm.s32 @p1 $0x1;
	p0 =	seq.s32 s7, s2  }
0x1e: {  	s7 =	smul.u32 @!p0 $0xF7A, s2;
	p2 =	seq.s32 @!p0 s5, $0x0  }
0x1f: {  	s9 =	smul.u32 $0xF7A, s1;
	s8 =	simm.s32 @!p0 $0x1BF5;
	p2 =	por !p2, p0  }
0x20: {  	[sflag:s8] =	ssyncset.s32 @!p0 $0xFFFFF086;
	s6 =	sadd.s32 @!p0 s3, s7;
	s7 =	simm.s32 @!p0 $0x108  }
0x21: {  	s3 =	sadd.s32 s3, s9;
	s6 =	sadd.s32 @!p0 $0x88, s6;
	s7 =	simm.s32 @p2 $0x1082  }
0x22: {  	[simem:s7], [sflag:s8] =	dma.local @!p0 [hbm:s6], $0xF7A  }
0x23: {  	s9 =	sor.u32 $0xD0000000, s2;
	s6 =	simm.s32 $0x108;
	_ =	swait.ge @!p0 [sflag:s8], $0x0  }
0x24: {  	s3 =	sadd.s32 $0x88, s3;
	s6 =	simm.s32 @!p1 $0x1082;
	[sflag:s4] =	ssyncset.s32 $0xFFFFF086  }
0x25: {  	[simem:s6], [sflag:s4] =	dma.local [hbm:s3], $0xF7A  }
0x26: {  	[smem:$0x3F9F] =	sst s1;
	(tag) =	ssettag s2;
	_ =	strace s9  }
0x27: {  	s1 =	sld [smem:$0x3FAF]  }
0x28: {  	s2 =	sld [smem:$0x3FB0]  }
0x29: {  	s4 =	sld [smem:$0x3FB2]  }
0x2a: {  	p0 =	seq.s32 s5, $0x0;
	s5 =	sld [smem:$0x3FB3]  }
0x2b: {  	s6 =	sld [smem:$0x3FB4]  }
0x2c: {  	s7 =	sld [smem:$0x3FB5]  }
0x2d: {  	s3 =	simm.s32 $0x108;
	s8 =	sld [smem:$0x3FB6]  }
0x2e: {  	s3 =	simm.s32 @!p0 $0x1082;
	s9 =	sld [smem:$0x3FB7]  }
0x2f: {  	lr =	sadd.s32 s0, s3;
	s0 =	sld [smem:$0x3FAE]  }
0x30: {  	s3 =	sld [smem:$0x3FB1]  }
0x31: {  	[smem:$0x3FBA] =	sst s10  }
0x32: {  	s10 =	sld [smem:$0x3FB8];
	_ =	sdelay $0x3  }
0x33: {  	p0 =	seq.s32 s10, $0x1;
	s10 =	sld [smem:$0x3FBA];
	_ =	sdelay $0x3  }
0x34: {  	[smem:$0x3FBA] =	sst s10  }
0x35: {  	s10 =	sld [smem:$0x3FB9];
	_ =	sdelay $0x3  }
0x36: {  	p1 =	seq.s32 s10, $0x1;
	s10 =	sld [smem:$0x3FBA];
	_ =	sdelay $0x3  }
0x37: {  	[smem:$0x3FBA] =	sst s10  }
0x38: {  	s10 =	sld [smem:$0x3FBB]  }
0x39: {  	_ = 	snop;
	(pc) =	sbr.ind lr, $3  }
0x3a: {  	_ = 	snop  }
0x3b: {  	_ = 	snop  }
0x3c: {  	p2 =	seq.s32 s10, $0x1;
	s10 =	sld [smem:$0x3FBA]  }
0x3d: {  	_ =	shalt  }
0x3e: {  	_ =	shalt  }
0x3f: {  	_ =	shalt  }
0x40: {  	_ =	shalt  }
0x41: {  	_ =	shalt  }
0x42: {  	_ =	shalt  }
0x43: {  	_ =	shalt  }
0x44: {  	_ =	shalt  }
0x45: {  	_ =	shalt  }
0x46: {  	_ =	shalt  }
0x47: {  	_ =	shalt  }
0x48: {  	_ =	shalt  }
0x49: {  	_ =	shalt  }
0x4a: {  	_ =	shalt  }
0x4b: {  	_ =	shalt  }
0x4c: {  	_ =	shalt  }
0x4d: {  	_ =	shalt  }
0x4e: {  	_ =	shalt  }
0x4f: {  	_ =	shalt  }
0x50: {  	_ =	shalt  }
0x51: {  	_ =	shalt  }
0x52: {  	_ =	shalt  }
0x53: {  	_ =	shalt  }
0x54: {  	_ =	shalt  }
0x55: {  	_ =	shalt  }
0x56: {  	_ =	shalt  }
0x57: {  	_ =	shalt  }
0x58: {  	_ =	shalt  }
0x59: {  	_ =	shalt  }
0x5a: {  	_ =	shalt  }
0x5b: {  	_ =	shalt  }
0x5c: {  	_ =	shalt  }
0x5d: {  	_ =	shalt  }
0x5e: {  	_ =	shalt  }
0x5f: {  	_ =	shalt  }
0x60: {  	_ =	shalt  }
0x61: {  	_ =	shalt  }
0x62: {  	_ =	shalt  }
0x63: {  	_ =	shalt  }
0x64: {  	_ =	shalt  }
0x65: {  	_ =	shalt  }
0x66: {  	_ =	shalt  }
0x67: {  	_ =	shalt  }
0x68: {  	_ =	shalt  }
0x69: {  	_ =	shalt  }
0x6a: {  	_ =	shalt  }
0x6b: {  	_ =	shalt  }
0x6c: {  	_ =	shalt  }
0x6d: {  	_ =	shalt  }
0x6e: {  	_ =	shalt  }
0x6f: {  	_ =	shalt  }
0x70: {  	_ =	shalt  }
0x71: {  	_ =	shalt  }
0x72: {  	_ =	shalt  }
0x73: {  	_ =	shalt  }
0x74: {  	_ =	shalt  }
0x75: {  	_ =	shalt  }
0x76: {  	_ =	shalt  }
0x77: {  	_ =	shalt  }
0x78: {  	_ =	shalt  }
0x79: {  	_ =	shalt  }
0x7a: {  	_ =	shalt  }
0x7b: {  	_ =	shalt  }
0x7c: {  	_ =	shalt  }
0x7d: {  	_ =	shalt  }
0x7e: {  	_ =	shalt  }
0x7f: {  	_ =	shalt  }
0x80: {  	_ =	shalt  }
0x81: {  	_ =	shalt  }
0x82: {  	_ =	shalt  }
0x83: {  	_ =	shalt  }
0x84: {  	_ =	shalt  }
0x85: {  	_ =	shalt  }
0x86: {  	_ =	shalt  }
0x87: {  	_ =	shalt  }
.Lfunc_end0:
.L_simem_size_0:
called_computation.1_lowered:
.L_overlay_start_0:
0x88: {  	s2 =	sld [smem:$0x3FD9]  }
0x89: {  	s3 =	sld [smem:$0x3FFE];
	_ =	sdelay $0x1  }
0x8a: {  	s1 =	srdreg.scid  }
0x8b: {  	s0 =	sand.u32 $0x1, s1  }
0x8c: {  	s17 =	sshll.u32 s0, $0xA;
	s2 =	sadd.s32 s3, s2  }
0x8d: {  	s2 =	sadd.s32 s2, s17  }
0x8e: {  	[smem:$0x3FC6] =	sst s2  }
0x8f: {  	_ = 	snop  }
0x90: {  	s2 =	sld [smem:$0x3FC8]  }
0x91: {  	s18 =	sld [smem:$0x3FD0];
	(tm) =	ssettm $0x1  }
0x92: {  	s4 =	sld [smem:$0x3FFB];
	_ =	sdelay $0x3  }
0x93: {  	_ =	strace s4  }
0x94: {  	s4 =	sld [smem:$0x3FFC];
	_ =	sdelay $0x3  }
0x95: {  	_ =	strace s4  }
0x96: {  	s4 =	sld [smem:$0x3FFD];
	_ =	sdelay $0x3  }
0x97: {  	_ =	strace s4  }
0x98: {  	_ =	strace $0x8FFFFFFF  }
0x99: {  	s19 =	sld [smem:$0x3FDB];
	_ =	sdelay $0x1  }
0x9a: {  	s5 =	simm.s32 $_scs_section_size  }
0x9b: {  	s6 =	simm.s32 $_size__tile_overlayer_lowered;
	s7 =	simm.s32 $_tile_overlayer_lowered  }
0x9c: {  	s22 =	simm.s32 $0x1BFF;
	s21 =	sshll.u32 s7, $0x1;
	s4 =	sadd.s32 s5, s19  }
0x9d: {  	s8 =	simm.s32 $0x0;
	s20 =	sshll.u32 s6, $0x1;
	s6 =	sadd.s32 s21, s4  }
0x9e: {  	[timem:s8], [sflag:s22] =	dma.local [hbm:s6], s20  }
0x9f: {  	_ =	swait.ge [sflag:s22], s20  }
0xa0: {  	s5 =	ssub.s32 $0x0, s20;
	[sflag:s22] =	ssyncset.done $0x0  }
0xa1: {  	[sflag:s22] =	ssyncadd.s32 s5;
	_ =	sdelay $0x1  }
0xa2: {  	s23 =	simm.s32 $0x1B8B  }
0xa3: {  	_ =	swait.ge [sflag:s23], $0x1  }
0xa4: {  	[sflag:s23] =	ssyncset.done $0x0  }
0xa5: {  	s25 =	simm.s32 $0x1B8E;
	s24 =	sld [smem:$0x3FFE];
	[sflag:s23] =	ssyncadd.s32 $0xFFFFFFFF  }
0xa6: {  	s26 =	simm.s32 $execute0_lowered;
	[smem:$0x3FD2] =	sst s25  }
0xa7: {  	s6 =	sshll.u32 s26, $0x1;
	_ =	strace $0x80000046;
	[dreg:$0x1] =	wrdreg $0xFFFFFFFF  }
0xa8: {  	s28 =	simm.s32 $_size_execute0_lowered;
	s4 =	sadd.s32 s4, s6;
	[dreg:$0x0] =	wrdreg $0x0  }
0xa9: {  	s6 =	sshll.u32 s28, $0x1;
	[dreg:$0x2] =	wrdreg s4  }
0xaa: {  	[dreg:$0x3] =	wrdreg s6  }
0xab: {  	[dreg:$0x4] =	wrdreg $0xC0  }
0xac: {  	_ =	task [dreg:s8], $0x5FFFF  }
0xad: {  	[dreg:$0x1] =	wrdreg $0xFFFFFFFF  }
0xae: {  	[dreg:$0x0] =	wrdreg $0x60  }
0xaf: {  	[dreg:$0x2] =	wrdreg s2  }
0xb0: {  	[dreg:$0x3] =	wrdreg s18  }
0xb1: {  	[dreg:$0x4] =	wrdreg s24  }
0xb2: {  	[dreg:$0x5] =	wrdreg $0x9  }
0xb3: {  	_ =	task.clear_ibuf [dreg:s8], $0x6FFFF;
	_ =	strace $0x90000046  }
0xb4: {  	s29 =	simm.s32 $0x9;
	_ =	strace $0x80000048  }
0xb5: {  	_ =	swait.ge [sflag:s29], $0x1  }
0xb6: {  	[sflag:s29] =	ssyncadd.s32 $0xFFFFFFFF  }
0xb7: {  	_ =	strace $0x90000048  }
0xb8: {  	_ =	sfence  }
0xb9: {  	s30 =	sld [smem:$0x0];
	_ =	sdelay $0x2  }
0xba: {  	s31 =	sshll.u32 s1, $0xD;
	s1 =	sshrl.u32 s1, $0x2  }
0xbb: {  	s3 =	sand.u32 $0x4000, s31;
	s1 =	sadd.s32 s1, s30  }
0xbc: {  	s0 =	sor.u32 s3, s0;
	s1 =	sshll.u32 s1, $0x11  }
0xbd: {  	s0 =	sor.u32 s1, s0  }
0xbe: {  	s0 =	sadd.s32 $0x8F2B, s0  }
0xbf: {  	[sflag:s0] =	ssyncadd.remote.s32 $0x1  }
0xc0: {  	_ =	sfence.sel $0xFFFF  }
0xc1: {  	[dreg:$0x0] =	wrdreg $0xFFFFFFFF;
	(pc) =	sbr.abs _section_cstart, $3  }
0xc2: {  	[dreg:$0x1] =	wrdreg $0xFFFFFFFF  }
0xc3: {  	_ =	task.clear_ibuf [dreg:s8], $0x2FFFF;
	_ =	strace $0x9FFFFFFF  }
0xc4: {  	(tm) =	ssettm $0x7FFFFFFF  }
0xc5: {  	_ =	shalt  }
tec
execute0_lowered:
.L_overlay_start_1:
0x0: {  	(tag) =	ssettag $0x1  }
0x1: {  	s13 =	rddreg [dreg:$0x0]  }
0x2: {  	s0 =	rddreg [dreg:$0x1]  }
0x3: {  	s1 =	rddreg [dreg:$0x2]  }
0x4: {  	s2 =	srdreg.scid;
	s4 =	stileid.u32;
	s3 =	simm.s32 $0x0  }
0x5: {  	s9 =	simm.s32 $0xC900;
	s28 =	simm.s32 $0xD100;
	s2 =	sand.u32 $0x1, s2  }
0x6: {  	s4 =	sshll.u32 s4, $0x9;
	[smem:$0x7FF] =	sst s3;
	s20 =	sadd.s32 $0x400, s13  }
0x7: {  	s30 =	sadd.s32 $0x500, s13;
	_ =	strace $0x80000047;
	[dreg:$0x10] =	wrdreg s20  }
0x8: {  	s1 =	sadd.s32 $0x800, s1;
	s26 =	sadd.s32 $0x100, s13;
	[dreg:$0x11] =	wrdreg s30  }
0x9: {  	s31 =	sadd.s32 $0x200, s13;
	s15 =	sadd.s32 $0x300, s13;
	[dreg:$0x12] =	wrdreg s26  }
0xa: {  	s29 =	sadd.s32 $0xA00, s13;
	s5 =	sshll.u32 s2, $0x8;
	[dreg:$0x13] =	wrdreg s31  }
0xb: {  	s25 =	sadd.s32 $0xF00, s13;
	[dreg:$0x14] =	wrdreg s15;
	s4 =	sor.u32 s5, s4  }
0xc: {  	s2 =	ssub.s32 $0x2, s2;
	[dreg:$0x15] =	wrdreg s29;
	s4 =	sshrl.u32 s4, $0x3  }
0xd: {  	[dreg:$0x16] =	wrdreg s25;
	s12 =	sshrl.u32 s2, $0x1;
	s8 =	smul.u32 $0xA000, s4  }
0xe: {  	s2 =	ssub.s32 s2, s12;
	s0 =	sadd.s32 s0, s4;
	s4 =	smul.u32 $0x1400, s4  }
0xf: {  	s24 =	smax.u32 s2, $0x1;
	[dreg:$0x5] =	wrdreg s0;
	s14 =	sshrl.u32 s8, $0x3  }
0x10: {  	[dreg:$0xe] =	wrdreg s24;
	s23 =	sadd.s32 s4, s1;
	s0 =	sadd.s32 s1, s14  }
0x11: {  	s6 =	simm.s32 $0xF100;
	[dreg:$0x4] =	wrdreg s23;
	s12 =	sadd.s32 $0x25800, s0  }
0x12: {  	s7 =	simm.s32 $0x11900;
	s16 =	sadd.s32 $0x25D00, s0;
	[dreg:$0x6] =	wrdreg s12  }
0x13: {  	s11 =	simm.s32 $0x0;
	s17 =	sadd.s32 $0x26200, s0;
	[dreg:$0x7] =	wrdreg s16  }
0x14: {  	s5 =	simm.s32 $0xA100;
	s18 =	sadd.s32 $0x26700, s0;
	[dreg:$0x8] =	wrdreg s17  }
0x15: {  	s2 =	simm.s32 $0x1900;
	s19 =	sadd.s32 $0x26C00, s0;
	[dreg:$0x9] =	wrdreg s18  }
0x16: {  	s24 =	simm.s32 $0x4900;
	s21 =	sadd.s32 $0x27100, s0;
	[dreg:$0xa] =	wrdreg s19  }
0x17: {  	s4 =	simm.s32 $0x2100;
	s22 =	sadd.s32 $0x27600, s0;
	[dreg:$0xb] =	wrdreg s21  }
0x18: {  	s1 =	simm.s32 $0x5900;
	s0 =	sadd.s32 $0x27B00, s0;
	[dreg:$0xc] =	wrdreg s22  }
0x19: {  	v0 =	vlaneseq.u32;
	s23 =	simm.s32 $0x8100;
	[dreg:$0xd] =	wrdreg s0;
	s16 =	simm.s32 $0x900  }
0x1a: {  	v1 =	vshrl.u32 v0, $0x3;
	s18 =	simm.s32 $0x1100;
	s21 =	simm.s32 $0x3100;
	s12 =	simm.s32 $0x3900  }
0x1b: {  	vm0 =	vmmov $0xffff;
	v0 =	vand.u32 $0x7, v0;
	v1 =	vmul.u32 $0x8, v1;
	s17 =	simm.s32 $0x4100;
	s19 =	simm.s32 $0x6100;
	s22 =	simm.s32 $0x6900  }
.LBB2_1:
0x1c: {  	[dreg:$0xf] =	wrdreg s11  }
0x1d: {  	s0 =	rddreg [dreg:$0x5];
	s11 =	simm.s32 $0x11  }
0x1e: {  	[tilespmem:s3], [sflag:$0x11] =	stream.linear.gather [hbm4b:s0+s3], $0x100, $0x38;
	[tilespmem:$0x14100] =	vst v63  }
0x1f: {  	_ =	swait.ge [sflag:s11], $0x100  }
0x20: {  	[sflag:s11] =	ssyncset.done $0x0  }
0x21: {  	[sflag:s11] =	ssyncadd.s32 $0xFFFFFF00  }
0x22: {  	v2 =	vld.msk [tilespmem:$0x0], $0xff;
	_ =	sdelay $0x4  }
0x23: {  	v3 =	vshrl.u32 v2, $0x3  }
0x24: {  	v3 =	vmul.u32 $0x140, v3  }
0x25: {  	v2 =	vand.u32 $0x7, v2  }
0x26: {  	v2 =	vor.u32 v2, v3  }
0x27: {  	v2 =	vperm.xlane v2, v0;
	_ =	sdelay $0x1  }
0x28: {  	v2 =	vadd.s32 v1, v2;
	_ =	sdelay $0x3  }
0x29: {  	s14 =	simm.s32 $0x100  }
0x2a: {  	[tilespmem:s14], [sflag:$0x1] =	stream.indirect_vreg.gather [hbm4b:s13+s3], $0x80, v2, vm0, $0xb8;
	[tilespmem:$0x14100] =	vst v63  }
0x2b: {  	_ = 	snop  }
0x2c: {  	[tilespmem:s16], [sflag:$0x1] =	stream.indirect_vreg.gather [hbm4b:s26+s3], $0x80, v2, vm0, $0xb8;
	[tilespmem:$0x14100] =	vst v63  }
0x2d: {  	_ = 	snop  }
0x2e: {  	[tilespmem:s18], [sflag:$0x1] =	stream.indirect_vreg.gather [hbm4b:s31+s3], $0x80, v2, vm0, $0xb8;
	[tilespmem:$0x14100] =	vst v63  }
0x2f: {  	_ = 	snop  }
0x30: {  	[tilespmem:s2], [sflag:$0x1] =	stream.indirect_vreg.gather [hbm4b:s15+s3], $0x80, v2, vm0, $0xb8;
	[tilespmem:$0x14100] =	vst v63  }
0x31: {  	_ = 	snop  }
0x32: {  	[tilespmem:s4], [sflag:$0x1] =	stream.indirect_vreg.gather [hbm4b:s20+s3], $0x80, v2, vm0, $0xb8;
	[tilespmem:$0x14100] =	vst v63  }
0x33: {  	v2 =	vld.msk [tilespmem:$0x0], $0xff;
	_ =	sdelay $0x4  }
0x34: {  	v3 =	vshrl.u32 v2, $0x3  }
0x35: {  	v3 =	vmul.u32 $0x140, v3  }
0x36: {  	v2 =	vand.u32 $0x7, v2  }
0x37: {  	v2 =	vor.u32 v2, v3  }
0x38: {  	v2 =	vperm.xlane v2, v0;
	_ =	sdelay $0x1  }
0x39: {  	v2 =	vadd.s32 v1, v2;
	_ =	sdelay $0x3  }
0x3a: {  	s18 =	simm.s32 $0x2900  }
0x3b: {  	[tilespmem:s18], [sflag:$0x2] =	stream.indirect_vreg.gather [hbm4b:s30+s3], $0x80, v2, vm0, $0xb8;
	[tilespmem:$0x14100] =	vst v63  }
0x3c: {  	s16 =	sadd.s32 $0x100, s30  }
0x3d: {  	[tilespmem:s21], [sflag:$0x2] =	stream.indirect_vreg.gather [hbm4b:s16+s3], $0x80, v2, vm0, $0xb8;
	[tilespmem:$0x14100] =	vst v63  }
0x3e: {  	s4 =	sadd.s32 $0x200, s30  }
0x3f: {  	[tilespmem:s12], [sflag:$0x2] =	stream.indirect_vreg.gather [hbm4b:s4+s3], $0x80, v2, vm0, $0xb8;
	[tilespmem:$0x14100] =	vst v63  }
0x40: {  	s2 =	smov.u32 s15;
	s15 =	sadd.s32 $0x300, s30  }
0x41: {  	[tilespmem:s17], [sflag:$0x2] =	stream.indirect_vreg.gather [hbm4b:s15+s3], $0x80, v2, vm0, $0xb8;
	[tilespmem:$0x14100] =	vst v63  }
0x42: {  	s17 =	sadd.s32 $0x400, s30  }
0x43: {  	[tilespmem:s24], [sflag:$0x2] =	stream.indirect_vreg.gather [hbm4b:s17+s3], $0x80, v2, vm0, $0xb8;
	[tilespmem:$0x14100] =	vst v63  }
0x44: {  	v2 =	vld.msk [tilespmem:$0x0], $0xff;
	_ =	sdelay $0x4  }
0x45: {  	v3 =	vshrl.u32 v2, $0x3  }
0x46: {  	v3 =	vmul.u32 $0x140, v3  }
0x47: {  	v2 =	vand.u32 $0x7, v2  }
0x48: {  	v2 =	vor.u32 v2, v3  }
0x49: {  	v2 =	vperm.xlane v2, v0;
	_ =	sdelay $0x1  }
0x4a: {  	v2 =	vadd.s32 v1, v2;
	_ =	sdelay $0x3  }
0x4b: {  	s10 =	simm.s32 $0x5100  }
0x4c: {  	[tilespmem:s10], [sflag:$0x3] =	stream.indirect_vreg.gather [hbm4b:s29+s3], $0x80, v2, vm0, $0xb8;
	[tilespmem:$0x14100] =	vst v63  }
0x4d: {  	s18 =	sadd.s32 $0x100, s29  }
0x4e: {  	[tilespmem:s1], [sflag:$0x3] =	stream.indirect_vreg.gather [hbm4b:s18+s3], $0x80, v2, vm0, $0xb8;
	[tilespmem:$0x14100] =	vst v63  }
0x4f: {  	s1 =	sadd.s32 $0x200, s29  }
0x50: {  	[tilespmem:s19], [sflag:$0x3] =	stream.indirect_vreg.gather [hbm4b:s1+s3], $0x80, v2, vm0, $0xb8;
	[tilespmem:$0x14100] =	vst v63  }
0x51: {  	s19 =	sadd.s32 $0x300, s29  }
0x52: {  	[tilespmem:s22], [sflag:$0x3] =	stream.indirect_vreg.gather [hbm4b:s19+s3], $0x80, v2, vm0, $0xb8;
	[tilespmem:$0x14100] =	vst v63  }
0x53: {  	s0 =	smov.u32 s20;
	s20 =	sadd.s32 $0x400, s29;
	s24 =	simm.s32 $0x7100  }
0x54: {  	[tilespmem:s24], [sflag:$0x3] =	stream.indirect_vreg.gather [hbm4b:s20+s3], $0x80, v2, vm0, $0xb8;
	[tilespmem:$0x14100] =	vst v63  }
0x55: {  	v2 =	vld.msk [tilespmem:$0x0], $0xff;
	_ =	sdelay $0x4  }
0x56: {  	v3 =	vshrl.u32 v2, $0x3  }
0x57: {  	v3 =	vmul.u32 $0x140, v3  }
0x58: {  	v2 =	vand.u32 $0x7, v2  }
0x59: {  	v2 =	vor.u32 v2, v3  }
0x5a: {  	v2 =	vperm.xlane v2, v0;
	_ =	sdelay $0x1  }
0x5b: {  	v2 =	vadd.s32 v1, v2;
	_ =	sdelay $0x3  }
0x5c: {  	s8 =	simm.s32 $0x7900  }
0x5d: {  	[tilespmem:s8], [sflag:$0x4] =	stream.indirect_vreg.gather [hbm4b:s25+s3], $0x80, v2, vm0, $0xb8;
	[tilespmem:$0x14100] =	vst v63  }
0x5e: {  	s21 =	sadd.s32 $0x100, s25  }
0x5f: {  	[tilespmem:s23], [sflag:$0x4] =	stream.indirect_vreg.gather [hbm4b:s21+s3], $0x80, v2, vm0, $0xb8;
	[tilespmem:$0x14100] =	vst v63  }
0x60: {  	s11 =	simm.s32 $0x8900;
	s22 =	sadd.s32 $0x200, s25  }
0x61: {  	[tilespmem:s11], [sflag:$0x4] =	stream.indirect_vreg.gather [hbm4b:s22+s3], $0x80, v2, vm0, $0xb8;
	[tilespmem:$0x14100] =	vst v63  }
0x62: {  	s12 =	simm.s32 $0x9100;
	s23 =	sadd.s32 $0x300, s25  }
0x63: {  	[tilespmem:s12], [sflag:$0x4] =	stream.indirect_vreg.gather [hbm4b:s23+s3], $0x80, v2, vm0, $0xb8;
	[tilespmem:$0x14100] =	vst v63  }
0x64: {  	s14 =	simm.s32 $0x9900;
	s24 =	sadd.s32 $0x400, s25  }
0x65: {  	[tilespmem:s14], [sflag:$0x4] =	stream.indirect_vreg.gather [hbm4b:s24+s3], $0x80, v2, vm0, $0xb8;
	[tilespmem:$0x14100] =	vst v63  }
0x66: {  	v2 =	vld.msk [tilespmem:$0x8], $0xff;
	_ =	sdelay $0x4  }
0x67: {  	v3 =	vshrl.u32 v2, $0x3  }
0x68: {  	v3 =	vmul.u32 $0x140, v3  }
0x69: {  	v2 =	vand.u32 $0x7, v2  }
0x6a: {  	v2 =	vor.u32 v2, v3  }
0x6b: {  	v2 =	vperm.xlane v2, v0;
	_ =	sdelay $0x1  }
0x6c: {  	v2 =	vadd.s32 v1, v2;
	_ =	sdelay $0x4  }
0x6d: {  	[tilespmem:s5], [sflag:$0x5] =	stream.indirect_vreg.gather [hbm4b:s13+s3], $0x80, v2, vm0, $0xb8;
	[tilespmem:$0x14100] =	vst v63  }
0x6e: {  	s10 =	smov.u32 s25;
	s25 =	simm.s32 $0xA900  }
0x6f: {  	[tilespmem:s25], [sflag:$0x5] =	stream.indirect_vreg.gather [hbm4b:s26+s3], $0x80, v2, vm0, $0xb8;
	[tilespmem:$0x14100] =	vst v63  }
0x70: {  	s26 =	simm.s32 $0xB100  }
0x71: {  	[tilespmem:s26], [sflag:$0x5] =	stream.indirect_vreg.gather [hbm4b:s31+s3], $0x80, v2, vm0, $0xb8;
	[tilespmem:$0x14100] =	vst v63  }
0x72: {  	s8 =	simm.s32 $0xB900  }
0x73: {  	[tilespmem:s8], [sflag:$0x5] =	stream.indirect_vreg.gather [hbm4b:s2+s3], $0x80, v2, vm0, $0xb8;
	[tilespmem:$0x14100] =	vst v63  }
0x74: {  	s11 =	simm.s32 $0xC100  }
0x75: {  	[tilespmem:s11], [sflag:$0x5] =	stream.indirect_vreg.gather [hbm4b:s0+s3], $0x80, v2, vm0, $0xb8;
	[tilespmem:$0x14100] =	vst v63  }
0x76: {  	v2 =	vld.msk [tilespmem:$0x8], $0xff;
	_ =	sdelay $0x4  }
0x77: {  	v3 =	vshrl.u32 v2, $0x3  }
0x78: {  	v3 =	vmul.u32 $0x140, v3  }
0x79: {  	v2 =	vand.u32 $0x7, v2  }
0x7a: {  	v2 =	vor.u32 v2, v3  }
0x7b: {  	v2 =	vperm.xlane v2, v0;
	_ =	sdelay $0x1  }
0x7c: {  	v2 =	vadd.s32 v1, v2;
	_ =	sdelay $0x4  }
0x7d: {  	[tilespmem:s9], [sflag:$0x6] =	stream.indirect_vreg.gather [hbm4b:s30+s3], $0x80, v2, vm0, $0xb8;
	[tilespmem:$0x14100] =	vst v63  }
0x7e: {  	_ = 	snop  }
0x7f: {  	[tilespmem:s28], [sflag:$0x6] =	stream.indirect_vreg.gather [hbm4b:s16+s3], $0x80, v2, vm0, $0xb8;
	[tilespmem:$0x14100] =	vst v63  }
0x80: {  	s12 =	simm.s32 $0xD900  }
0x81: {  	[tilespmem:s12], [sflag:$0x6] =	stream.indirect_vreg.gather [hbm4b:s4+s3], $0x80, v2, vm0, $0xb8;
	[tilespmem:$0x14100] =	vst v63  }
0x82: {  	s14 =	simm.s32 $0xE100  }
0x83: {  	[tilespmem:s14], [sflag:$0x6] =	stream.indirect_vreg.gather [hbm4b:s15+s3], $0x80, v2, vm0, $0xb8;
	[tilespmem:$0x14100] =	vst v63  }
0x84: {  	[dreg:$0x17] =	wrdreg s16;
	s16 =	simm.s32 $0xE900  }
0x85: {  	[tilespmem:s16], [sflag:$0x6] =	stream.indirect_vreg.gather [hbm4b:s17+s3], $0x80, v2, vm0, $0xb8;
	[tilespmem:$0x14100] =	vst v63  }
0x86: {  	v2 =	vld.msk [tilespmem:$0x8], $0xff;
	_ =	sdelay $0x4  }
0x87: {  	v3 =	vshrl.u32 v2, $0x3  }
0x88: {  	v3 =	vmul.u32 $0x140, v3  }
0x89: {  	v2 =	vand.u32 $0x7, v2  }
0x8a: {  	v2 =	vor.u32 v2, v3  }
0x8b: {  	v2 =	vperm.xlane v2, v0;
	_ =	sdelay $0x1  }
0x8c: {  	v2 =	vadd.s32 v1, v2;
	_ =	sdelay $0x4  }
0x8d: {  	[tilespmem:s6], [sflag:$0x7] =	stream.indirect_vreg.gather [hbm4b:s29+s3], $0x80, v2, vm0, $0xb8;
	[tilespmem:$0x14100] =	vst v63  }
0x8e: {  	[dreg:$0x1a] =	wrdreg s17;
	s17 =	simm.s32 $0xF900  }
0x8f: {  	[tilespmem:s17], [sflag:$0x7] =	stream.indirect_vreg.gather [hbm4b:s18+s3], $0x80, v2, vm0, $0xb8;
	[tilespmem:$0x14100] =	vst v63  }
0x90: {  	[dreg:$0x1b] =	wrdreg s18;
	s18 =	simm.s32 $0x10100  }
0x91: {  	[tilespmem:s18], [sflag:$0x7] =	stream.indirect_vreg.gather [hbm4b:s1+s3], $0x80, v2, vm0, $0xb8;
	[tilespmem:$0x14100] =	vst v63  }
0x92: {  	s25 =	simm.s32 $0x10900  }
0x93: {  	[tilespmem:s25], [sflag:$0x7] =	stream.indirect_vreg.gather [hbm4b:s19+s3], $0x80, v2, vm0, $0xb8;
	[tilespmem:$0x14100] =	vst v63  }
0x94: {  	s26 =	simm.s32 $0x11100  }
0x95: {  	[tilespmem:s26], [sflag:$0x7] =	stream.indirect_vreg.gather [hbm4b:s20+s3], $0x80, v2, vm0, $0xb8;
	[tilespmem:$0x14100] =	vst v63  }
0x96: {  	v2 =	vld.msk [tilespmem:$0x8], $0xff;
	_ =	sdelay $0x4  }
0x97: {  	v3 =	vshrl.u32 v2, $0x3  }
0x98: {  	v3 =	vmul.u32 $0x140, v3  }
0x99: {  	v2 =	vand.u32 $0x7, v2  }
0x9a: {  	v2 =	vor.u32 v2, v3  }
0x9b: {  	v2 =	vperm.xlane v2, v0  }
0x9c: {  	[dreg:$0x19] =	wrdreg s15  }
0x9d: {  	[dreg:$0x18] =	wrdreg s4;
	v2 =	vadd.s32 v1, v2  }
0x9e: {  	[dreg:$0x1e] =	wrdreg s20  }
0x9f: {  	[dreg:$0x1f] =	wrdreg s21  }
0xa0: {  	[dreg:$0x1c] =	wrdreg s1  }
0xa1: {  	[dreg:$0x1d] =	wrdreg s19  }
0xa2: {  	[tilespmem:s7], [sflag:$0x8] =	stream.indirect_vreg.gather [hbm4b:s10+s3], $0x80, v2, vm0, $0xb8;
	[tilespmem:$0x14100] =	vst v63  }
0xa3: {  	[smem:$0x7FB] =	sst s22;
	s28 =	simm.s32 $0x12100  }
0xa4: {  	[tilespmem:s28], [sflag:$0x8] =	stream.indirect_vreg.gather [hbm4b:s21+s3], $0x80, v2, vm0, $0xb8;
	[tilespmem:$0x14100] =	vst v63  }
0xa5: {  	[smem:$0x7FD] =	sst s24;
	s29 =	simm.s32 $0x12900  }
0xa6: {  	[tilespmem:s29], [sflag:$0x8] =	stream.indirect_vreg.gather [hbm4b:s22+s3], $0x80, v2, vm0, $0xb8;
	[tilespmem:$0x14100] =	vst v63  }
0xa7: {  	[smem:$0x7FC] =	sst s23;
	s30 =	simm.s32 $0x13100  }
0xa8: {  	[tilespmem:s30], [sflag:$0x8] =	stream.indirect_vreg.gather [hbm4b:s23+s3], $0x80, v2, vm0, $0xb8;
	[tilespmem:$0x14100] =	vst v63  }
0xa9: {  	s31 =	simm.s32 $0x13900;
	s0 =	simm.s32 $0x18;
	s12 =	simm.s32 $0x0  }
0xaa: {  	[tilespmem:s31], [sflag:$0x8] =	stream.indirect_vreg.gather [hbm4b:s24+s3], $0x80, v2, vm0, $0xb8;
	[tilespmem:$0x14100] =	vst v63  }
.LBB2_2:
0xab: {  	s1 =	simm.s32 $0x1  }
0xac: {  	s16 =	smov.u32 s13;
	_ =	swait.ge [sflag:s1], $0x2800  }
0xad: {  	s18 =	simm.s32 $0x100;
	s8 =	rddreg [dreg:$0x4];
	[sflag:s1] =	ssyncset.done $0x0  }
0xae: {  	s9 =	simm.s32 $0x2;
	[sflag:s1] =	ssyncadd.s32 $0xFFFFD800;
	s13 =	sadd.s32 s12, s8  }
0xaf: {  	[hbm4b:s13+s3] =	stream.linear.scatter [tilespmem:s18], [sflag:$0x9], $0x2800, $0x38;
	[tilespmem:$0x14100] =	vst v63  }
0xb0: {  	_ =	swait.ge [sflag:s9], $0x2800  }
0xb1: {  	s21 =	simm.s32 $0x2900;
	[sflag:s9] =	ssyncset.done $0x0  }
0xb2: {  	s10 =	simm.s32 $0x3;
	s14 =	sadd.s32 $0x500, s13;
	[sflag:s9] =	ssyncadd.s32 $0xFFFFD800  }
0xb3: {  	[hbm4b:s14+s3] =	stream.linear.scatter [tilespmem:s21], [sflag:$0xA], $0x2800, $0x38;
	[tilespmem:$0x14100] =	vst v63  }
0xb4: {  	_ =	swait.ge [sflag:s10], $0x2800  }
0xb5: {  	s2 =	simm.s32 $0x4;
	[sflag:s10] =	ssyncset.done $0x0  }
0xb6: {  	s1 =	simm.s32 $0x5100;
	s11 =	sadd.s32 $0xA00, s13;
	[sflag:s10] =	ssyncadd.s32 $0xFFFFD800  }
0xb7: {  	[hbm4b:s11+s3] =	stream.linear.scatter [tilespmem:s1], [sflag:$0xB], $0x2800, $0x38;
	[tilespmem:$0x14100] =	vst v63  }
0xb8: {  	_ =	swait.ge [sflag:s2], $0x2800  }
0xb9: {  	s5 =	simm.s32 $0x7900;
	[sflag:s2] =	ssyncset.done $0x0  }
0xba: {  	s17 =	simm.s32 $0x5;
	s15 =	sadd.s32 $0xF00, s13;
	[sflag:s2] =	ssyncadd.s32 $0xFFFFD800  }
0xbb: {  	[hbm4b:s15+s3] =	stream.linear.scatter [tilespmem:s5], [sflag:$0xC], $0x2800, $0x38;
	[tilespmem:$0x14100] =	vst v63  }
0xbc: {  	_ =	swait.ge [sflag:s17], $0x2800  }
0xbd: {  	s20 =	simm.s32 $0x6;
	[sflag:s17] =	ssyncset.done $0x0  }
0xbe: {  	s19 =	sadd.s32 $0x1400, s13;
	s9 =	simm.s32 $0xA100;
	[sflag:s17] =	ssyncadd.s32 $0xFFFFD800  }
0xbf: {  	[hbm4b:s19+s3] =	stream.linear.scatter [tilespmem:s9], [sflag:$0xD], $0x2800, $0x38;
	[tilespmem:$0x14100] =	vst v63  }
0xc0: {  	_ =	swait.ge [sflag:s20], $0x2800  }
0xc1: {  	s28 =	simm.s32 $0xC900;
	[sflag:s20] =	ssyncset.done $0x0  }
0xc2: {  	s23 =	simm.s32 $0x7;
	s22 =	sadd.s32 $0x1900, s13;
	[sflag:s20] =	ssyncadd.s32 $0xFFFFD800  }
0xc3: {  	[hbm4b:s22+s3] =	stream.linear.scatter [tilespmem:s28], [sflag:$0xE], $0x2800, $0x38;
	[tilespmem:$0x14100] =	vst v63  }
0xc4: {  	_ =	swait.ge [sflag:s23], $0x2800  }
0xc5: {  	s7 =	simm.s32 $0xF100;
	[sflag:s23] =	ssyncset.done $0x0  }
0xc6: {  	s25 =	simm.s32 $0x8;
	s24 =	sadd.s32 $0x1E00, s13;
	[sflag:s23] =	ssyncadd.s32 $0xFFFFD800  }
0xc7: {  	[hbm4b:s24+s3] =	stream.linear.scatter [tilespmem:s7], [sflag:$0xF], $0x2800, $0x38;
	[tilespmem:$0x14100] =	vst v63  }
0xc8: {  	_ =	swait.ge [sflag:s25], $0x2800  }
0xc9: {  	s26 =	simm.s32 $0x11900;
	[sflag:s25] =	ssyncset.done $0x0  }
0xca: {  	s29 =	simm.s32 $0x9;
	s13 =	sadd.s32 $0x2300, s13;
	[sflag:s25] =	ssyncadd.s32 $0xFFFFD800  }
0xcb: {  	[hbm4b:s13+s3] =	stream.linear.scatter [tilespmem:s26], [sflag:$0x10], $0x2800, $0x38;
	[tilespmem:$0x14100] =	vst v63  }
0xcc: {  	_ =	swait.ge [sflag:s29], $0x2800  }
0xcd: {  	[sflag:s29] =	ssyncset.done $0x0  }
0xce: {  	[sflag:s29] =	ssyncadd.s32 $0xFFFFD800  }
0xcf: {  	v2 =	vld.msk [tilespmem:s0+$0xFFFFFFF8], $0xff;
	_ =	sdelay $0x4  }
0xd0: {  	v3 =	vshrl.u32 v2, $0x3  }
0xd1: {  	v3 =	vmul.u32 $0x140, v3  }
0xd2: {  	v2 =	vand.u32 $0x7, v2  }
0xd3: {  	v2 =	vor.u32 v2, v3  }
0xd4: {  	v2 =	vperm.xlane v2, v0;
	_ =	sdelay $0x1  }
0xd5: {  	v2 =	vadd.s32 v1, v2;
	_ =	sdelay $0x3  }
0xd6: {  	s13 =	smov.u32 s16  }
0xd7: {  	[tilespmem:s18], [sflag:$0x1] =	stream.indirect_vreg.gather [hbm4b:s13+s3], $0x80, v2, vm0, $0xb8;
	[tilespmem:$0x14100] =	vst v63  }
0xd8: {  	s16 =	simm.s32 $0x900;
	s8 =	rddreg [dreg:$0x12]  }
0xd9: {  	[tilespmem:s16], [sflag:$0x1] =	stream.indirect_vreg.gather [hbm4b:s8+s3], $0x80, v2, vm0, $0xb8;
	[tilespmem:$0x14100] =	vst v63  }
0xda: {  	s2 =	rddreg [dreg:$0x13];
	s18 =	simm.s32 $0x1100  }
0xdb: {  	[tilespmem:s18], [sflag:$0x1] =	stream.indirect_vreg.gather [hbm4b:s2+s3], $0x80, v2, vm0, $0xb8;
	[tilespmem:$0x14100] =	vst v63  }
0xdc: {  	s6 =	simm.s32 $0x1900;
	s15 =	rddreg [dreg:$0x14]  }
0xdd: {  	[tilespmem:s6], [sflag:$0x1] =	stream.indirect_vreg.gather [hbm4b:s15+s3], $0x80, v2, vm0, $0xb8;
	[tilespmem:$0x14100] =	vst v63  }
0xde: {  	s4 =	simm.s32 $0x2100;
	s11 =	simm.s32 $0xA;
	s6 =	rddreg [dreg:$0x10]  }
0xdf: {  	[tilespmem:s4], [sflag:$0x1] =	stream.indirect_vreg.gather [hbm4b:s6+s3], $0x80, v2, vm0, $0xb8;
	[tilespmem:$0x14100] =	vst v63  }
0xe0: {  	_ =	swait.ge [sflag:s11], $0x2800  }
0xe1: {  	[sflag:s11] =	ssyncset.done $0x0  }
0xe2: {  	[sflag:s11] =	ssyncadd.s32 $0xFFFFD800  }
0xe3: {  	v2 =	vld.msk [tilespmem:s0+$0xFFFFFFF8], $0xff;
	_ =	sdelay $0x4  }
0xe4: {  	v3 =	vshrl.u32 v2, $0x3  }
0xe5: {  	v3 =	vmul.u32 $0x140, v3  }
0xe6: {  	v2 =	vand.u32 $0x7, v2  }
0xe7: {  	v2 =	vor.u32 v2, v3  }
0xe8: {  	v2 =	vperm.xlane v2, v0;
	_ =	sdelay $0x1  }
0xe9: {  	v2 =	vadd.s32 v1, v2;
	_ =	sdelay $0x3  }
0xea: {  	s11 =	rddreg [dreg:$0x11]  }
0xeb: {  	[tilespmem:s21], [sflag:$0x2] =	stream.indirect_vreg.gather [hbm4b:s11+s3], $0x80, v2, vm0, $0xb8;
	[tilespmem:$0x14100] =	vst v63  }
0xec: {  	s4 =	rddreg [dreg:$0x17];
	s21 =	simm.s32 $0x3100  }
0xed: {  	[tilespmem:s21], [sflag:$0x2] =	stream.indirect_vreg.gather [hbm4b:s4+s3], $0x80, v2, vm0, $0xb8;
	[tilespmem:$0x14100] =	vst v63  }
0xee: {  	s10 =	simm.s32 $0x3900;
	s17 =	rddreg [dreg:$0x18]  }
0xef: {  	[tilespmem:s10], [sflag:$0x2] =	stream.indirect_vreg.gather [hbm4b:s17+s3], $0x80, v2, vm0, $0xb8;
	[tilespmem:$0x14100] =	vst v63  }
0xf0: {  	s20 =	simm.s32 $0x4100;
	s24 =	rddreg [dreg:$0x19]  }
0xf1: {  	[tilespmem:s20], [sflag:$0x2] =	stream.indirect_vreg.gather [hbm4b:s24+s3], $0x80, v2, vm0, $0xb8;
	[tilespmem:$0x14100] =	vst v63  }
0xf2: {  	s30 =	simm.s32 $0x4900;
	s31 =	simm.s32 $0xB;
	s25 =	rddreg [dreg:$0x1a]  }
0xf3: {  	[tilespmem:s30], [sflag:$0x2] =	stream.indirect_vreg.gather [hbm4b:s25+s3], $0x80, v2, vm0, $0xb8;
	[tilespmem:$0x14100] =	vst v63  }
0xf4: {  	_ =	swait.ge [sflag:s31], $0x2800  }
0xf5: {  	[sflag:s31] =	ssyncset.done $0x0  }
0xf6: {  	[sflag:s31] =	ssyncadd.s32 $0xFFFFD800  }
0xf7: {  	v2 =	vld.msk [tilespmem:s0+$0xFFFFFFF8], $0xff;
	_ =	sdelay $0x4  }
0xf8: {  	v3 =	vshrl.u32 v2, $0x3  }
0xf9: {  	v3 =	vmul.u32 $0x140, v3  }
0xfa: {  	v2 =	vand.u32 $0x7, v2  }
0xfb: {  	v2 =	vor.u32 v2, v3  }
0xfc: {  	v2 =	vperm.xlane v2, v0;
	_ =	sdelay $0x1  }
0xfd: {  	v2 =	vadd.s32 v1, v2;
	_ =	sdelay $0x3  }
0xfe: {  	s20 =	rddreg [dreg:$0x15]  }
0xff: {  	[tilespmem:s1], [sflag:$0x3] =	stream.indirect_vreg.gather [hbm4b:s20+s3], $0x80, v2, vm0, $0xb8;
	[tilespmem:$0x14100] =	vst v63  }
0x100: {  	s29 =	rddreg [dreg:$0x1b];
	s1 =	simm.s32 $0x5900  }
0x101: {  	[tilespmem:s1], [sflag:$0x3] =	stream.indirect_vreg.gather [hbm4b:s29+s3], $0x80, v2, vm0, $0xb8;
	[tilespmem:$0x14100] =	vst v63  }
0x102: {  	s10 =	simm.s32 $0x6100;
	s30 =	rddreg [dreg:$0x1c]  }
0x103: {  	[tilespmem:s10], [sflag:$0x3] =	stream.indirect_vreg.gather [hbm4b:s30+s3], $0x80, v2, vm0, $0xb8;
	[tilespmem:$0x14100] =	vst v63  }
0x104: {  	s14 =	simm.s32 $0x6900;
	s31 =	rddreg [dreg:$0x1d]  }
0x105: {  	[tilespmem:s14], [sflag:$0x3] =	stream.indirect_vreg.gather [hbm4b:s31+s3], $0x80, v2, vm0, $0xb8;
	[tilespmem:$0x14100] =	vst v63  }
0x106: {  	s19 =	simm.s32 $0x7100;
	s22 =	simm.s32 $0xC;
	s14 =	rddreg [dreg:$0x1e]  }
0x107: {  	[tilespmem:s19], [sflag:$0x3] =	stream.indirect_vreg.gather [hbm4b:s14+s3], $0x80, v2, vm0, $0xb8;
	[tilespmem:$0x14100] =	vst v63  }
0x108: {  	_ =	swait.ge [sflag:s22], $0x2800  }
0x109: {  	[sflag:s22] =	ssyncset.done $0x0  }
0x10a: {  	[sflag:s22] =	ssyncadd.s32 $0xFFFFD800  }
0x10b: {  	v2 =	vld.msk [tilespmem:s0+$0xFFFFFFF8], $0xff;
	_ =	sdelay $0x4  }
0x10c: {  	v3 =	vshrl.u32 v2, $0x3  }
0x10d: {  	v3 =	vmul.u32 $0x140, v3  }
0x10e: {  	v2 =	vand.u32 $0x7, v2  }
0x10f: {  	v2 =	vor.u32 v2, v3  }
0x110: {  	v2 =	vperm.xlane v2, v0;
	_ =	sdelay $0x1  }
0x111: {  	v2 =	vadd.s32 v1, v2;
	_ =	sdelay $0x2  }
0x112: {  	s26 =	rddreg [dreg:$0x16]  }
0x113: {  	s10 =	rddreg [dreg:$0x1f]  }
0x114: {  	[tilespmem:s5], [sflag:$0x4] =	stream.indirect_vreg.gather [hbm4b:s26+s3], $0x80, v2, vm0, $0xb8;
	[tilespmem:$0x14100] =	vst v63  }
0x115: {  	s19 =	sld [smem:$0x7FB];
	s22 =	simm.s32 $0x8100  }
0x116: {  	[tilespmem:s22], [sflag:$0x4] =	stream.indirect_vreg.gather [hbm4b:s10+s3], $0x80, v2, vm0, $0xb8;
	[tilespmem:$0x14100] =	vst v63  }
0x117: {  	s23 =	simm.s32 $0x8900  }
0x118: {  	[tilespmem:s23], [sflag:$0x4] =	stream.indirect_vreg.gather [hbm4b:s19+s3], $0x80, v2, vm0, $0xb8;
	[tilespmem:$0x14100] =	vst v63  }
0x119: {  	s23 =	sld [smem:$0x7FC];
	_ =	sdelay $0x1  }
0x11a: {  	s22 =	simm.s32 $0x9100  }
0x11b: {  	[tilespmem:s22], [sflag:$0x4] =	stream.indirect_vreg.gather [hbm4b:s23+s3], $0x80, v2, vm0, $0xb8;
	[tilespmem:$0x14100] =	vst v63  }
0x11c: {  	s22 =	sld [smem:$0x7FD];
	_ =	sdelay $0x1  }
0x11d: {  	s5 =	simm.s32 $0x9900  }
0x11e: {  	[tilespmem:s5], [sflag:$0x4] =	stream.indirect_vreg.gather [hbm4b:s22+s3], $0x80, v2, vm0, $0xb8;
	[tilespmem:$0x14100] =	vst v63  }
0x11f: {  	s5 =	simm.s32 $0xD  }
0x120: {  	_ =	swait.ge [sflag:s5], $0x2800  }
0x121: {  	[sflag:s5] =	ssyncset.done $0x0  }
0x122: {  	[sflag:s5] =	ssyncadd.s32 $0xFFFFD800  }
0x123: {  	v2 =	vld.msk [tilespmem:s0+$0x0], $0xff;
	_ =	sdelay $0x4  }
0x124: {  	v3 =	vshrl.u32 v2, $0x3  }
0x125: {  	v3 =	vmul.u32 $0x140, v3  }
0x126: {  	v2 =	vand.u32 $0x7, v2  }
0x127: {  	v2 =	vor.u32 v2, v3  }
0x128: {  	v2 =	vperm.xlane v2, v0;
	_ =	sdelay $0x1  }
0x129: {  	v2 =	vadd.s32 v1, v2;
	_ =	sdelay $0x4  }
0x12a: {  	[tilespmem:s9], [sflag:$0x5] =	stream.indirect_vreg.gather [hbm4b:s13+s3], $0x80, v2, vm0, $0xb8;
	[tilespmem:$0x14100] =	vst v63  }
0x12b: {  	s9 =	simm.s32 $0xA900  }
0x12c: {  	[tilespmem:s9], [sflag:$0x5] =	stream.indirect_vreg.gather [hbm4b:s8+s3], $0x80, v2, vm0, $0xb8;
	[tilespmem:$0x14100] =	vst v63  }
0x12d: {  	s9 =	simm.s32 $0xB100  }
0x12e: {  	[tilespmem:s9], [sflag:$0x5] =	stream.indirect_vreg.gather [hbm4b:s2+s3], $0x80, v2, vm0, $0xb8;
	[tilespmem:$0x14100] =	vst v63  }
0x12f: {  	s9 =	simm.s32 $0xB900  }
0x130: {  	[tilespmem:s9], [sflag:$0x5] =	stream.indirect_vreg.gather [hbm4b:s15+s3], $0x80, v2, vm0, $0xb8;
	[tilespmem:$0x14100] =	vst v63  }
0x131: {  	s8 =	simm.s32 $0xC100;
	s9 =	simm.s32 $0xE  }
0x132: {  	[tilespmem:s8], [sflag:$0x5] =	stream.indirect_vreg.gather [hbm4b:s6+s3], $0x80, v2, vm0, $0xb8;
	[tilespmem:$0x14100] =	vst v63  }
0x133: {  	_ =	swait.ge [sflag:s9], $0x2800  }
0x134: {  	[sflag:s9] =	ssyncset.done $0x0  }
0x135: {  	[sflag:s9] =	ssyncadd.s32 $0xFFFFD800  }
0x136: {  	v2 =	vld.msk [tilespmem:s0+$0x0], $0xff;
	_ =	sdelay $0x4  }
0x137: {  	v3 =	vshrl.u32 v2, $0x3  }
0x138: {  	v3 =	vmul.u32 $0x140, v3  }
0x139: {  	v2 =	vand.u32 $0x7, v2  }
0x13a: {  	v2 =	vor.u32 v2, v3  }
0x13b: {  	v2 =	vperm.xlane v2, v0;
	_ =	sdelay $0x1  }
0x13c: {  	v2 =	vadd.s32 v1, v2;
	_ =	sdelay $0x4  }
0x13d: {  	[tilespmem:s28], [sflag:$0x6] =	stream.indirect_vreg.gather [hbm4b:s11+s3], $0x80, v2, vm0, $0xb8;
	[tilespmem:$0x14100] =	vst v63  }
0x13e: {  	s28 =	simm.s32 $0xD100  }
0x13f: {  	[tilespmem:s28], [sflag:$0x6] =	stream.indirect_vreg.gather [hbm4b:s4+s3], $0x80, v2, vm0, $0xb8;
	[tilespmem:$0x14100] =	vst v63  }
0x140: {  	s15 =	simm.s32 $0xD900  }
0x141: {  	[tilespmem:s15], [sflag:$0x6] =	stream.indirect_vreg.gather [hbm4b:s17+s3], $0x80, v2, vm0, $0xb8;
	[tilespmem:$0x14100] =	vst v63  }
0x142: {  	s4 =	simm.s32 $0xE100  }
0x143: {  	[tilespmem:s4], [sflag:$0x6] =	stream.indirect_vreg.gather [hbm4b:s24+s3], $0x80, v2, vm0, $0xb8;
	[tilespmem:$0x14100] =	vst v63  }
0x144: {  	s6 =	simm.s32 $0xE900;
	s8 =	simm.s32 $0xF  }
0x145: {  	[tilespmem:s6], [sflag:$0x6] =	stream.indirect_vreg.gather [hbm4b:s25+s3], $0x80, v2, vm0, $0xb8;
	[tilespmem:$0x14100] =	vst v63  }
0x146: {  	_ =	swait.ge [sflag:s8], $0x2800  }
0x147: {  	[sflag:s8] =	ssyncset.done $0x0  }
0x148: {  	[sflag:s8] =	ssyncadd.s32 $0xFFFFD800  }
0x149: {  	v2 =	vld.msk [tilespmem:s0+$0x0], $0xff;
	_ =	sdelay $0x4  }
0x14a: {  	v3 =	vshrl.u32 v2, $0x3  }
0x14b: {  	v3 =	vmul.u32 $0x140, v3  }
0x14c: {  	v2 =	vand.u32 $0x7, v2  }
0x14d: {  	v2 =	vor.u32 v2, v3  }
0x14e: {  	v2 =	vperm.xlane v2, v0;
	_ =	sdelay $0x1  }
0x14f: {  	v2 =	vadd.s32 v1, v2;
	_ =	sdelay $0x4  }
0x150: {  	[tilespmem:s7], [sflag:$0x7] =	stream.indirect_vreg.gather [hbm4b:s20+s3], $0x80, v2, vm0, $0xb8;
	[tilespmem:$0x14100] =	vst v63  }
0x151: {  	s11 =	simm.s32 $0xF900  }
0x152: {  	[tilespmem:s11], [sflag:$0x7] =	stream.indirect_vreg.gather [hbm4b:s29+s3], $0x80, v2, vm0, $0xb8;
	[tilespmem:$0x14100] =	vst v63  }
0x153: {  	s15 =	simm.s32 $0x10100  }
0x154: {  	[tilespmem:s15], [sflag:$0x7] =	stream.indirect_vreg.gather [hbm4b:s30+s3], $0x80, v2, vm0, $0xb8;
	[tilespmem:$0x14100] =	vst v63  }
0x155: {  	s17 =	simm.s32 $0x10900  }
0x156: {  	[tilespmem:s17], [sflag:$0x7] =	stream.indirect_vreg.gather [hbm4b:s31+s3], $0x80, v2, vm0, $0xb8;
	[tilespmem:$0x14100] =	vst v63  }
0x157: {  	s24 =	simm.s32 $0x10;
	s20 =	simm.s32 $0x11100  }
0x158: {  	[tilespmem:s20], [sflag:$0x7] =	stream.indirect_vreg.gather [hbm4b:s14+s3], $0x80, v2, vm0, $0xb8;
	[tilespmem:$0x14100] =	vst v63  }
0x159: {  	_ =	swait.ge [sflag:s24], $0x2800  }
0x15a: {  	[sflag:s24] =	ssyncset.done $0x0  }
0x15b: {  	[sflag:s24] =	ssyncadd.s32 $0xFFFFD800  }
0x15c: {  	v2 =	vld.msk [tilespmem:s0+$0x0], $0xff;
	_ =	sdelay $0x4  }
0x15d: {  	v3 =	vshrl.u32 v2, $0x3  }
0x15e: {  	v3 =	vmul.u32 $0x140, v3  }
0x15f: {  	v2 =	vand.u32 $0x7, v2  }
0x160: {  	v2 =	vor.u32 v2, v3  }
0x161: {  	v2 =	vperm.xlane v2, v0;
	_ =	sdelay $0x1  }
0x162: {  	v2 =	vadd.s32 v1, v2;
	_ =	sdelay $0x3  }
0x163: {  	s25 =	simm.s32 $0x11900  }
0x164: {  	[tilespmem:s25], [sflag:$0x8] =	stream.indirect_vreg.gather [hbm4b:s26+s3], $0x80, v2, vm0, $0xb8;
	[tilespmem:$0x14100] =	vst v63  }
0x165: {  	s26 =	simm.s32 $0x12100  }
0x166: {  	[tilespmem:s26], [sflag:$0x8] =	stream.indirect_vreg.gather [hbm4b:s10+s3], $0x80, v2, vm0, $0xb8;
	[tilespmem:$0x14100] =	vst v63  }
0x167: {  	p0 =	sne.s32 s12, $0x23000;
	s29 =	simm.s32 $0x12900  }
0x168: {  	[tilespmem:s29], [sflag:$0x8] =	stream.indirect_vreg.gather [hbm4b:s19+s3], $0x80, v2, vm0, $0xb8;
	[tilespmem:$0x14100] =	vst v63  }
.Ltmp0:
0x169: {  	s12 =	sadd.s32 $0x2800, s12;
	s5 =	simm.s32 $0xA100;
	(pc) =	sbr.rel @p0 .LBB2_2-.Ltmp0, $4  }
0x16a: {  	s9 =	simm.s32 $0xC900;
	s6 =	simm.s32 $0xF100;
	s30 =	simm.s32 $0x13100  }
0x16b: {  	[tilespmem:s30], [sflag:$0x8] =	stream.indirect_vreg.gather [hbm4b:s23+s3], $0x80, v2, vm0, $0xb8;
	[tilespmem:$0x14100] =	vst v63  }
0x16c: {  	s7 =	simm.s32 $0x11900;
	s31 =	simm.s32 $0x13900;
	s0 =	sadd.s32 $0x10, s0  }
0x16d: {  	[tilespmem:s31], [sflag:$0x8] =	stream.indirect_vreg.gather [hbm4b:s22+s3], $0x80, v2, vm0, $0xb8;
	[tilespmem:$0x14100] =	vst v63  }
0x16e: {  	s0 =	simm.s32 $0x1  }
0x16f: {  	_ =	swait.ge [sflag:s0], $0x2800  }
0x170: {  	s2 =	simm.s32 $0x100;
	[sflag:s0] =	ssyncset.done $0x0  }
0x171: {  	s14 =	simm.s32 $0x2;
	s12 =	rddreg [dreg:$0x6];
	[sflag:s0] =	ssyncadd.s32 $0xFFFFD800  }
0x172: {  	[hbm4b:s12+s3] =	stream.linear.scatter [tilespmem:s2], [sflag:$0x9], $0x2800, $0x38;
	[tilespmem:$0x14100] =	vst v63  }
0x173: {  	_ =	swait.ge [sflag:s14], $0x2800  }
0x174: {  	s17 =	simm.s32 $0x2900;
	[sflag:s14] =	ssyncset.done $0x0  }
0x175: {  	s19 =	simm.s32 $0x3;
	s15 =	rddreg [dreg:$0x7];
	[sflag:s14] =	ssyncadd.s32 $0xFFFFD800  }
0x176: {  	[hbm4b:s15+s3] =	stream.linear.scatter [tilespmem:s17], [sflag:$0xA], $0x2800, $0x38;
	[tilespmem:$0x14100] =	vst v63  }
0x177: {  	_ =	swait.ge [sflag:s19], $0x2800  }
0x178: {  	s22 =	simm.s32 $0x5100;
	[sflag:s19] =	ssyncset.done $0x0  }
0x179: {  	s23 =	simm.s32 $0x4;
	s20 =	rddreg [dreg:$0x8];
	[sflag:s19] =	ssyncadd.s32 $0xFFFFD800  }
0x17a: {  	[hbm4b:s20+s3] =	stream.linear.scatter [tilespmem:s22], [sflag:$0xB], $0x2800, $0x38;
	[tilespmem:$0x14100] =	vst v63  }
0x17b: {  	_ =	swait.ge [sflag:s23], $0x2800  }
0x17c: {  	s25 =	simm.s32 $0x7900;
	[sflag:s23] =	ssyncset.done $0x0  }
0x17d: {  	s26 =	simm.s32 $0x5;
	s24 =	rddreg [dreg:$0x9];
	[sflag:s23] =	ssyncadd.s32 $0xFFFFD800  }
0x17e: {  	[hbm4b:s24+s3] =	stream.linear.scatter [tilespmem:s25], [sflag:$0xC], $0x2800, $0x38;
	[tilespmem:$0x14100] =	vst v63  }
0x17f: {  	_ =	swait.ge [sflag:s26], $0x2800  }
0x180: {  	[sflag:s26] =	ssyncset.done $0x0  }
0x181: {  	s4 =	simm.s32 $0x6;
	s2 =	rddreg [dreg:$0xa];
	[sflag:s26] =	ssyncadd.s32 $0xFFFFD800  }
0x182: {  	[hbm4b:s2+s3] =	stream.linear.scatter [tilespmem:s5], [sflag:$0xD], $0x2800, $0x38;
	[tilespmem:$0x14100] =	vst v63  }
0x183: {  	_ =	swait.ge [sflag:s4], $0x2800  }
0x184: {  	[sflag:s4] =	ssyncset.done $0x0  }
0x185: {  	s10 =	simm.s32 $0x7;
	s8 =	rddreg [dreg:$0xb];
	[sflag:s4] =	ssyncadd.s32 $0xFFFFD800  }
0x186: {  	[hbm4b:s8+s3] =	stream.linear.scatter [tilespmem:s9], [sflag:$0xE], $0x2800, $0x38;
	[tilespmem:$0x14100] =	vst v63  }
0x187: {  	_ =	swait.ge [sflag:s10], $0x2800  }
0x188: {  	[sflag:s10] =	ssyncset.done $0x0  }
0x189: {  	s12 =	simm.s32 $0x8;
	s11 =	rddreg [dreg:$0xc];
	[sflag:s10] =	ssyncadd.s32 $0xFFFFD800  }
0x18a: {  	[hbm4b:s11+s3] =	stream.linear.scatter [tilespmem:s6], [sflag:$0xF], $0x2800, $0x38;
	[tilespmem:$0x14100] =	vst v63  }
0x18b: {  	_ =	swait.ge [sflag:s12], $0x2800  }
0x18c: {  	[sflag:s12] =	ssyncset.done $0x0  }
0x18d: {  	s15 =	simm.s32 $0x9;
	s14 =	rddreg [dreg:$0xd];
	[sflag:s12] =	ssyncadd.s32 $0xFFFFD800  }
0x18e: {  	[hbm4b:s14+s3] =	stream.linear.scatter [tilespmem:s7], [sflag:$0x10], $0x2800, $0x38;
	[tilespmem:$0x14100] =	vst v63  }
0x18f: {  	_ =	swait.ge [sflag:s15], $0x2800  }
0x190: {  	[sflag:s15] =	ssyncset.done $0x0  }
0x191: {  	s17 =	simm.s32 $0xA;
	[sflag:s15] =	ssyncadd.s32 $0xFFFFD800  }
0x192: {  	_ =	swait.ge [sflag:s17], $0x2800  }
0x193: {  	[sflag:s17] =	ssyncset.done $0x0  }
0x194: {  	s19 =	simm.s32 $0xB;
	[sflag:s17] =	ssyncadd.s32 $0xFFFFD800  }
0x195: {  	_ =	swait.ge [sflag:s19], $0x2800  }
0x196: {  	[sflag:s19] =	ssyncset.done $0x0  }
0x197: {  	s20 =	simm.s32 $0xC;
	[sflag:s19] =	ssyncadd.s32 $0xFFFFD800  }
0x198: {  	_ =	swait.ge [sflag:s20], $0x2800  }
0x199: {  	[sflag:s20] =	ssyncset.done $0x0  }
0x19a: {  	s22 =	simm.s32 $0xD;
	[sflag:s20] =	ssyncadd.s32 $0xFFFFD800  }
0x19b: {  	_ =	swait.ge [sflag:s22], $0x2800  }
0x19c: {  	[sflag:s22] =	ssyncset.done $0x0  }
0x19d: {  	s23 =	simm.s32 $0xE;
	[sflag:s22] =	ssyncadd.s32 $0xFFFFD800  }
0x19e: {  	_ =	swait.ge [sflag:s23], $0x2800  }
0x19f: {  	[sflag:s23] =	ssyncset.done $0x0  }
0x1a0: {  	s24 =	simm.s32 $0xF;
	[sflag:s23] =	ssyncadd.s32 $0xFFFFD800  }
0x1a1: {  	_ =	swait.ge [sflag:s24], $0x2800  }
0x1a2: {  	[sflag:s24] =	ssyncset.done $0x0  }
0x1a3: {  	s25 =	simm.s32 $0x10;
	[sflag:s24] =	ssyncadd.s32 $0xFFFFD800  }
0x1a4: {  	_ =	swait.ge [sflag:s25], $0x2800  }
0x1a5: {  	s11 =	rddreg [dreg:$0xf]  }
0x1a6: {  	s26 =	rddreg [dreg:$0xe]  }
0x1a7: {  	s31 =	rddreg [dreg:$0x13];
	s11 =	sadd.s32 $0x1, s11  }
0x1a8: {  	s2 =	simm.s32 $0x1900;
	s15 =	rddreg [dreg:$0x14];
	p0 =	sne.s32 s11, s26  }
.Ltmp1:
0x1a9: {  	s4 =	simm.s32 $0x2100;
	s20 =	rddreg [dreg:$0x10];
	(pc) =	sbr.rel @p0 .LBB2_1-.Ltmp1, $4  }
0x1aa: {  	s12 =	simm.s32 $0x3900;
	s17 =	simm.s32 $0x4100;
	s30 =	rddreg [dreg:$0x11]  }
0x1ab: {  	s19 =	simm.s32 $0x6100;
	[sflag:s25] =	ssyncset.done $0x0;
	s29 =	rddreg [dreg:$0x15]  }
0x1ac: {  	s22 =	simm.s32 $0x6900;
	[sflag:s25] =	ssyncadd.s32 $0xFFFFD800;
	s25 =	rddreg [dreg:$0x16]  }
0x1ad: {  	s23 =	simm.s32 $0x8100;
	s24 =	simm.s32 $0x4900;
	s26 =	rddreg [dreg:$0x12]  }
0x1ae: {  	_ =	sfence.sel $0x180000  }
0x1af: {  	[bflag:$0x0] =	sbarrier.arrive $0xFFFF  }
0x1b0: {  	_ =	strace $0x90000047  }
0x1b1: {  	s0 =	stileid.u32;
	[bflag:$0x2] =	sbarrier.arrive $0xFFFF  }
0x1b2: {  	p0 =	sne.s32 s0, $0x0;
	s0 =	rddreg [dreg:$0x3]  }
0x1b3: {  	s0 =	sadd.s32 @!p0 $0x100000, s0  }
0x1b4: {  	[sflag:s0] =	ssyncadd.tile.s32 @!p0 $0x1;
	_ =	shalt  }
.Lfunc_end2:
_tile_overlayer_lowered:
.L_overlay_start_2:
0x1b5: {  	(tag) =	ssettag $0x2  }
0x1b6: {  	s0 =	rddreg [dreg:$0x0];
	s2 =	stileid.u32  }
0x1b7: {  	s1 =	rddreg [dreg:$0x1];
	p0 =	sne.s32 s2, $0x0  }
0x1b8: {  	s3 =	rddreg [dreg:$0x2];
	[bflag:$0x3] =	sbarrier.arrive $0xFFFF;
	s2 =	simm.s32 @!p0 $0x1C11  }
0x1b9: {  	[timem:s3], [sflag:s2] =	dma.local @!p0 [hbm:s0], s1  }
0x1ba: {  	s0 =	simm.s32 @!p0 $0x11  }
0x1bb: {  	_ =	swait.ge @!p0 [sflag:s0], s1  }
0x1bc: {  	s1 =	ssub.s32 @!p0 $0x0, s1;
	[sflag:s0] =	ssyncset.done @!p0 $0x0  }
0x1bd: {  	[sflag:s0] =	ssyncadd.s32 @!p0 s1  }
0x1be: {  	[bflag:$0x3] =	sbarrier.arrive $0xFFFF  }
0x1bf: {  	_ =	shalt  }

// kernel: sparse-core-data-format-call.cloned.1.call-start
scs
called_computation_lowered:
.L_overlay_start_0:
0x0: {  	s2 =	sld [smem:$0x3FD9]  }
0x1: {  	s3 =	sld [smem:$0x3FFE];
	_ =	sdelay $0x1  }
0x2: {  	s1 =	srdreg.scid  }
0x3: {  	s0 =	sand.u32 $0x1, s1  }
0x4: {  	s18 =	sshll.u32 s0, $0xA;
	s2 =	sadd.s32 s3, s2  }
0x5: {  	s2 =	sadd.s32 s2, s18  }
0x6: {  	[smem:$0x3FC6] =	sst s2  }
0x7: {  	_ = 	snop  }
0x8: {  	s2 =	sld [smem:$0x3FD0];
	(tm) =	ssettm $0x1  }
0x9: {  	s19 =	sld [smem:$0x3FFB];
	_ =	sdelay $0x3  }
0xa: {  	_ =	strace s19  }
0xb: {  	s3 =	sld [smem:$0x3FFC];
	_ =	sdelay $0x3  }
0xc: {  	_ =	strace s3  }
0xd: {  	s3 =	sld [smem:$0x3FFD];
	_ =	sdelay $0x3  }
0xe: {  	_ =	strace s3  }
0xf: {  	_ =	strace $0x8FFFFFFF  }
0x10: {  	s20 =	sld [smem:$0x3FDB];
	_ =	sdelay $0x1  }
0x11: {  	s4 =	simm.s32 $_scs_section_size  }
0x12: {  	s5 =	simm.s32 $_size__tile_overlayer_lowered;
	s6 =	simm.s32 $_tile_overlayer_lowered  }
0x13: {  	s23 =	simm.s32 $0x1BFF;
	s22 =	sshll.u32 s6, $0x1;
	s3 =	sadd.s32 s4, s20  }
0x14: {  	s7 =	simm.s32 $0x0;
	s21 =	sshll.u32 s5, $0x1;
	s5 =	sadd.s32 s22, s3  }
0x15: {  	[timem:s7], [sflag:s23] =	dma.local [hbm:s5], s21  }
0x16: {  	_ =	swait.ge [sflag:s23], s21  }
0x17: {  	s4 =	ssub.s32 $0x0, s21;
	[sflag:s23] =	ssyncset.done $0x0  }
0x18: {  	[sflag:s23] =	ssyncadd.s32 s4;
	_ =	sdelay $0x1  }
0x19: {  	s24 =	simm.s32 $0x1B8B  }
0x1a: {  	_ =	swait.ge [sflag:s24], $0x1  }
0x1b: {  	[sflag:s24] =	ssyncset.done $0x0  }
0x1c: {  	s26 =	simm.s32 $0x1B8E;
	s25 =	sld [smem:$0x3FFE];
	[sflag:s24] =	ssyncadd.s32 $0xFFFFFFFF  }
0x1d: {  	s27 =	simm.s32 $execute0_lowered;
	[smem:$0x3FD2] =	sst s26  }
0x1e: {  	s5 =	sshll.u32 s27, $0x1;
	_ =	strace $0x80000049;
	[dreg:$0x1] =	wrdreg $0xFFFFFFFF  }
0x1f: {  	s28 =	simm.s32 $_size_execute0_lowered;
	s3 =	sadd.s32 s3, s5;
	[dreg:$0x0] =	wrdreg $0x0  }
0x20: {  	s5 =	sshll.u32 s28, $0x1;
	[dreg:$0x2] =	wrdreg s3  }
0x21: {  	[dreg:$0x3] =	wrdreg s5  }
0x22: {  	[dreg:$0x4] =	wrdreg $0xC0  }
0x23: {  	_ =	task [dreg:s7], $0x5FFFF  }
0x24: {  	[dreg:$0x1] =	wrdreg $0xFFFFFFFF  }
0x25: {  	[dreg:$0x0] =	wrdreg $0x60  }
0x26: {  	[dreg:$0x2] =	wrdreg s25  }
0x27: {  	[dreg:$0x3] =	wrdreg s2  }
0x28: {  	[dreg:$0x4] =	wrdreg $0x9  }
0x29: {  	_ =	task.clear_ibuf [dreg:s7], $0x5FFFF;
	_ =	strace $0x90000049  }
0x2a: {  	s29 =	simm.s32 $0x9;
	_ =	strace $0x8000004B  }
0x2b: {  	_ =	swait.ge [sflag:s29], $0x1  }
0x2c: {  	[sflag:s29] =	ssyncadd.s32 $0xFFFFFFFF  }
0x2d: {  	_ =	strace $0x9000004B  }
0x2e: {  	_ =	sfence  }
0x2f: {  	s30 =	sld [smem:$0x0];
	_ =	sdelay $0x2  }
0x30: {  	s31 =	sshll.u32 s1, $0xD;
	s1 =	sshrl.u32 s1, $0x2  }
0x31: {  	s3 =	sand.u32 $0x4000, s31;
	s1 =	sadd.s32 s1, s30  }
0x32: {  	s0 =	sor.u32 s3, s0;
	s1 =	sshll.u32 s1, $0x11  }
0x33: {  	s0 =	sor.u32 s1, s0  }
0x34: {  	s0 =	sadd.s32 $0x8F2B, s0  }
0x35: {  	[sflag:s0] =	ssyncadd.remote.s32 $0x1  }
0x36: {  	_ =	sfence.sel $0xFFFF  }
0x37: {  	[dreg:$0x0] =	wrdreg $0xFFFFFFFF;
	(pc) =	sbr.abs _section_cstart, $3  }
0x38: {  	[dreg:$0x1] =	wrdreg $0xFFFFFFFF  }
0x39: {  	_ =	task.clear_ibuf [dreg:s7], $0x2FFFF;
	_ =	strace $0x9FFFFFFF  }
0x3a: {  	(tm) =	ssettm $0x7FFFFFFF  }
0x3b: {  	_ =	shalt  }
tec
execute0_lowered:
.L_overlay_start_1:
0x0: {  	(tag) =	ssettag $0x1  }
0x1: {  	s0 =	stileid.u32;
	s5 =	rddreg [dreg:$0x0]  }
0x2: {  	s1 =	srdreg.scid;
	s3 =	rddreg [dreg:$0x1];
	s6 =	simm.s32 $0x1  }
0x3: {  	s8 =	simm.s32 $0x2;
	s2 =	sshll.u32 s0, $0x5;
	s1 =	sshll.u32 s1, $0x9  }
0x4: {  	s17 =	simm.s32 $0x0;
	s9 =	simm.s32 $0x4000;
	s1 =	sor.u32 s2, s1  }
0x5: {  	s18 =	simm.s32 $0x0;
	s19 =	simm.s32 $0x0;
	s2 =	sand.u32 $0x380, s1  }
0x6: {  	s10 =	simm.s32 $0x0;
	s11 =	simm.s32 $0x0;
	s4 =	ssub.s32 $0x800, s2  }
0x7: {  	s12 =	simm.s32 $0x0;
	s13 =	simm.s32 $0x0;
	s31 =	sand.u32 $0x380, s4  }
0x8: {  	s16 =	simm.s32 $0x0;
	s7 =	sand.u32 $0x3, s0;
	p0 =	sne.s32 s31, $0x0  }
.Ltmp0:
0x9: {  	s4 =	sshrl.u32 s4, $0xA;
	s6 =	simm.s32 @!p0 $0x0;
	(pc) =	sbr.rel .LBB1_1-.Ltmp0, $4  }
0xa: {  	s1 =	rddreg [dreg:$0x2];
	_ =	strace $0x8000004A;
	s6 =	sadd.s32 s6, s4  }
0xb: {  	s4 =	sadd.s32 $0x800, s5;
	s5 =	simm.s32 $0x1;
	s6 =	smul.u32 $0x28, s6  }
0xc: {  	s15 =	smov.u32 s7;
	s14 =	smov.u32 s2;
	[sflag:s5] =	ssyncpa.u1 $0x0  }
0xd: {  	p0 =	por $0x0, $0x0;
	[sflag:s8] =	ssyncpa.u1 $0x0;
	s8 =	sor.u32 $0x1, s6  }
.LBB1_4:
0xe: {  	s25 =	sshll.u32 s10, $0xB;
	s24 =	sshra.s32 s24, $0x2;
	s26 =	sshll.u32 s11, $0x3  }
0xf: {  	p1 =	sgt.s32 s12, $0x3;
	s27 =	smov.u32 s12;
	s28 =	sshra.s32 s12, $0x1F  }
0x10: {  	p2 =	sgt.s32 s11, $0x780;
	s30 =	sshra.s32 s11, $0x1F;
	s25 =	sand.u32 $0xFFFFC000, s25  }
0x11: {  	s29 =	sand.u32 $0xFFFFFC00, s26;
	s27 =	simm.s32 @!p1 $0x3;
	s28 =	sand.u32 s28, s12  }
0x12: {  	s23 =	sadd.s32 s24, s23;
	s31 =	sand.u32 s30, s11;
	s30 =	sshra.s32 s10, $0x1F  }
0x13: {  	s24 =	sadd.s32 s29, s25;
	s25 =	ssub.s32 s27, s28;
	s28 =	smov.u32 s11  }
0x14: {  	[tilespmem:s22+$0x2040 ss:$0x81] =	vst.msk $0xffff, v4;
	s29 =	smov.u32 s10;
	s27 =	sadd.s32 $0xFFFFFFFD, s25;
	s28 =	simm.s32 @!p2 $0x780  }
0x15: {  	[tilespmem:s22+$0x2850 ss:$0x81] =	vst.msk $0xffff, v3;
	p2 =	sgt.s32 s10, $0x1308;
	s24 =	sshrl.u32 s24, $0xB;
	p1 =	sgt.s32 s27, $0x0  }
0x16: {  	v5 =	vld [tilespmem:s21+$0xFFFFFFD0];
	[tilespmem:s22+$0x3060 ss:$0x81] =	vst.msk $0xffff, v2;
	s27 =	ssub.s32 s28, s31;
	s29 =	simm.s32 @!p2 $0x1308;
	s28 =	sand.u32 s30, s10  }
0x17: {  	v58 =	vld [tilespmem:s21+$0xFFFFFFE0];
	[tilespmem:s22+$0x0 ss:$0x81] =	vst.msk $0xffff, v0;
	s25 =	ssub.s32 $0x4, s25;
	s22 =	smulhi.u32 $0x1A36E3, s24;
	s28 =	ssub.s32 s29, s28  }
0x18: {  	v59 =	vld [tilespmem:s21+$0xFFFFFFF0];
	s31 =	sadd.s32 $0xFFFFF880, s27;
	s25 =	simm.s32 @p1 $0x0;
	s27 =	ssub.s32 $0x800, s27  }
0x19: {  	v60 =	vld [tilespmem:s21+$0x0];
	p1 =	sgt.s32 s31, $0x7F;
	s30 =	sadd.s32 $0xFFFFECF8, s28;
	s31 =	sshll.u32 s10, $0x7  }
0x1a: {  	v61 =	vld [tilespmem:s21+$0x10];
	[tilespmem:s23+$0x3870 ss:$0x81] =	vst.msk $0xffff, v1;
	s22 =	sshrl.u32 s22, $0x1;
	s27 =	simm.s32 @p1 $0x0;
	p1 =	sgt.s32 s30, $0x7F  }
0x1b: {  	v62 =	vld [tilespmem:s21+$0x20];
	[tilespmem:s23+$0x810 ss:$0x81] =	vst.msk $0xffff, v5;
	s30 =	sand.u32 $0x78, s11;
	s29 =	sand.u32 $0x380, s31;
	s22 =	smul.u32 $0x1388, s22  }
0x1c: {  	v63 =	vld [tilespmem:s21+$0xFFFFFFC0];
	[tilespmem:s23+$0x1020 ss:$0x81] =	vst.msk $0xffff, v58;
	s31 =	sand.u32 $0x400, s26;
	s26 =	ssub.s32 $0x1388, s28;
	s25 =	smul.u32 s25, s27  }
0x1d: {  	[tilespmem:s23+$0x1830 ss:$0x81] =	vst.msk $0xffff, v59;
	s28 =	sand.u32 $0x7, s11;
	s21 =	sor.u32 s30, s31;
	s30 =	smul.u32 $0x138800, s12  }
0x1e: {  	[tilespmem:s23+$0x2040 ss:$0x81] =	vst.msk $0xffff, v60;
	s26 =	simm.s32 @p1 $0x0;
	s21 =	sor.u32 s29, s21;
	s22 =	ssub.s32 s24, s22  }
0x1f: {  	[tilespmem:s23+$0x2850 ss:$0x81] =	vst.msk $0xffff, v61;
	s31 =	smul.u32 s26, s25;
	s21 =	sshrl.u32 s21, $0x3;
	s27 =	sadd.s32 s3, s30  }
0x20: {  	[tilespmem:s23+$0x3060 ss:$0x81] =	vst.msk $0xffff, v62;
	s29 =	sshll.u32 s28, $0x12;
	s22 =	sshll.u32 s22, $0x8;
	s21 =	sadd.s32 s21, s27  }
0x21: {  	[tilespmem:s23+$0x0 ss:$0x81] =	vst.msk $0xffff, v63;
	s30 =	sand.u32 $0x3FFFFFFF, s31;
	s21 =	sadd.s32 s22, s21;
	s31 =	sor.u32 $0x400, s29  }
0x22: {  	[hbm4b:s21+s31] =	stream.strided.scatter [tilespmem:s20], [sflag:$0x2], s30, s9, s31, $0x20;
	[tilespmem:$0x10100] =	vst v63  }
.LBB1_5:
0x23: {  	p1 =	slt.u32 s16, $0x2  }
0x24: {  	p2 =	sgt.s32 @!p1 s19, $0x3  }
0x25: {  	s20 =	smov.u32 s19;
	s21 =	sshra.s32 @!p1 s19, $0x1F;
	p2 =	por !p2, p1  }
0x26: {  	s19 =	sand.u32 @!p1 s21, s19;
	s20 =	simm.s32 @p2 $0x3  }
0x27: {  	p3 =	sgt.s32 @!p1 s18, $0x780;
	s19 =	ssub.s32 @!p1 s20, s19  }
0x28: {  	p3 =	por !p3, p1;
	s21 =	sshra.s32 @!p1 s18, $0x1F;
	s20 =	sadd.s32 @!p1 $0xFFFFFFFD, s19  }
0x29: {  	s19 =	ssub.s32 @!p1 $0x4, s19;
	p2 =	sgt.s32 @!p1 s20, $0x0;
	s20 =	smov.u32 s18  }
0x2a: {  	s18 =	sand.u32 @!p1 s21, s18;
	s20 =	simm.s32 @p3 $0x780;
	p3 =	sgt.s32 @!p1 s17, $0x1308  }
0x2b: {  	s21 =	smov.u32 s17;
	p2 =	por !p2, p1;
	p3 =	por !p3, p1  }
0x2c: {  	s18 =	ssub.s32 @!p1 s20, s18;
	s20 =	sshra.s32 @!p1 s17, $0x1F;
	s19 =	simm.s32 @!p2 $0x0  }
0x2d: {  	s21 =	simm.s32 @p3 $0x1308;
	s17 =	sand.u32 @!p1 s20, s17;
	s20 =	sadd.s32 @!p1 $0xFFFFF880, s18  }
0x2e: {  	s18 =	ssub.s32 @!p1 $0x800, s18;
	s17 =	ssub.s32 @!p1 s21, s17;
	p2 =	sgt.s32 @!p1 s20, $0x7F  }
0x2f: {  	s21 =	smov.u32 s14;
	s20 =	sadd.s32 @!p1 $0xFFFFECF8, s17;
	p2 =	por !p2, p1  }
0x30: {  	s17 =	ssub.s32 @!p1 $0x1388, s17;
	p3 =	sgt.s32 @!p1 s20, $0x7F;
	s18 =	simm.s32 @!p2 $0x0  }
0x31: {  	s20 =	sadd.s32 $0x80, s13;
	p2 =	por !p3, p1;
	s18 =	smul.u32 @!p1 s19, s18  }
0x32: {  	s19 =	sadd.s32 $0x400, s14;
	s17 =	simm.s32 @!p2 $0x0;
	p2 =	sgt.s32 s20, $0x1387  }
0x33: {  	s22 =	smov.u32 s15;
	s21 =	smov.u32 @p2 s19  }
0x34: {  	s17 =	smul.u32 @!p1 s17, s18;
	s18 =	sadd.s32 $0x4, s15;
	p3 =	sgt.s32 s21, $0x7FF  }
0x35: {  	p0 =	por !p0, !p0;
	s23 =	simm.s32 @!p1 $0x2;
	s22 =	smov.u32 @p3 s18  }
0x36: {  	s20 =	simm.s32 @p2 $0x0;
	s19 =	smov.u32 s12;
	p2 =	sgt.s32 s22, $0x3  }
0x37: {  	s12 =	smov.u32 s15;
	s22 =	smov.u32 @p2 s7;
	p2 =	sne.s32 s16, s8  }
.Ltmp1:
0x38: {  	s17 =	sand.u32 @!p1 $0x3FFFFFFF, s17;
	s21 =	smov.u32 @p3 s2;
	(pc) =	sbr.rel @!p2 .LBB1_6-.Ltmp1, $4  }
0x39: {  	s18 =	smov.u32 s11;
	s11 =	smov.u32 s14;
	_ =	swait.ge @!p1 [sflag:s23], s17  }
0x3a: {  	s24 =	ssub.s32 @!p1 $0x0, s17;
	s17 =	smov.u32 s10;
	s10 =	smov.u32 s13  }
0x3b: {  	s13 =	smov.u32 s20;
	s14 =	smov.u32 s21;
	[sflag:s23] =	ssyncset.done @!p1 $0x0  }
0x3c: {  	s16 =	sadd.s32 $0x1, s16;
	[sflag:s23] =	ssyncadd.s32 @!p1 s24;
	s15 =	smov.u32 s22  }
.LBB1_1:
0x3d: {  	p1 =	sge.u32 s16, s6  }
0x3e: {  	s20 =	sshrl.u32 @!p1 s14, $0x3  }
0x3f: {  	s21 =	sshll.u32 @!p1 s13, $0x3;
	s22 =	sshll.u32 @!p1 s14, $0x7;
	s20 =	smul.u32 @!p1 $0xA000, s20  }
0x40: {  	s23 =	sand.u32 @!p1 $0x7F, s13;
	s21 =	sand.u32 @!p1 $0xFFFFFC00, s21;
	s22 =	sand.u32 @!p1 $0x380, s22  }
0x41: {  	s20 =	sadd.s32 @!p1 s20, s21;
	s21 =	sor.u32 @!p1 s23, s22  }
0x42: {  	s21 =	sor.u32 @!p1 s20, s21  }
0x43: {  	s22 =	smulhi.u32 @!p1 $0xCCCCCCCD, s21  }
0x44: {  	s20 =	smulhi.u32 @!p1 $0xCCCCCCCD, s20  }
0x45: {  	s22 =	sshrl.u32 @!p1 s22, $0xC  }
0x46: {  	s31 =	sadd.s32 $0xFFFFFFFF, s16;
	s20 =	sshrl.u32 @!p1 s20, $0xC;
	s22 =	smul.u32 @!p1 $0x1400, s22  }
0x47: {  	s24 =	smul.u32 @!p1 $0x140000, s15;
	s23 =	sxor.u32 @!p1 $0xFFFFFFFF, s16;
	s20 =	sand.u32 @!p1 $0x7FF, s20  }
0x48: {  	s23 =	sshll.u32 @!p1 s23, $0xE;
	s20 =	smul.u32 @!p1 $0x280, s20;
	s21 =	ssub.s32 @!p1 s21, s22  }
0x49: {  	s22 =	sand.u32 @!p1 $0x4000, s23;
	s23 =	sadd.s32 @!p1 s4, s24;
	s24 =	sand.u32 @!p1 $0x7, s21  }
0x4a: {  	s21 =	sshrl.u32 @!p1 s21, $0x3;
	s20 =	sadd.s32 @!p1 s20, s23;
	s23 =	sshll.u32 @!p1 s24, $0x12  }
0x4b: {  	s20 =	sadd.s32 @!p1 s21, s20;
	s21 =	sor.u32 @!p1 $0x400, s23;
	s23 =	simm.s32 @!p1 $0xA000  }
0x4c: {  	[tilespmem:s22], [sflag:$0x1] =	stream.strided.gather @!p1 [hbm4b:s20+s21], $0x4000, s23, s21, $0x38;
	[tilespmem:$0x10100] =	vst v63  }
0x4d: {  	p1 =	sge.u32 s31, s6  }
.Ltmp2:
0x4e: {  	_ = 	snop;
	(pc) =	sbr.rel @p1 .LBB1_5-.Ltmp2, $1  }
0x4f: {  	_ =	sdelay $0x3  }
0x50: {  	s20 =	simm.s32 $0x1  }
0x51: {  	_ =	swait.ge [sflag:s5], $0x4000;
	s20 =	simm.s32 @!p0 $0x0  }
0x52: {  	[sflag:s5] =	ssyncset.done $0x0;
	s21 =	sshll.u32 s20, $0xE  }
0x53: {  	[sflag:s5] =	ssyncadd.s32 $0xFFFFC000;
	s21 =	sor.u32 $0x40, s21  }
0x54: {  	s20 =	smul.u32 $0x10200, s20;
	v0 =	vld [tilespmem:s21+$0x30]  }
0x55: {  	v1 =	vld [tilespmem:s21+$0xFFFFFFD0]  }
0x56: {  	s20 =	sshrl.u32 s20, $0x2;
	v5 =	vld [tilespmem:s21+$0xFFFFFFE0]  }
0x57: {  	v6 =	vld [tilespmem:s21+$0xFFFFFFF0];
	s23 =	sor.u32 $0x8000, s20  }
0x58: {  	s31 =	sand.u32 $0x1, s16;
	v4 =	vld [tilespmem:s21+$0x0];
	s22 =	sadd.s32 $0x0, s23  }
0x59: {  	v3 =	vld [tilespmem:s21+$0x10];
	s20 =	smul.u32 $0x10200, s31;
	[tilespmem:s22+$0x3870 ss:$0x81] =	vst.msk $0xffff, v0  }
0x5a: {  	v2 =	vld [tilespmem:s21+$0x20];
	[tilespmem:s22+$0x810 ss:$0x81] =	vst.msk $0xffff, v1  }
0x5b: {  	s20 =	sshrl.u32 s20, $0x2;
	v0 =	vld [tilespmem:s21+$0xFFFFFFC0];
	[tilespmem:s22+$0x1020 ss:$0x81] =	vst.msk $0xffff, v5;
	s21 =	sadd.s32 $0x80, s21  }
0x5c: {  	s24 =	simm.s32 $0x4;
	s25 =	simm.s32 $0x8;
	s20 =	sor.u32 $0x8000, s20;
	[tilespmem:s22+$0x1830 ss:$0x81] =	vst.msk $0xffff, v6;
	v1 =	vld [tilespmem:s21+$0x30]  }
.LBB1_3:
0x5d: {  	p1 =	sne.s32 s25, $0x1FC;
	v5 =	vld [tilespmem:s21+$0xFFFFFFD0];
	[tilespmem:s22+$0x2040 ss:$0x81] =	vst.msk $0xffff, v4  }
0x5e: {  	v6 =	vld [tilespmem:s21+$0xFFFFFFE0];
	[tilespmem:s22+$0x2850 ss:$0x81] =	vst.msk $0xffff, v3  }
0x5f: {  	s26 =	sshra.s32 s24, $0x2;
	s24 =	smov.u32 s25;
	v7 =	vld [tilespmem:s21+$0xFFFFFFF0];
	[tilespmem:s22+$0x3060 ss:$0x81] =	vst.msk $0xffff, v2  }
.Ltmp3:
0x60: {  	v4 =	vld [tilespmem:s21+$0x0];
	[tilespmem:s22+$0x0 ss:$0x81] =	vst.msk $0xffff, v0;
	s22 =	sadd.s32 s26, s23;
	(pc) =	sbr.rel @p1 .LBB1_3-.Ltmp3, $4  }
0x61: {  	v3 =	vld [tilespmem:s21+$0x10];
	[tilespmem:s22+$0x3870 ss:$0x81] =	vst.msk $0xffff, v1  }
0x62: {  	[tilespmem:s22+$0x810 ss:$0x81] =	vst.msk $0xffff, v5;
	v2 =	vld [tilespmem:s21+$0x20]  }
0x63: {  	v0 =	vld [tilespmem:s21+$0xFFFFFFC0];
	[tilespmem:s22+$0x1020 ss:$0x81] =	vst.msk $0xffff, v6;
	s21 =	sadd.s32 $0x80, s21  }
0x64: {  	s25 =	sadd.s32 $0x4, s25;
	v1 =	vld [tilespmem:s21+$0x30];
	[tilespmem:s22+$0x1830 ss:$0x81] =	vst.msk $0xffff, v7  }
.Ltmp4:
0x65: {  	_ = 	snop;
	(pc) =	sbr.rel .LBB1_4-.Ltmp4, $1  }
0x66: {  	_ =	sdelay $0x3  }
.LBB1_6:
0x67: {  	_ =	sfence.sel $0x180000  }
0x68: {  	s2 =	simm.s32 $0x1;
	[bflag:$0x0] =	sbarrier.arrive $0xFFFF  }
0x69: {  	s31 =	simm.s32 $0x2;
	[sflag:s2] =	ssyncpa.u1 $0x1  }
0x6a: {  	[sflag:s31] =	ssyncpa.u1 $0x1  }
0x6b: {  	p0 =	sne.s32 s0, $0x0;
	_ =	strace $0x9000004A  }
0x6c: {  	s0 =	sadd.s32 @!p0 $0x100000, s1;
	[bflag:$0x2] =	sbarrier.arrive $0xFFFF  }
0x6d: {  	[sflag:s0] =	ssyncadd.tile.s32 @!p0 $0x1;
	_ =	shalt  }
.Lfunc_end1:
_tile_overlayer_lowered:
.L_overlay_start_2:
0x6e: {  	(tag) =	ssettag $0x2  }
0x6f: {  	s0 =	rddreg [dreg:$0x0];
	s2 =	stileid.u32  }
0x70: {  	s1 =	rddreg [dreg:$0x1];
	p0 =	sne.s32 s2, $0x0  }
0x71: {  	s3 =	rddreg [dreg:$0x2];
	[bflag:$0x3] =	sbarrier.arrive $0xFFFF;
	s2 =	simm.s32 @!p0 $0x1C01  }
0x72: {  	[timem:s3], [sflag:s2] =	dma.local @!p0 [hbm:s0], s1  }
0x73: {  	s0 =	simm.s32 @!p0 $0x1  }
0x74: {  	_ =	swait.ge @!p0 [sflag:s0], s1  }
0x75: {  	s1 =	ssub.s32 @!p0 $0x0, s1;
	[sflag:s0] =	ssyncset.done @!p0 $0x0  }
0x76: {  	[sflag:s0] =	ssyncadd.s32 @!p0 s1  }
0x77: {  	[bflag:$0x3] =	sbarrier.arrive $0xFFFF  }
0x78: {  	_ =	shalt  }

</sc_bundles>
